<compile_context>
chip_gen: v7x
topology: tpu7x:2x2x1
jax: 0.10.2.dev20260603
libtpu: 0.0.44.dev20260713+nightly
codegen_flags: <defaults>
</compile_context>

<pallas_src>
import functools

import jax
import jax.numpy as jnp
from jax import lax
from jax.experimental import pallas as pl
from jax.experimental.pallas import tpu as pltpu
from jax.experimental.pallas import tpu_sc as plsc

_D = 4096
_C = 8
_NBUF = 2
_L = 16
_QUNROLL = 8


@functools.lru_cache(maxsize=None)
def _make_sc_lookup(B: int):
    info = plsc.get_sparse_core_info()
    nw = info.num_cores * info.num_subcores
    assert B % (8 * nw) == 0
    b_per_w = B // nw
    assert b_per_w % _C == 0
    n_chunks = b_per_w // _C
    assert n_chunks % _NBUF == 0 and n_chunks >= 2 * _NBUF
    n_q = _D // _L
    mesh = plsc.VectorSubcoreMesh(core_axis_name="c", subcore_axis_name="s")

    @functools.partial(
        pl.kernel,
        mesh=mesh,
        out_type=jax.ShapeDtypeStruct((B, _D), jnp.float32),
        scratch_types=(
            [pltpu.VMEM((b_per_w + _L,), jnp.int32),
             pltpu.VMEM((2, _D), jnp.float32)]
            + [pltpu.VMEM((_C, _D), jnp.float32)] * _NBUF
            + [pltpu.SemaphoreType.DMA] * _NBUF
        ),
    )
    def lookup(table_hbm, idx_hbm, out_hbm, idx_v, w_v, *bufs_sems):
        bufs = bufs_sems[:_NBUF]
        psems = bufs_sems[_NBUF:]
        wid = lax.axis_index("s") * info.num_cores + lax.axis_index("c")
        base = wid * b_per_w
        pltpu.sync_copy(idx_hbm.at[pl.ds(base, b_per_w)],
                        idx_v.at[pl.ds(0, b_per_w)])
        pltpu.sync_copy(table_hbm, w_v)

        def put_desc(c, p):
            return pltpu.make_async_copy(
                bufs[p], out_hbm.at[pl.ds(base + c * _C, _C)], psems[p])

        def step(c, p):
            @pl.when(c >= _NBUF)
            def _():
                put_desc(c - _NBUF, p).wait()

            v16 = idx_v[pl.ds(c * _C, _L)]
            m1s, m0s = [], []
            for r in range(_C):
                s = jnp.squeeze(lax.slice(v16, (r,), (r + 1,)))
                m1 = jnp.zeros((_L,), jnp.int32) - s
                m1s.append(m1)
                m0s.append(~m1)

            def build(q, carry):
                w0q = lax.bitcast_convert_type(
                    w_v[0, pl.ds(q * _L, _L)], jnp.int32)
                w1q = lax.bitcast_convert_type(
                    w_v[1, pl.ds(q * _L, _L)], jnp.int32)
                for r in range(_C):
                    sel = (w0q & m0s[r]) | (w1q & m1s[r])
                    bufs[p][r, pl.ds(q * _L, _L)] = lax.bitcast_convert_type(
                        sel, jnp.float32)
                return carry

            lax.fori_loop(0, n_q, build, 0, unroll=_QUNROLL)
            put_desc(c, p).start()

        def body(j2, carry):
            for p in range(_NBUF):
                step(j2 * _NBUF + p, p)
            return carry

        lax.fori_loop(0, n_chunks // _NBUF, body, 0, unroll=False)
        for k in range(_NBUF):
            put_desc(n_chunks - _NBUF + k, k).wait()

    return lookup


def kernel(x, emb_weight):
    b, s = x.shape
    idx = x.reshape(-1).astype(jnp.int32)
    out = _make_sc_lookup(b * s)(emb_weight, idx)
    return out.reshape(b, s, _D)

# --- scband reference (transcript-rebuilt; emitter-appended) ---
"""Pipeline reference for scband-encoder-26379689132284 (READ-ONLY COPY).

The authoritative reference and input builder live on the scoring server;
editing this copy changes nothing except your own understanding.
"""

import jax, jax.numpy as jnp
import numpy as np

n_vocab = 2
dim_model = 4096

def setup_inputs(seed: int = 0) -> dict:
    key = jax.random.key(seed)
    k1, k2 = jax.random.split(key)
    x = jax.random.randint(k1, (4, 8192), 0, n_vocab, dtype=jnp.int64 if jax.config.jax_enable_x64 else jnp.int32)
    emb_weight = jax.random.normal(k2, (n_vocab, dim_model), dtype=jnp.float32) * 0.001
    return {"x": x, "emb_weight": emb_weight}

def reference(x, emb_weight):
    # Faithful translation of nn.Embedding forward: gather rows of the table by index
    return jnp.take(emb_weight, x, axis=0)

if __name__ == "__main__":
    import jax
    _d = setup_inputs()
    print(jax.jit(kernel)(*tuple(_d.values())))

</pallas_src>

<mosaic_0001>
#map = affine_map<(d0, d1) -> (0, 0)>
#map1 = affine_map<(d0, d1) -> (0)>
module attributes {stable_mosaic.version = 14 : i64} {
  func.func @lookup(%arg0: i32, %arg1: i32, %arg2: memref<2x4096xf32, #tpu.memory_space<hbm>>, %arg3: memref<32768xi32, #tpu.memory_space<hbm>>, %arg4: memref<32768x4096xf32, #tpu.memory_space<hbm>>, %arg5: memref<1040xi32, #tpu.memory_space<vmem>>, %arg6: memref<2x4096xf32, #tpu.memory_space<vmem>>, %arg7: memref<8x4096xf32, #tpu.memory_space<vmem>>, %arg8: memref<8x4096xf32, #tpu.memory_space<vmem>>, %arg9: memref<!tpu.dma_semaphore, #tpu.memory_space<semaphore_mem>>, %arg10: memref<!tpu.dma_semaphore, #tpu.memory_space<semaphore_mem>>) attributes {dimension_semantics = [#tpu.dimension_semantics<core_parallel>, #tpu.dimension_semantics<subcore_parallel>], iteration_bounds = array<i64: 2, 16>, scalar_prefetch = 0 : i64, scratch_operands = 6 : i64, tpu.core_type = #tpu.core_type<sc_vector_subcore>, window_params = [{transform_indices = #map}, {transform_indices = #map1}, {transform_indices = #map}]} {
    %mul3A = arith.constant 2 : i32
    %mul3A_0 = arith.muli %arg1, %mul3A : i32
    %add3A = arith.addi %mul3A_0, %arg0 : i32
    %mul3A_1 = arith.constant 1024 : i32
    %mul3A_2 = arith.muli %add3A, %mul3A_1 : i32
    "tpu.region"() ({
      %run_scoped3A = tpu.sem_alloc : memref<!tpu.dma_semaphore, #tpu.memory_space<semaphore_mem>>
      %dma_start3A = arith.constant 0 : i32
      %dma_start3A_19 = tpu.memref_slice %arg5[%dma_start3A] : memref<1040xi32, #tpu.memory_space<vmem>> -> memref<1024xi32, #tpu.memory_space<vmem>>
      %dma_start3A_20 = tpu.memref_slice %arg3[%mul3A_2] : memref<32768xi32, #tpu.memory_space<hbm>> -> memref<1024xi32, #tpu.memory_space<hbm>>
      %dma_start3A_21 = arith.constant 0 : i32
      %dma_start3A_22 = tpu.memref_slice %arg5[%dma_start3A_21] : memref<1040xi32, #tpu.memory_space<vmem>> -> memref<1024xi32, #tpu.memory_space<vmem>>
      %dma_start3A_23 = tpu.memref_slice %arg3[%mul3A_2] : memref<32768xi32, #tpu.memory_space<hbm>> -> memref<1024xi32, #tpu.memory_space<hbm>>
      tpu.enqueue_dma source(%dma_start3A_23 : memref<1024xi32, #tpu.memory_space<hbm>>) target(%dma_start3A_22 : memref<1024xi32, #tpu.memory_space<vmem>>) target_semaphore(%run_scoped3A : memref<!tpu.dma_semaphore, #tpu.memory_space<semaphore_mem>>)
      %dma_wait3A_24 = arith.constant 0 : i32
      %dma_wait3A_25 = tpu.memref_slice %arg5[%dma_wait3A_24] : memref<1040xi32, #tpu.memory_space<vmem>> -> memref<1024xi32, #tpu.memory_space<vmem>>
      %dma_wait3A_26 = tpu.memref_slice %arg3[%mul3A_2] : memref<32768xi32, #tpu.memory_space<hbm>> -> memref<1024xi32, #tpu.memory_space<hbm>>
      %dma_wait3A_27 = arith.constant 0 : i32
      %dma_wait3A_28 = tpu.memref_slice %arg5[%dma_wait3A_27] : memref<1040xi32, #tpu.memory_space<vmem>> -> memref<1024xi32, #tpu.memory_space<vmem>>
      %dma_wait3A_29 = tpu.memref_slice %arg3[%mul3A_2] : memref<32768xi32, #tpu.memory_space<hbm>> -> memref<1024xi32, #tpu.memory_space<hbm>>
      tpu.wait_dma2 semaphore(%run_scoped3A : memref<!tpu.dma_semaphore, #tpu.memory_space<semaphore_mem>>) src(%dma_wait3A_29 : memref<1024xi32, #tpu.memory_space<hbm>>) dst(%dma_wait3A_28 : memref<1024xi32, #tpu.memory_space<vmem>>)
      tpu.yield
    }) : () -> ()
    "tpu.region"() ({
      %run_scoped3A = tpu.sem_alloc : memref<!tpu.dma_semaphore, #tpu.memory_space<semaphore_mem>>
      tpu.enqueue_dma source(%arg2 : memref<2x4096xf32, #tpu.memory_space<hbm>>) target(%arg6 : memref<2x4096xf32, #tpu.memory_space<vmem>>) target_semaphore(%run_scoped3A : memref<!tpu.dma_semaphore, #tpu.memory_space<semaphore_mem>>)
      tpu.wait_dma2 semaphore(%run_scoped3A : memref<!tpu.dma_semaphore, #tpu.memory_space<semaphore_mem>>) src(%arg2 : memref<2x4096xf32, #tpu.memory_space<hbm>>) dst(%arg6 : memref<2x4096xf32, #tpu.memory_space<vmem>>)
      tpu.yield
    }) : () -> ()
    %scan3A = arith.constant 0 : i32
    %scan3A_3 = arith.constant 0 : i32
    %scan3A_4 = arith.constant 64 : i32
    %scan3A_5 = arith.addi %scan3A_3, %scan3A_4 : i32
    %scan3A_6 = arith.constant 1 : i32
    scf.for %scan3A_19 = %scan3A_3 to %scan3A_5 step %scan3A_6  : i32 {
      %mul3A_20 = arith.constant 2 : i32
      %mul3A_21 = arith.muli %scan3A_19, %mul3A_20 : i32
      %add3A_22 = arith.constant 0 : i32
      %add3A_23 = arith.addi %mul3A_21, %add3A_22 : i32
      %ge3A = arith.constant 2 : i32
      %ge3A_24 = arith.cmpi sge, %add3A_23, %ge3A : i32
      %convert_element_type3A = arith.extui %ge3A_24 : i1 to i32
      %cond3A = arith.constant 0 : i32
      %cond3A_25 = arith.cmpi ne, %convert_element_type3A, %cond3A : i32
      scf.if %cond3A_25 {
        %sub3A_192 = arith.constant 2 : i32
        %sub3A_193 = arith.subi %add3A_23, %sub3A_192 : i32
        %mul3A_194 = arith.constant 8 : i32
        %mul3A_195 = arith.muli %sub3A_193, %mul3A_194 : i32
        %add3A_196 = arith.addi %mul3A_2, %mul3A_195 : i32
        %dma_wait3A_197 = arith.constant 0 : i32
        %dma_wait3A_198 = tpu.memref_slice %arg4[%add3A_196, %dma_wait3A_197] : memref<32768x4096xf32, #tpu.memory_space<hbm>> -> memref<8x4096xf32, #tpu.memory_space<hbm>>
        %dma_wait3A_199 = arith.constant 0 : i32
        %dma_wait3A_200 = tpu.memref_slice %arg4[%add3A_196, %dma_wait3A_199] : memref<32768x4096xf32, #tpu.memory_space<hbm>> -> memref<8x4096xf32, #tpu.memory_space<hbm>>
        tpu.wait_dma2 semaphore(%arg9 : memref<!tpu.dma_semaphore, #tpu.memory_space<semaphore_mem>>) src(%arg7 : memref<8x4096xf32, #tpu.memory_space<vmem>>) dst(%dma_wait3A_200 : memref<8x4096xf32, #tpu.memory_space<hbm>>)
      } else {
      }
      %mul3A_26 = arith.constant 8 : i32
      %mul3A_27 = arith.muli %add3A_23, %mul3A_26 : i32
      %get3A = arith.index_cast %mul3A_27 : i32 to index
      %get3A_28 = tpu.vector_load %arg5[%get3A] {strides = array<i32>} : memref<1040xi32, #tpu.memory_space<vmem>>, vector<16xi32>,
      %get3A_29 = vector.shape_cast %get3A_28 : vector<16xi32> to vector<16xi32>
      %slice3A = vector.extract_strided_slice %get3A_29 {offsets = [0], sizes = [1], strides = [1]} : vector<16xi32> to vector<1xi32>
      %squeeze3A = vector.extract %slice3A[0] : i32 from vector<1xi32>
      %broadcast_in_dim3A = arith.constant 0 : i32
      %broadcast_in_dim3A_30 = vector.broadcast %broadcast_in_dim3A : i32 to vector<16xi32>
      %sub3A = vector.broadcast %squeeze3A : i32 to vector<16xi32>
      %sub3A_31 = arith.subi %broadcast_in_dim3A_30, %sub3A : vector<16xi32>
      %not3A = arith.constant dense<-1> : vector<16xi32>
      %not3A_32 = arith.xori %sub3A_31, %not3A : vector<16xi32>
      %slice3A_33 = vector.extract_strided_slice %get3A_29 {offsets = [1], sizes = [1], strides = [1]} : vector<16xi32> to vector<1xi32>
      %squeeze3A_34 = vector.extract %slice3A_33[0] : i32 from vector<1xi32>
      %broadcast_in_dim3A_35 = arith.constant 0 : i32
      %broadcast_in_dim3A_36 = vector.broadcast %broadcast_in_dim3A_35 : i32 to vector<16xi32>
      %sub3A_37 = vector.broadcast %squeeze3A_34 : i32 to vector<16xi32>
      %sub3A_38 = arith.subi %broadcast_in_dim3A_36, %sub3A_37 : vector<16xi32>
      %not3A_39 = arith.constant dense<-1> : vector<16xi32>
      %not3A_40 = arith.xori %sub3A_38, %not3A_39 : vector<16xi32>
      %slice3A_41 = vector.extract_strided_slice %get3A_29 {offsets = [2], sizes = [1], strides = [1]} : vector<16xi32> to vector<1xi32>
      %squeeze3A_42 = vector.extract %slice3A_41[0] : i32 from vector<1xi32>
      %broadcast_in_dim3A_43 = arith.constant 0 : i32
      %broadcast_in_dim3A_44 = vector.broadcast %broadcast_in_dim3A_43 : i32 to vector<16xi32>
      %sub3A_45 = vector.broadcast %squeeze3A_42 : i32 to vector<16xi32>
      %sub3A_46 = arith.subi %broadcast_in_dim3A_44, %sub3A_45 : vector<16xi32>
      %not3A_47 = arith.constant dense<-1> : vector<16xi32>
      %not3A_48 = arith.xori %sub3A_46, %not3A_47 : vector<16xi32>
      %slice3A_49 = vector.extract_strided_slice %get3A_29 {offsets = [3], sizes = [1], strides = [1]} : vector<16xi32> to vector<1xi32>
      %squeeze3A_50 = vector.extract %slice3A_49[0] : i32 from vector<1xi32>
      %broadcast_in_dim3A_51 = arith.constant 0 : i32
      %broadcast_in_dim3A_52 = vector.broadcast %broadcast_in_dim3A_51 : i32 to vector<16xi32>
      %sub3A_53 = vector.broadcast %squeeze3A_50 : i32 to vector<16xi32>
      %sub3A_54 = arith.subi %broadcast_in_dim3A_52, %sub3A_53 : vector<16xi32>
      %not3A_55 = arith.constant dense<-1> : vector<16xi32>
      %not3A_56 = arith.xori %sub3A_54, %not3A_55 : vector<16xi32>
      %slice3A_57 = vector.extract_strided_slice %get3A_29 {offsets = [4], sizes = [1], strides = [1]} : vector<16xi32> to vector<1xi32>
      %squeeze3A_58 = vector.extract %slice3A_57[0] : i32 from vector<1xi32>
      %broadcast_in_dim3A_59 = arith.constant 0 : i32
      %broadcast_in_dim3A_60 = vector.broadcast %broadcast_in_dim3A_59 : i32 to vector<16xi32>
      %sub3A_61 = vector.broadcast %squeeze3A_58 : i32 to vector<16xi32>
      %sub3A_62 = arith.subi %broadcast_in_dim3A_60, %sub3A_61 : vector<16xi32>
      %not3A_63 = arith.constant dense<-1> : vector<16xi32>
      %not3A_64 = arith.xori %sub3A_62, %not3A_63 : vector<16xi32>
      %slice3A_65 = vector.extract_strided_slice %get3A_29 {offsets = [5], sizes = [1], strides = [1]} : vector<16xi32> to vector<1xi32>
      %squeeze3A_66 = vector.extract %slice3A_65[0] : i32 from vector<1xi32>
      %broadcast_in_dim3A_67 = arith.constant 0 : i32
      %broadcast_in_dim3A_68 = vector.broadcast %broadcast_in_dim3A_67 : i32 to vector<16xi32>
      %sub3A_69 = vector.broadcast %squeeze3A_66 : i32 to vector<16xi32>
      %sub3A_70 = arith.subi %broadcast_in_dim3A_68, %sub3A_69 : vector<16xi32>
      %not3A_71 = arith.constant dense<-1> : vector<16xi32>
      %not3A_72 = arith.xori %sub3A_70, %not3A_71 : vector<16xi32>
      %slice3A_73 = vector.extract_strided_slice %get3A_29 {offsets = [6], sizes = [1], strides = [1]} : vector<16xi32> to vector<1xi32>
      %squeeze3A_74 = vector.extract %slice3A_73[0] : i32 from vector<1xi32>
      %broadcast_in_dim3A_75 = arith.constant 0 : i32
      %broadcast_in_dim3A_76 = vector.broadcast %broadcast_in_dim3A_75 : i32 to vector<16xi32>
      %sub3A_77 = vector.broadcast %squeeze3A_74 : i32 to vector<16xi32>
      %sub3A_78 = arith.subi %broadcast_in_dim3A_76, %sub3A_77 : vector<16xi32>
      %not3A_79 = arith.constant dense<-1> : vector<16xi32>
      %not3A_80 = arith.xori %sub3A_78, %not3A_79 : vector<16xi32>
      %slice3A_81 = vector.extract_strided_slice %get3A_29 {offsets = [7], sizes = [1], strides = [1]} : vector<16xi32> to vector<1xi32>
      %squeeze3A_82 = vector.extract %slice3A_81[0] : i32 from vector<1xi32>
      %broadcast_in_dim3A_83 = arith.constant 0 : i32
      %broadcast_in_dim3A_84 = vector.broadcast %broadcast_in_dim3A_83 : i32 to vector<16xi32>
      %sub3A_85 = vector.broadcast %squeeze3A_82 : i32 to vector<16xi32>
      %sub3A_86 = arith.subi %broadcast_in_dim3A_84, %sub3A_85 : vector<16xi32>
      %not3A_87 = arith.constant dense<-1> : vector<16xi32>
      %not3A_88 = arith.xori %sub3A_86, %not3A_87 : vector<16xi32>
      %scan3A_89 = arith.constant 0 : i32
      %scan3A_90 = arith.constant 0 : i32
      %scan3A_91 = arith.constant 256 : i32
      %scan3A_92 = arith.addi %scan3A_90, %scan3A_91 : i32
      %scan3A_93 = arith.constant 8 : i32
      scf.for %scan3A_192 = %scan3A_90 to %scan3A_92 step %scan3A_93  : i32 {
        %mul3A_193 = arith.constant 16 : i32
        %mul3A_194 = arith.muli %scan3A_192, %mul3A_193 : i32
        %get3A_195 = arith.constant 0 : i32
        %get3A_196 = arith.index_cast %get3A_195 : i32 to index
        %get3A_197 = arith.index_cast %mul3A_194 : i32 to index
        %get3A_198 = tpu.vector_load %arg6[%get3A_196, %get3A_197] {strides = array<i32>} : memref<2x4096xf32, #tpu.memory_space<vmem>>, vector<1x16xf32>,
        %get3A_199 = vector.shape_cast %get3A_198 : vector<1x16xf32> to vector<16xf32>
        %bitcast_convert_type3A = tpu.bitcast %get3A_199 : vector<16xf32> -> vector<16xi32>
        %mul3A_200 = arith.constant 16 : i32
        %mul3A_201 = arith.muli %scan3A_192, %mul3A_200 : i32
        %get3A_202 = arith.constant 1 : i32
        %get3A_203 = arith.index_cast %get3A_202 : i32 to index
        %get3A_204 = arith.index_cast %mul3A_201 : i32 to index
        %get3A_205 = tpu.vector_load %arg6[%get3A_203, %get3A_204] {strides = array<i32>} : memref<2x4096xf32, #tpu.memory_space<vmem>>, vector<1x16xf32>,
        %get3A_206 = vector.shape_cast %get3A_205 : vector<1x16xf32> to vector<16xf32>
        %bitcast_convert_type3A_207 = tpu.bitcast %get3A_206 : vector<16xf32> -> vector<16xi32>
        %and3A = arith.andi %bitcast_convert_type3A, %not3A_32 : vector<16xi32>
        %and3A_208 = arith.andi %bitcast_convert_type3A_207, %sub3A_31 : vector<16xi32>
        %or3A = arith.ori %and3A, %and3A_208 : vector<16xi32>
        %bitcast_convert_type3A_209 = tpu.bitcast %or3A : vector<16xi32> -> vector<16xf32>
        %mul3A_210 = arith.constant 16 : i32
        %mul3A_211 = arith.muli %scan3A_192, %mul3A_210 : i32
        %swap3A = arith.constant 0 : i32
        %swap3A_212 = arith.index_cast %swap3A : i32 to index
        %swap3A_213 = arith.index_cast %mul3A_211 : i32 to index
        %swap3A_214 = tpu.vector_load %arg7[%swap3A_212, %swap3A_213] {strides = array<i32>} : memref<8x4096xf32, #tpu.memory_space<vmem>>, vector<1x16xf32>,
        %swap3A_215 = vector.shape_cast %swap3A_214 : vector<1x16xf32> to vector<16xf32>
        %swap3A_216 = vector.shape_cast %bitcast_convert_type3A_209 : vector<16xf32> to vector<1x16xf32>
        tpu.vector_store %arg7[%swap3A_212, %swap3A_213], %swap3A_216 {strides = array<i32>} : memref<8x4096xf32, #tpu.memory_space<vmem>>, vector<1x16xf32>,
        %and3A_217 = arith.andi %bitcast_convert_type3A, %not3A_40 : vector<16xi32>
        %and3A_218 = arith.andi %bitcast_convert_type3A_207, %sub3A_38 : vector<16xi32>
        %or3A_219 = arith.ori %and3A_217, %and3A_218 : vector<16xi32>
        %bitcast_convert_type3A_220 = tpu.bitcast %or3A_219 : vector<16xi32> -> vector<16xf32>
        %mul3A_221 = arith.constant 16 : i32
        %mul3A_222 = arith.muli %scan3A_192, %mul3A_221 : i32
        %swap3A_223 = arith.constant 1 : i32
        %swap3A_224 = arith.index_cast %swap3A_223 : i32 to index
        %swap3A_225 = arith.index_cast %mul3A_222 : i32 to index
        %swap3A_226 = tpu.vector_load %arg7[%swap3A_224, %swap3A_225] {strides = array<i32>} : memref<8x4096xf32, #tpu.memory_space<vmem>>, vector<1x16xf32>,
        %swap3A_227 = vector.shape_cast %swap3A_226 : vector<1x16xf32> to vector<16xf32>
        %swap3A_228 = vector.shape_cast %bitcast_convert_type3A_220 : vector<16xf32> to vector<1x16xf32>
        tpu.vector_store %arg7[%swap3A_224, %swap3A_225], %swap3A_228 {strides = array<i32>} : memref<8x4096xf32, #tpu.memory_space<vmem>>, vector<1x16xf32>,
        %and3A_229 = arith.andi %bitcast_convert_type3A, %not3A_48 : vector<16xi32>
        %and3A_230 = arith.andi %bitcast_convert_type3A_207, %sub3A_46 : vector<16xi32>
        %or3A_231 = arith.ori %and3A_229, %and3A_230 : vector<16xi32>
        %bitcast_convert_type3A_232 = tpu.bitcast %or3A_231 : vector<16xi32> -> vector<16xf32>
        %mul3A_233 = arith.constant 16 : i32
        %mul3A_234 = arith.muli %scan3A_192, %mul3A_233 : i32
        %swap3A_235 = arith.constant 2 : i32
        %swap3A_236 = arith.index_cast %swap3A_235 : i32 to index
        %swap3A_237 = arith.index_cast %mul3A_234 : i32 to index
        %swap3A_238 = tpu.vector_load %arg7[%swap3A_236, %swap3A_237] {strides = array<i32>} : memref<8x4096xf32, #tpu.memory_space<vmem>>, vector<1x16xf32>,
        %swap3A_239 = vector.shape_cast %swap3A_238 : vector<1x16xf32> to vector<16xf32>
        %swap3A_240 = vector.shape_cast %bitcast_convert_type3A_232 : vector<16xf32> to vector<1x16xf32>
        tpu.vector_store %arg7[%swap3A_236, %swap3A_237], %swap3A_240 {strides = array<i32>} : memref<8x4096xf32, #tpu.memory_space<vmem>>, vector<1x16xf32>,
        %and3A_241 = arith.andi %bitcast_convert_type3A, %not3A_56 : vector<16xi32>
        %and3A_242 = arith.andi %bitcast_convert_type3A_207, %sub3A_54 : vector<16xi32>
        %or3A_243 = arith.ori %and3A_241, %and3A_242 : vector<16xi32>
        %bitcast_convert_type3A_244 = tpu.bitcast %or3A_243 : vector<16xi32> -> vector<16xf32>
        %mul3A_245 = arith.constant 16 : i32
        %mul3A_246 = arith.muli %scan3A_192, %mul3A_245 : i32
        %swap3A_247 = arith.constant 3 : i32
        %swap3A_248 = arith.index_cast %swap3A_247 : i32 to index
        %swap3A_249 = arith.index_cast %mul3A_246 : i32 to index
        %swap3A_250 = tpu.vector_load %arg7[%swap3A_248, %swap3A_249] {strides = array<i32>} : memref<8x4096xf32, #tpu.memory_space<vmem>>, vector<1x16xf32>,
        %swap3A_251 = vector.shape_cast %swap3A_250 : vector<1x16xf32> to vector<16xf32>
        %swap3A_252 = vector.shape_cast %bitcast_convert_type3A_244 : vector<16xf32> to vector<1x16xf32>
        tpu.vector_store %arg7[%swap3A_248, %swap3A_249], %swap3A_252 {strides = array<i32>} : memref<8x4096xf32, #tpu.memory_space<vmem>>, vector<1x16xf32>,
        %and3A_253 = arith.andi %bitcast_convert_type3A, %not3A_64 : vector<16xi32>
        %and3A_254 = arith.andi %bitcast_convert_type3A_207, %sub3A_62 : vector<16xi32>
        %or3A_255 = arith.ori %and3A_253, %and3A_254 : vector<16xi32>
        %bitcast_convert_type3A_256 = tpu.bitcast %or3A_255 : vector<16xi32> -> vector<16xf32>
        %mul3A_257 = arith.constant 16 : i32
        %mul3A_258 = arith.muli %scan3A_192, %mul3A_257 : i32
        %swap3A_259 = arith.constant 4 : i32
        %swap3A_260 = arith.index_cast %swap3A_259 : i32 to index
        %swap3A_261 = arith.index_cast %mul3A_258 : i32 to index
        %swap3A_262 = tpu.vector_load %arg7[%swap3A_260, %swap3A_261] {strides = array<i32>} : memref<8x4096xf32, #tpu.memory_space<vmem>>, vector<1x16xf32>,
        %swap3A_263 = vector.shape_cast %swap3A_262 : vector<1x16xf32> to vector<16xf32>
        %swap3A_264 = vector.shape_cast %bitcast_convert_type3A_256 : vector<16xf32> to vector<1x16xf32>
        tpu.vector_store %arg7[%swap3A_260, %swap3A_261], %swap3A_264 {strides = array<i32>} : memref<8x4096xf32, #tpu.memory_space<vmem>>, vector<1x16xf32>,
        %and3A_265 = arith.andi %bitcast_convert_type3A, %not3A_72 : vector<16xi32>
        %and3A_266 = arith.andi %bitcast_convert_type3A_207, %sub3A_70 : vector<16xi32>
        %or3A_267 = arith.ori %and3A_265, %and3A_266 : vector<16xi32>
        %bitcast_convert_type3A_268 = tpu.bitcast %or3A_267 : vector<16xi32> -> vector<16xf32>
        %mul3A_269 = arith.constant 16 : i32
        %mul3A_270 = arith.muli %scan3A_192, %mul3A_269 : i32
        %swap3A_271 = arith.constant 5 : i32
        %swap3A_272 = arith.index_cast %swap3A_271 : i32 to index
        %swap3A_273 = arith.index_cast %mul3A_270 : i32 to index
        %swap3A_274 = tpu.vector_load %arg7[%swap3A_272, %swap3A_273] {strides = array<i32>} : memref<8x4096xf32, #tpu.memory_space<vmem>>, vector<1x16xf32>,
        %swap3A_275 = vector.shape_cast %swap3A_274 : vector<1x16xf32> to vector<16xf32>
        %swap3A_276 = vector.shape_cast %bitcast_convert_type3A_268 : vector<16xf32> to vector<1x16xf32>
        tpu.vector_store %arg7[%swap3A_272, %swap3A_273], %swap3A_276 {strides = array<i32>} : memref<8x4096xf32, #tpu.memory_space<vmem>>, vector<1x16xf32>,
        %and3A_277 = arith.andi %bitcast_convert_type3A, %not3A_80 : vector<16xi32>
        %and3A_278 = arith.andi %bitcast_convert_type3A_207, %sub3A_78 : vector<16xi32>
        %or3A_279 = arith.ori %and3A_277, %and3A_278 : vector<16xi32>
        %bitcast_convert_type3A_280 = tpu.bitcast %or3A_279 : vector<16xi32> -> vector<16xf32>
        %mul3A_281 = arith.constant 16 : i32
        %mul3A_282 = arith.muli %scan3A_192, %mul3A_281 : i32
        %swap3A_283 = arith.constant 6 : i32
        %swap3A_284 = arith.index_cast %swap3A_283 : i32 to index
        %swap3A_285 = arith.index_cast %mul3A_282 : i32 to index
        %swap3A_286 = tpu.vector_load %arg7[%swap3A_284, %swap3A_285] {strides = array<i32>} : memref<8x4096xf32, #tpu.memory_space<vmem>>, vector<1x16xf32>,
        %swap3A_287 = vector.shape_cast %swap3A_286 : vector<1x16xf32> to vector<16xf32>
        %swap3A_288 = vector.shape_cast %bitcast_convert_type3A_280 : vector<16xf32> to vector<1x16xf32>
        tpu.vector_store %arg7[%swap3A_284, %swap3A_285], %swap3A_288 {strides = array<i32>} : memref<8x4096xf32, #tpu.memory_space<vmem>>, vector<1x16xf32>,
        %and3A_289 = arith.andi %bitcast_convert_type3A, %not3A_88 : vector<16xi32>
        %and3A_290 = arith.andi %bitcast_convert_type3A_207, %sub3A_86 : vector<16xi32>
        %or3A_291 = arith.ori %and3A_289, %and3A_290 : vector<16xi32>
        %bitcast_convert_type3A_292 = tpu.bitcast %or3A_291 : vector<16xi32> -> vector<16xf32>
        %mul3A_293 = arith.constant 16 : i32
        %mul3A_294 = arith.muli %scan3A_192, %mul3A_293 : i32
        %swap3A_295 = arith.constant 7 : i32
        %swap3A_296 = arith.index_cast %swap3A_295 : i32 to index
        %swap3A_297 = arith.index_cast %mul3A_294 : i32 to index
        %swap3A_298 = tpu.vector_load %arg7[%swap3A_296, %swap3A_297] {strides = array<i32>} : memref<8x4096xf32, #tpu.memory_space<vmem>>, vector<1x16xf32>,
        %swap3A_299 = vector.shape_cast %swap3A_298 : vector<1x16xf32> to vector<16xf32>
        %swap3A_300 = vector.shape_cast %bitcast_convert_type3A_292 : vector<16xf32> to vector<1x16xf32>
        tpu.vector_store %arg7[%swap3A_296, %swap3A_297], %swap3A_300 {strides = array<i32>} : memref<8x4096xf32, #tpu.memory_space<vmem>>, vector<1x16xf32>,
        %scan3A_301 = arith.constant 1 : i32
        %scan3A_302 = arith.addi %scan3A_192, %scan3A_301 : i32
        %mul3A_303 = arith.constant 16 : i32
        %mul3A_304 = arith.muli %scan3A_302, %mul3A_303 : i32
        %get3A_305 = arith.constant 0 : i32
        %get3A_306 = arith.index_cast %get3A_305 : i32 to index
        %get3A_307 = arith.index_cast %mul3A_304 : i32 to index
        %get3A_308 = tpu.vector_load %arg6[%get3A_306, %get3A_307] {strides = array<i32>} : memref<2x4096xf32, #tpu.memory_space<vmem>>, vector<1x16xf32>,
        %get3A_309 = vector.shape_cast %get3A_308 : vector<1x16xf32> to vector<16xf32>
        %bitcast_convert_type3A_310 = tpu.bitcast %get3A_309 : vector<16xf32> -> vector<16xi32>
        %mul3A_311 = arith.constant 16 : i32
        %mul3A_312 = arith.muli %scan3A_302, %mul3A_311 : i32
        %get3A_313 = arith.constant 1 : i32
        %get3A_314 = arith.index_cast %get3A_313 : i32 to index
        %get3A_315 = arith.index_cast %mul3A_312 : i32 to index
        %get3A_316 = tpu.vector_load %arg6[%get3A_314, %get3A_315] {strides = array<i32>} : memref<2x4096xf32, #tpu.memory_space<vmem>>, vector<1x16xf32>,
        %get3A_317 = vector.shape_cast %get3A_316 : vector<1x16xf32> to vector<16xf32>
        %bitcast_convert_type3A_318 = tpu.bitcast %get3A_317 : vector<16xf32> -> vector<16xi32>
        %and3A_319 = arith.andi %bitcast_convert_type3A_310, %not3A_32 : vector<16xi32>
        %and3A_320 = arith.andi %bitcast_convert_type3A_318, %sub3A_31 : vector<16xi32>
        %or3A_321 = arith.ori %and3A_319, %and3A_320 : vector<16xi32>
        %bitcast_convert_type3A_322 = tpu.bitcast %or3A_321 : vector<16xi32> -> vector<16xf32>
        %mul3A_323 = arith.constant 16 : i32
        %mul3A_324 = arith.muli %scan3A_302, %mul3A_323 : i32
        %swap3A_325 = arith.constant 0 : i32
        %swap3A_326 = arith.index_cast %swap3A_325 : i32 to index
        %swap3A_327 = arith.index_cast %mul3A_324 : i32 to index
        %swap3A_328 = tpu.vector_load %arg7[%swap3A_326, %swap3A_327] {strides = array<i32>} : memref<8x4096xf32, #tpu.memory_space<vmem>>, vector<1x16xf32>,
        %swap3A_329 = vector.shape_cast %swap3A_328 : vector<1x16xf32> to vector<16xf32>
        %swap3A_330 = vector.shape_cast %bitcast_convert_type3A_322 : vector<16xf32> to vector<1x16xf32>
        tpu.vector_store %arg7[%swap3A_326, %swap3A_327], %swap3A_330 {strides = array<i32>} : memref<8x4096xf32, #tpu.memory_space<vmem>>, vector<1x16xf32>,
        %and3A_331 = arith.andi %bitcast_convert_type3A_310, %not3A_40 : vector<16xi32>
        %and3A_332 = arith.andi %bitcast_convert_type3A_318, %sub3A_38 : vector<16xi32>
        %or3A_333 = arith.ori %and3A_331, %and3A_332 : vector<16xi32>
        %bitcast_convert_type3A_334 = tpu.bitcast %or3A_333 : vector<16xi32> -> vector<16xf32>
        %mul3A_335 = arith.constant 16 : i32
        %mul3A_336 = arith.muli %scan3A_302, %mul3A_335 : i32
        %swap3A_337 = arith.constant 1 : i32
        %swap3A_338 = arith.index_cast %swap3A_337 : i32 to index
        %swap3A_339 = arith.index_cast %mul3A_336 : i32 to index
        %swap3A_340 = tpu.vector_load %arg7[%swap3A_338, %swap3A_339] {strides = array<i32>} : memref<8x4096xf32, #tpu.memory_space<vmem>>, vector<1x16xf32>,
        %swap3A_341 = vector.shape_cast %swap3A_340 : vector<1x16xf32> to vector<16xf32>
        %swap3A_342 = vector.shape_cast %bitcast_convert_type3A_334 : vector<16xf32> to vector<1x16xf32>
        tpu.vector_store %arg7[%swap3A_338, %swap3A_339], %swap3A_342 {strides = array<i32>} : memref<8x4096xf32, #tpu.memory_space<vmem>>, vector<1x16xf32>,
        %and3A_343 = arith.andi %bitcast_convert_type3A_310, %not3A_48 : vector<16xi32>
        %and3A_344 = arith.andi %bitcast_convert_type3A_318, %sub3A_46 : vector<16xi32>
        %or3A_345 = arith.ori %and3A_343, %and3A_344 : vector<16xi32>
        %bitcast_convert_type3A_346 = tpu.bitcast %or3A_345 : vector<16xi32> -> vector<16xf32>
        %mul3A_347 = arith.constant 16 : i32
        %mul3A_348 = arith.muli %scan3A_302, %mul3A_347 : i32
        %swap3A_349 = arith.constant 2 : i32
        %swap3A_350 = arith.index_cast %swap3A_349 : i32 to index
        %swap3A_351 = arith.index_cast %mul3A_348 : i32 to index
        %swap3A_352 = tpu.vector_load %arg7[%swap3A_350, %swap3A_351] {strides = array<i32>} : memref<8x4096xf32, #tpu.memory_space<vmem>>, vector<1x16xf32>,
        %swap3A_353 = vector.shape_cast %swap3A_352 : vector<1x16xf32> to vector<16xf32>
        %swap3A_354 = vector.shape_cast %bitcast_convert_type3A_346 : vector<16xf32> to vector<1x16xf32>
        tpu.vector_store %arg7[%swap3A_350, %swap3A_351], %swap3A_354 {strides = array<i32>} : memref<8x4096xf32, #tpu.memory_space<vmem>>, vector<1x16xf32>,
        %and3A_355 = arith.andi %bitcast_convert_type3A_310, %not3A_56 : vector<16xi32>
        %and3A_356 = arith.andi %bitcast_convert_type3A_318, %sub3A_54 : vector<16xi32>
        %or3A_357 = arith.ori %and3A_355, %and3A_356 : vector<16xi32>
        %bitcast_convert_type3A_358 = tpu.bitcast %or3A_357 : vector<16xi32> -> vector<16xf32>
        %mul3A_359 = arith.constant 16 : i32
        %mul3A_360 = arith.muli %scan3A_302, %mul3A_359 : i32
        %swap3A_361 = arith.constant 3 : i32
        %swap3A_362 = arith.index_cast %swap3A_361 : i32 to index
        %swap3A_363 = arith.index_cast %mul3A_360 : i32 to index
        %swap3A_364 = tpu.vector_load %arg7[%swap3A_362, %swap3A_363] {strides = array<i32>} : memref<8x4096xf32, #tpu.memory_space<vmem>>, vector<1x16xf32>,
        %swap3A_365 = vector.shape_cast %swap3A_364 : vector<1x16xf32> to vector<16xf32>
        %swap3A_366 = vector.shape_cast %bitcast_convert_type3A_358 : vector<16xf32> to vector<1x16xf32>
        tpu.vector_store %arg7[%swap3A_362, %swap3A_363], %swap3A_366 {strides = array<i32>} : memref<8x4096xf32, #tpu.memory_space<vmem>>, vector<1x16xf32>,
        %and3A_367 = arith.andi %bitcast_convert_type3A_310, %not3A_64 : vector<16xi32>
        %and3A_368 = arith.andi %bitcast_convert_type3A_318, %sub3A_62 : vector<16xi32>
        %or3A_369 = arith.ori %and3A_367, %and3A_368 : vector<16xi32>
        %bitcast_convert_type3A_370 = tpu.bitcast %or3A_369 : vector<16xi32> -> vector<16xf32>
        %mul3A_371 = arith.constant 16 : i32
        %mul3A_372 = arith.muli %scan3A_302, %mul3A_371 : i32
        %swap3A_373 = arith.constant 4 : i32
        %swap3A_374 = arith.index_cast %swap3A_373 : i32 to index
        %swap3A_375 = arith.index_cast %mul3A_372 : i32 to index
        %swap3A_376 = tpu.vector_load %arg7[%swap3A_374, %swap3A_375] {strides = array<i32>} : memref<8x4096xf32, #tpu.memory_space<vmem>>, vector<1x16xf32>,
        %swap3A_377 = vector.shape_cast %swap3A_376 : vector<1x16xf32> to vector<16xf32>
        %swap3A_378 = vector.shape_cast %bitcast_convert_type3A_370 : vector<16xf32> to vector<1x16xf32>
        tpu.vector_store %arg7[%swap3A_374, %swap3A_375], %swap3A_378 {strides = array<i32>} : memref<8x4096xf32, #tpu.memory_space<vmem>>, vector<1x16xf32>,
        %and3A_379 = arith.andi %bitcast_convert_type3A_310, %not3A_72 : vector<16xi32>
        %and3A_380 = arith.andi %bitcast_convert_type3A_318, %sub3A_70 : vector<16xi32>
        %or3A_381 = arith.ori %and3A_379, %and3A_380 : vector<16xi32>
        %bitcast_convert_type3A_382 = tpu.bitcast %or3A_381 : vector<16xi32> -> vector<16xf32>
        %mul3A_383 = arith.constant 16 : i32
        %mul3A_384 = arith.muli %scan3A_302, %mul3A_383 : i32
        %swap3A_385 = arith.constant 5 : i32
        %swap3A_386 = arith.index_cast %swap3A_385 : i32 to index
        %swap3A_387 = arith.index_cast %mul3A_384 : i32 to index
        %swap3A_388 = tpu.vector_load %arg7[%swap3A_386, %swap3A_387] {strides = array<i32>} : memref<8x4096xf32, #tpu.memory_space<vmem>>, vector<1x16xf32>,
        %swap3A_389 = vector.shape_cast %swap3A_388 : vector<1x16xf32> to vector<16xf32>
        %swap3A_390 = vector.shape_cast %bitcast_convert_type3A_382 : vector<16xf32> to vector<1x16xf32>
        tpu.vector_store %arg7[%swap3A_386, %swap3A_387], %swap3A_390 {strides = array<i32>} : memref<8x4096xf32, #tpu.memory_space<vmem>>, vector<1x16xf32>,
        %and3A_391 = arith.andi %bitcast_convert_type3A_310, %not3A_80 : vector<16xi32>
        %and3A_392 = arith.andi %bitcast_convert_type3A_318, %sub3A_78 : vector<16xi32>
        %or3A_393 = arith.ori %and3A_391, %and3A_392 : vector<16xi32>
        %bitcast_convert_type3A_394 = tpu.bitcast %or3A_393 : vector<16xi32> -> vector<16xf32>
        %mul3A_395 = arith.constant 16 : i32
        %mul3A_396 = arith.muli %scan3A_302, %mul3A_395 : i32
        %swap3A_397 = arith.constant 6 : i32
        %swap3A_398 = arith.index_cast %swap3A_397 : i32 to index
        %swap3A_399 = arith.index_cast %mul3A_396 : i32 to index
        %swap3A_400 = tpu.vector_load %arg7[%swap3A_398, %swap3A_399] {strides = array<i32>} : memref<8x4096xf32, #tpu.memory_space<vmem>>, vector<1x16xf32>,
        %swap3A_401 = vector.shape_cast %swap3A_400 : vector<1x16xf32> to vector<16xf32>
        %swap3A_402 = vector.shape_cast %bitcast_convert_type3A_394 : vector<16xf32> to vector<1x16xf32>
        tpu.vector_store %arg7[%swap3A_398, %swap3A_399], %swap3A_402 {strides = array<i32>} : memref<8x4096xf32, #tpu.memory_space<vmem>>, vector<1x16xf32>,
        %and3A_403 = arith.andi %bitcast_convert_type3A_310, %not3A_88 : vector<16xi32>
        %and3A_404 = arith.andi %bitcast_convert_type3A_318, %sub3A_86 : vector<16xi32>
        %or3A_405 = arith.ori %and3A_403, %and3A_404 : vector<16xi32>
        %bitcast_convert_type3A_406 = tpu.bitcast %or3A_405 : vector<16xi32> -> vector<16xf32>
        %mul3A_407 = arith.constant 16 : i32
        %mul3A_408 = arith.muli %scan3A_302, %mul3A_407 : i32
        %swap3A_409 = arith.constant 7 : i32
        %swap3A_410 = arith.index_cast %swap3A_409 : i32 to index
        %swap3A_411 = arith.index_cast %mul3A_408 : i32 to index
        %swap3A_412 = tpu.vector_load %arg7[%swap3A_410, %swap3A_411] {strides = array<i32>} : memref<8x4096xf32, #tpu.memory_space<vmem>>, vector<1x16xf32>,
        %swap3A_413 = vector.shape_cast %swap3A_412 : vector<1x16xf32> to vector<16xf32>
        %swap3A_414 = vector.shape_cast %bitcast_convert_type3A_406 : vector<16xf32> to vector<1x16xf32>
        tpu.vector_store %arg7[%swap3A_410, %swap3A_411], %swap3A_414 {strides = array<i32>} : memref<8x4096xf32, #tpu.memory_space<vmem>>, vector<1x16xf32>,
        %scan3A_415 = arith.constant 2 : i32
        %scan3A_416 = arith.addi %scan3A_192, %scan3A_415 : i32
        %mul3A_417 = arith.constant 16 : i32
        %mul3A_418 = arith.muli %scan3A_416, %mul3A_417 : i32
        %get3A_419 = arith.constant 0 : i32
        %get3A_420 = arith.index_cast %get3A_419 : i32 to index
        %get3A_421 = arith.index_cast %mul3A_418 : i32 to index
        %get3A_422 = tpu.vector_load %arg6[%get3A_420, %get3A_421] {strides = array<i32>} : memref<2x4096xf32, #tpu.memory_space<vmem>>, vector<1x16xf32>,
        %get3A_423 = vector.shape_cast %get3A_422 : vector<1x16xf32> to vector<16xf32>
        %bitcast_convert_type3A_424 = tpu.bitcast %get3A_423 : vector<16xf32> -> vector<16xi32>
        %mul3A_425 = arith.constant 16 : i32
        %mul3A_426 = arith.muli %scan3A_416, %mul3A_425 : i32
        %get3A_427 = arith.constant 1 : i32
        %get3A_428 = arith.index_cast %get3A_427 : i32 to index
        %get3A_429 = arith.index_cast %mul3A_426 : i32 to index
        %get3A_430 = tpu.vector_load %arg6[%get3A_428, %get3A_429] {strides = array<i32>} : memref<2x4096xf32, #tpu.memory_space<vmem>>, vector<1x16xf32>,
        %get3A_431 = vector.shape_cast %get3A_430 : vector<1x16xf32> to vector<16xf32>
        %bitcast_convert_type3A_432 = tpu.bitcast %get3A_431 : vector<16xf32> -> vector<16xi32>
        %and3A_433 = arith.andi %bitcast_convert_type3A_424, %not3A_32 : vector<16xi32>
        %and3A_434 = arith.andi %bitcast_convert_type3A_432, %sub3A_31 : vector<16xi32>
        %or3A_435 = arith.ori %and3A_433, %and3A_434 : vector<16xi32>
        %bitcast_convert_type3A_436 = tpu.bitcast %or3A_435 : vector<16xi32> -> vector<16xf32>
        %mul3A_437 = arith.constant 16 : i32
        %mul3A_438 = arith.muli %scan3A_416, %mul3A_437 : i32
        %swap3A_439 = arith.constant 0 : i32
        %swap3A_440 = arith.index_cast %swap3A_439 : i32 to index
        %swap3A_441 = arith.index_cast %mul3A_438 : i32 to index
        %swap3A_442 = tpu.vector_load %arg7[%swap3A_440, %swap3A_441] {strides = array<i32>} : memref<8x4096xf32, #tpu.memory_space<vmem>>, vector<1x16xf32>,
        %swap3A_443 = vector.shape_cast %swap3A_442 : vector<1x16xf32> to vector<16xf32>
        %swap3A_444 = vector.shape_cast %bitcast_convert_type3A_436 : vector<16xf32> to vector<1x16xf32>
        tpu.vector_store %arg7[%swap3A_440, %swap3A_441], %swap3A_444 {strides = array<i32>} : memref<8x4096xf32, #tpu.memory_space<vmem>>, vector<1x16xf32>,
        %and3A_445 = arith.andi %bitcast_convert_type3A_424, %not3A_40 : vector<16xi32>
        %and3A_446 = arith.andi %bitcast_convert_type3A_432, %sub3A_38 : vector<16xi32>
        %or3A_447 = arith.ori %and3A_445, %and3A_446 : vector<16xi32>
        %bitcast_convert_type3A_448 = tpu.bitcast %or3A_447 : vector<16xi32> -> vector<16xf32>
        %mul3A_449 = arith.constant 16 : i32
        %mul3A_450 = arith.muli %scan3A_416, %mul3A_449 : i32
        %swap3A_451 = arith.constant 1 : i32
        %swap3A_452 = arith.index_cast %swap3A_451 : i32 to index
        %swap3A_453 = arith.index_cast %mul3A_450 : i32 to index
        %swap3A_454 = tpu.vector_load %arg7[%swap3A_452, %swap3A_453] {strides = array<i32>} : memref<8x4096xf32, #tpu.memory_space<vmem>>, vector<1x16xf32>,
        %swap3A_455 = vector.shape_cast %swap3A_454 : vector<1x16xf32> to vector<16xf32>
        %swap3A_456 = vector.shape_cast %bitcast_convert_type3A_448 : vector<16xf32> to vector<1x16xf32>
        tpu.vector_store %arg7[%swap3A_452, %swap3A_453], %swap3A_456 {strides = array<i32>} : memref<8x4096xf32, #tpu.memory_space<vmem>>, vector<1x16xf32>,
        %and3A_457 = arith.andi %bitcast_convert_type3A_424, %not3A_48 : vector<16xi32>
        %and3A_458 = arith.andi %bitcast_convert_type3A_432, %sub3A_46 : vector<16xi32>
        %or3A_459 = arith.ori %and3A_457, %and3A_458 : vector<16xi32>
        %bitcast_convert_type3A_460 = tpu.bitcast %or3A_459 : vector<16xi32> -> vector<16xf32>
        %mul3A_461 = arith.constant 16 : i32
        %mul3A_462 = arith.muli %scan3A_416, %mul3A_461 : i32
        %swap3A_463 = arith.constant 2 : i32
        %swap3A_464 = arith.index_cast %swap3A_463 : i32 to index
        %swap3A_465 = arith.index_cast %mul3A_462 : i32 to index
        %swap3A_466 = tpu.vector_load %arg7[%swap3A_464, %swap3A_465] {strides = array<i32>} : memref<8x4096xf32, #tpu.memory_space<vmem>>, vector<1x16xf32>,
        %swap3A_467 = vector.shape_cast %swap3A_466 : vector<1x16xf32> to vector<16xf32>
        %swap3A_468 = vector.shape_cast %bitcast_convert_type3A_460 : vector<16xf32> to vector<1x16xf32>
        tpu.vector_store %arg7[%swap3A_464, %swap3A_465], %swap3A_468 {strides = array<i32>} : memref<8x4096xf32, #tpu.memory_space<vmem>>, vector<1x16xf32>,
        %and3A_469 = arith.andi %bitcast_convert_type3A_424, %not3A_56 : vector<16xi32>
        %and3A_470 = arith.andi %bitcast_convert_type3A_432, %sub3A_54 : vector<16xi32>
        %or3A_471 = arith.ori %and3A_469, %and3A_470 : vector<16xi32>
        %bitcast_convert_type3A_472 = tpu.bitcast %or3A_471 : vector<16xi32> -> vector<16xf32>
        %mul3A_473 = arith.constant 16 : i32
        %mul3A_474 = arith.muli %scan3A_416, %mul3A_473 : i32
        %swap3A_475 = arith.constant 3 : i32
        %swap3A_476 = arith.index_cast %swap3A_475 : i32 to index
        %swap3A_477 = arith.index_cast %mul3A_474 : i32 to index
        %swap3A_478 = tpu.vector_load %arg7[%swap3A_476, %swap3A_477] {strides = array<i32>} : memref<8x4096xf32, #tpu.memory_space<vmem>>, vector<1x16xf32>,
        %swap3A_479 = vector.shape_cast %swap3A_478 : vector<1x16xf32> to vector<16xf32>
        %swap3A_480 = vector.shape_cast %bitcast_convert_type3A_472 : vector<16xf32> to vector<1x16xf32>
        tpu.vector_store %arg7[%swap3A_476, %swap3A_477], %swap3A_480 {strides = array<i32>} : memref<8x4096xf32, #tpu.memory_space<vmem>>, vector<1x16xf32>,
        %and3A_481 = arith.andi %bitcast_convert_type3A_424, %not3A_64 : vector<16xi32>
        %and3A_482 = arith.andi %bitcast_convert_type3A_432, %sub3A_62 : vector<16xi32>
        %or3A_483 = arith.ori %and3A_481, %and3A_482 : vector<16xi32>
        %bitcast_convert_type3A_484 = tpu.bitcast %or3A_483 : vector<16xi32> -> vector<16xf32>
        %mul3A_485 = arith.constant 16 : i32
        %mul3A_486 = arith.muli %scan3A_416, %mul3A_485 : i32
        %swap3A_487 = arith.constant 4 : i32
        %swap3A_488 = arith.index_cast %swap3A_487 : i32 to index
        %swap3A_489 = arith.index_cast %mul3A_486 : i32 to index
        %swap3A_490 = tpu.vector_load %arg7[%swap3A_488, %swap3A_489] {strides = array<i32>} : memref<8x4096xf32, #tpu.memory_space<vmem>>, vector<1x16xf32>,
        %swap3A_491 = vector.shape_cast %swap3A_490 : vector<1x16xf32> to vector<16xf32>
        %swap3A_492 = vector.shape_cast %bitcast_convert_type3A_484 : vector<16xf32> to vector<1x16xf32>
        tpu.vector_store %arg7[%swap3A_488, %swap3A_489], %swap3A_492 {strides = array<i32>} : memref<8x4096xf32, #tpu.memory_space<vmem>>, vector<1x16xf32>,
        %and3A_493 = arith.andi %bitcast_convert_type3A_424, %not3A_72 : vector<16xi32>
        %and3A_494 = arith.andi %bitcast_convert_type3A_432, %sub3A_70 : vector<16xi32>
        %or3A_495 = arith.ori %and3A_493, %and3A_494 : vector<16xi32>
        %bitcast_convert_type3A_496 = tpu.bitcast %or3A_495 : vector<16xi32> -> vector<16xf32>
        %mul3A_497 = arith.constant 16 : i32
        %mul3A_498 = arith.muli %scan3A_416, %mul3A_497 : i32
        %swap3A_499 = arith.constant 5 : i32
        %swap3A_500 = arith.index_cast %swap3A_499 : i32 to index
        %swap3A_501 = arith.index_cast %mul3A_498 : i32 to index
        %swap3A_502 = tpu.vector_load %arg7[%swap3A_500, %swap3A_501] {strides = array<i32>} : memref<8x4096xf32, #tpu.memory_space<vmem>>, vector<1x16xf32>,
        %swap3A_503 = vector.shape_cast %swap3A_502 : vector<1x16xf32> to vector<16xf32>
        %swap3A_504 = vector.shape_cast %bitcast_convert_type3A_496 : vector<16xf32> to vector<1x16xf32>
        tpu.vector_store %arg7[%swap3A_500, %swap3A_501], %swap3A_504 {strides = array<i32>} : memref<8x4096xf32, #tpu.memory_space<vmem>>, vector<1x16xf32>,
        %and3A_505 = arith.andi %bitcast_convert_type3A_424, %not3A_80 : vector<16xi32>
        %and3A_506 = arith.andi %bitcast_convert_type3A_432, %sub3A_78 : vector<16xi32>
        %or3A_507 = arith.ori %and3A_505, %and3A_506 : vector<16xi32>
        %bitcast_convert_type3A_508 = tpu.bitcast %or3A_507 : vector<16xi32> -> vector<16xf32>
        %mul3A_509 = arith.constant 16 : i32
        %mul3A_510 = arith.muli %scan3A_416, %mul3A_509 : i32
        %swap3A_511 = arith.constant 6 : i32
        %swap3A_512 = arith.index_cast %swap3A_511 : i32 to index
        %swap3A_513 = arith.index_cast %mul3A_510 : i32 to index
        %swap3A_514 = tpu.vector_load %arg7[%swap3A_512, %swap3A_513] {strides = array<i32>} : memref<8x4096xf32, #tpu.memory_space<vmem>>, vector<1x16xf32>,
        %swap3A_515 = vector.shape_cast %swap3A_514 : vector<1x16xf32> to vector<16xf32>
        %swap3A_516 = vector.shape_cast %bitcast_convert_type3A_508 : vector<16xf32> to vector<1x16xf32>
        tpu.vector_store %arg7[%swap3A_512, %swap3A_513], %swap3A_516 {strides = array<i32>} : memref<8x4096xf32, #tpu.memory_space<vmem>>, vector<1x16xf32>,
        %and3A_517 = arith.andi %bitcast_convert_type3A_424, %not3A_88 : vector<16xi32>
        %and3A_518 = arith.andi %bitcast_convert_type3A_432, %sub3A_86 : vector<16xi32>
        %or3A_519 = arith.ori %and3A_517, %and3A_518 : vector<16xi32>
        %bitcast_convert_type3A_520 = tpu.bitcast %or3A_519 : vector<16xi32> -> vector<16xf32>
        %mul3A_521 = arith.constant 16 : i32
        %mul3A_522 = arith.muli %scan3A_416, %mul3A_521 : i32
        %swap3A_523 = arith.constant 7 : i32
        %swap3A_524 = arith.index_cast %swap3A_523 : i32 to index
        %swap3A_525 = arith.index_cast %mul3A_522 : i32 to index
        %swap3A_526 = tpu.vector_load %arg7[%swap3A_524, %swap3A_525] {strides = array<i32>} : memref<8x4096xf32, #tpu.memory_space<vmem>>, vector<1x16xf32>,
        %swap3A_527 = vector.shape_cast %swap3A_526 : vector<1x16xf32> to vector<16xf32>
        %swap3A_528 = vector.shape_cast %bitcast_convert_type3A_520 : vector<16xf32> to vector<1x16xf32>
        tpu.vector_store %arg7[%swap3A_524, %swap3A_525], %swap3A_528 {strides = array<i32>} : memref<8x4096xf32, #tpu.memory_space<vmem>>, vector<1x16xf32>,
        %scan3A_529 = arith.constant 3 : i32
        %scan3A_530 = arith.addi %scan3A_192, %scan3A_529 : i32
        %mul3A_531 = arith.constant 16 : i32
        %mul3A_532 = arith.muli %scan3A_530, %mul3A_531 : i32
        %get3A_533 = arith.constant 0 : i32
        %get3A_534 = arith.index_cast %get3A_533 : i32 to index
        %get3A_535 = arith.index_cast %mul3A_532 : i32 to index
        %get3A_536 = tpu.vector_load %arg6[%get3A_534, %get3A_535] {strides = array<i32>} : memref<2x4096xf32, #tpu.memory_space<vmem>>, vector<1x16xf32>,
        %get3A_537 = vector.shape_cast %get3A_536 : vector<1x16xf32> to vector<16xf32>
        %bitcast_convert_type3A_538 = tpu.bitcast %get3A_537 : vector<16xf32> -> vector<16xi32>
        %mul3A_539 = arith.constant 16 : i32
        %mul3A_540 = arith.muli %scan3A_530, %mul3A_539 : i32
        %get3A_541 = arith.constant 1 : i32
        %get3A_542 = arith.index_cast %get3A_541 : i32 to index
        %get3A_543 = arith.index_cast %mul3A_540 : i32 to index
        %get3A_544 = tpu.vector_load %arg6[%get3A_542, %get3A_543] {strides = array<i32>} : memref<2x4096xf32, #tpu.memory_space<vmem>>, vector<1x16xf32>,
        %get3A_545 = vector.shape_cast %get3A_544 : vector<1x16xf32> to vector<16xf32>
        %bitcast_convert_type3A_546 = tpu.bitcast %get3A_545 : vector<16xf32> -> vector<16xi32>
        %and3A_547 = arith.andi %bitcast_convert_type3A_538, %not3A_32 : vector<16xi32>
        %and3A_548 = arith.andi %bitcast_convert_type3A_546, %sub3A_31 : vector<16xi32>
        %or3A_549 = arith.ori %and3A_547, %and3A_548 : vector<16xi32>
        %bitcast_convert_type3A_550 = tpu.bitcast %or3A_549 : vector<16xi32> -> vector<16xf32>
        %mul3A_551 = arith.constant 16 : i32
        %mul3A_552 = arith.muli %scan3A_530, %mul3A_551 : i32
        %swap3A_553 = arith.constant 0 : i32
        %swap3A_554 = arith.index_cast %swap3A_553 : i32 to index
        %swap3A_555 = arith.index_cast %mul3A_552 : i32 to index
        %swap3A_556 = tpu.vector_load %arg7[%swap3A_554, %swap3A_555] {strides = array<i32>} : memref<8x4096xf32, #tpu.memory_space<vmem>>, vector<1x16xf32>,
        %swap3A_557 = vector.shape_cast %swap3A_556 : vector<1x16xf32> to vector<16xf32>
        %swap3A_558 = vector.shape_cast %bitcast_convert_type3A_550 : vector<16xf32> to vector<1x16xf32>
        tpu.vector_store %arg7[%swap3A_554, %swap3A_555], %swap3A_558 {strides = array<i32>} : memref<8x4096xf32, #tpu.memory_space<vmem>>, vector<1x16xf32>,
        %and3A_559 = arith.andi %bitcast_convert_type3A_538, %not3A_40 : vector<16xi32>
        %and3A_560 = arith.andi %bitcast_convert_type3A_546, %sub3A_38 : vector<16xi32>
        %or3A_561 = arith.ori %and3A_559, %and3A_560 : vector<16xi32>
        %bitcast_convert_type3A_562 = tpu.bitcast %or3A_561 : vector<16xi32> -> vector<16xf32>
        %mul3A_563 = arith.constant 16 : i32
        %mul3A_564 = arith.muli %scan3A_530, %mul3A_563 : i32
        %swap3A_565 = arith.constant 1 : i32
        %swap3A_566 = arith.index_cast %swap3A_565 : i32 to index
        %swap3A_567 = arith.index_cast %mul3A_564 : i32 to index
        %swap3A_568 = tpu.vector_load %arg7[%swap3A_566, %swap3A_567] {strides = array<i32>} : memref<8x4096xf32, #tpu.memory_space<vmem>>, vector<1x16xf32>,
        %swap3A_569 = vector.shape_cast %swap3A_568 : vector<1x16xf32> to vector<16xf32>
        %swap3A_570 = vector.shape_cast %bitcast_convert_type3A_562 : vector<16xf32> to vector<1x16xf32>
        tpu.vector_store %arg7[%swap3A_566, %swap3A_567], %swap3A_570 {strides = array<i32>} : memref<8x4096xf32, #tpu.memory_space<vmem>>, vector<1x16xf32>,
        %and3A_571 = arith.andi %bitcast_convert_type3A_538, %not3A_48 : vector<16xi32>
        %and3A_572 = arith.andi %bitcast_convert_type3A_546, %sub3A_46 : vector<16xi32>
        %or3A_573 = arith.ori %and3A_571, %and3A_572 : vector<16xi32>
        %bitcast_convert_type3A_574 = tpu.bitcast %or3A_573 : vector<16xi32> -> vector<16xf32>
        %mul3A_575 = arith.constant 16 : i32
        %mul3A_576 = arith.muli %scan3A_530, %mul3A_575 : i32
        %swap3A_577 = arith.constant 2 : i32
        %swap3A_578 = arith.index_cast %swap3A_577 : i32 to index
        %swap3A_579 = arith.index_cast %mul3A_576 : i32 to index
        %swap3A_580 = tpu.vector_load %arg7[%swap3A_578, %swap3A_579] {strides = array<i32>} : memref<8x4096xf32, #tpu.memory_space<vmem>>, vector<1x16xf32>,
        %swap3A_581 = vector.shape_cast %swap3A_580 : vector<1x16xf32> to vector<16xf32>
        %swap3A_582 = vector.shape_cast %bitcast_convert_type3A_574 : vector<16xf32> to vector<1x16xf32>
        tpu.vector_store %arg7[%swap3A_578, %swap3A_579], %swap3A_582 {strides = array<i32>} : memref<8x4096xf32, #tpu.memory_space<vmem>>, vector<1x16xf32>,
        %and3A_583 = arith.andi %bitcast_convert_type3A_538, %not3A_56 : vector<16xi32>
        %and3A_584 = arith.andi %bitcast_convert_type3A_546, %sub3A_54 : vector<16xi32>
        %or3A_585 = arith.ori %and3A_583, %and3A_584 : vector<16xi32>
        %bitcast_convert_type3A_586 = tpu.bitcast %or3A_585 : vector<16xi32> -> vector<16xf32>
        %mul3A_587 = arith.constant 16 : i32
        %mul3A_588 = arith.muli %scan3A_530, %mul3A_587 : i32
        %swap3A_589 = arith.constant 3 : i32
        %swap3A_590 = arith.index_cast %swap3A_589 : i32 to index
        %swap3A_591 = arith.index_cast %mul3A_588 : i32 to index
        %swap3A_592 = tpu.vector_load %arg7[%swap3A_590, %swap3A_591] {strides = array<i32>} : memref<8x4096xf32, #tpu.memory_space<vmem>>, vector<1x16xf32>,
        %swap3A_593 = vector.shape_cast %swap3A_592 : vector<1x16xf32> to vector<16xf32>
        %swap3A_594 = vector.shape_cast %bitcast_convert_type3A_586 : vector<16xf32> to vector<1x16xf32>
        tpu.vector_store %arg7[%swap3A_590, %swap3A_591], %swap3A_594 {strides = array<i32>} : memref<8x4096xf32, #tpu.memory_space<vmem>>, vector<1x16xf32>,
        %and3A_595 = arith.andi %bitcast_convert_type3A_538, %not3A_64 : vector<16xi32>
        %and3A_596 = arith.andi %bitcast_convert_type3A_546, %sub3A_62 : vector<16xi32>
        %or3A_597 = arith.ori %and3A_595, %and3A_596 : vector<16xi32>
        %bitcast_convert_type3A_598 = tpu.bitcast %or3A_597 : vector<16xi32> -> vector<16xf32>
        %mul3A_599 = arith.constant 16 : i32
        %mul3A_600 = arith.muli %scan3A_530, %mul3A_599 : i32
        %swap3A_601 = arith.constant 4 : i32
        %swap3A_602 = arith.index_cast %swap3A_601 : i32 to index
        %swap3A_603 = arith.index_cast %mul3A_600 : i32 to index
        %swap3A_604 = tpu.vector_load %arg7[%swap3A_602, %swap3A_603] {strides = array<i32>} : memref<8x4096xf32, #tpu.memory_space<vmem>>, vector<1x16xf32>,
        %swap3A_605 = vector.shape_cast %swap3A_604 : vector<1x16xf32> to vector<16xf32>
        %swap3A_606 = vector.shape_cast %bitcast_convert_type3A_598 : vector<16xf32> to vector<1x16xf32>
        tpu.vector_store %arg7[%swap3A_602, %swap3A_603], %swap3A_606 {strides = array<i32>} : memref<8x4096xf32, #tpu.memory_space<vmem>>, vector<1x16xf32>,
        %and3A_607 = arith.andi %bitcast_convert_type3A_538, %not3A_72 : vector<16xi32>
        %and3A_608 = arith.andi %bitcast_convert_type3A_546, %sub3A_70 : vector<16xi32>
        %or3A_609 = arith.ori %and3A_607, %and3A_608 : vector<16xi32>
        %bitcast_convert_type3A_610 = tpu.bitcast %or3A_609 : vector<16xi32> -> vector<16xf32>
        %mul3A_611 = arith.constant 16 : i32
        %mul3A_612 = arith.muli %scan3A_530, %mul3A_611 : i32
        %swap3A_613 = arith.constant 5 : i32
        %swap3A_614 = arith.index_cast %swap3A_613 : i32 to index
        %swap3A_615 = arith.index_cast %mul3A_612 : i32 to index
        %swap3A_616 = tpu.vector_load %arg7[%swap3A_614, %swap3A_615] {strides = array<i32>} : memref<8x4096xf32, #tpu.memory_space<vmem>>, vector<1x16xf32>,
        %swap3A_617 = vector.shape_cast %swap3A_616 : vector<1x16xf32> to vector<16xf32>
        %swap3A_618 = vector.shape_cast %bitcast_convert_type3A_610 : vector<16xf32> to vector<1x16xf32>
        tpu.vector_store %arg7[%swap3A_614, %swap3A_615], %swap3A_618 {strides = array<i32>} : memref<8x4096xf32, #tpu.memory_space<vmem>>, vector<1x16xf32>,
        %and3A_619 = arith.andi %bitcast_convert_type3A_538, %not3A_80 : vector<16xi32>
        %and3A_620 = arith.andi %bitcast_convert_type3A_546, %sub3A_78 : vector<16xi32>
        %or3A_621 = arith.ori %and3A_619, %and3A_620 : vector<16xi32>
        %bitcast_convert_type3A_622 = tpu.bitcast %or3A_621 : vector<16xi32> -> vector<16xf32>
        %mul3A_623 = arith.constant 16 : i32
        %mul3A_624 = arith.muli %scan3A_530, %mul3A_623 : i32
        %swap3A_625 = arith.constant 6 : i32
        %swap3A_626 = arith.index_cast %swap3A_625 : i32 to index
        %swap3A_627 = arith.index_cast %mul3A_624 : i32 to index
        %swap3A_628 = tpu.vector_load %arg7[%swap3A_626, %swap3A_627] {strides = array<i32>} : memref<8x4096xf32, #tpu.memory_space<vmem>>, vector<1x16xf32>,
        %swap3A_629 = vector.shape_cast %swap3A_628 : vector<1x16xf32> to vector<16xf32>
        %swap3A_630 = vector.shape_cast %bitcast_convert_type3A_622 : vector<16xf32> to vector<1x16xf32>
        tpu.vector_store %arg7[%swap3A_626, %swap3A_627], %swap3A_630 {strides = array<i32>} : memref<8x4096xf32, #tpu.memory_space<vmem>>, vector<1x16xf32>,
        %and3A_631 = arith.andi %bitcast_convert_type3A_538, %not3A_88 : vector<16xi32>
        %and3A_632 = arith.andi %bitcast_convert_type3A_546, %sub3A_86 : vector<16xi32>
        %or3A_633 = arith.ori %and3A_631, %and3A_632 : vector<16xi32>
        %bitcast_convert_type3A_634 = tpu.bitcast %or3A_633 : vector<16xi32> -> vector<16xf32>
        %mul3A_635 = arith.constant 16 : i32
        %mul3A_636 = arith.muli %scan3A_530, %mul3A_635 : i32
        %swap3A_637 = arith.constant 7 : i32
        %swap3A_638 = arith.index_cast %swap3A_637 : i32 to index
        %swap3A_639 = arith.index_cast %mul3A_636 : i32 to index
        %swap3A_640 = tpu.vector_load %arg7[%swap3A_638, %swap3A_639] {strides = array<i32>} : memref<8x4096xf32, #tpu.memory_space<vmem>>, vector<1x16xf32>,
        %swap3A_641 = vector.shape_cast %swap3A_640 : vector<1x16xf32> to vector<16xf32>
        %swap3A_642 = vector.shape_cast %bitcast_convert_type3A_634 : vector<16xf32> to vector<1x16xf32>
        tpu.vector_store %arg7[%swap3A_638, %swap3A_639], %swap3A_642 {strides = array<i32>} : memref<8x4096xf32, #tpu.memory_space<vmem>>, vector<1x16xf32>,
        %scan3A_643 = arith.constant 4 : i32
        %scan3A_644 = arith.addi %scan3A_192, %scan3A_643 : i32
        %mul3A_645 = arith.constant 16 : i32
        %mul3A_646 = arith.muli %scan3A_644, %mul3A_645 : i32
        %get3A_647 = arith.constant 0 : i32
        %get3A_648 = arith.index_cast %get3A_647 : i32 to index
        %get3A_649 = arith.index_cast %mul3A_646 : i32 to index
        %get3A_650 = tpu.vector_load %arg6[%get3A_648, %get3A_649] {strides = array<i32>} : memref<2x4096xf32, #tpu.memory_space<vmem>>, vector<1x16xf32>,
        %get3A_651 = vector.shape_cast %get3A_650 : vector<1x16xf32> to vector<16xf32>
        %bitcast_convert_type3A_652 = tpu.bitcast %get3A_651 : vector<16xf32> -> vector<16xi32>
        %mul3A_653 = arith.constant 16 : i32
        %mul3A_654 = arith.muli %scan3A_644, %mul3A_653 : i32
        %get3A_655 = arith.constant 1 : i32
        %get3A_656 = arith.index_cast %get3A_655 : i32 to index
        %get3A_657 = arith.index_cast %mul3A_654 : i32 to index
        %get3A_658 = tpu.vector_load %arg6[%get3A_656, %get3A_657] {strides = array<i32>} : memref<2x4096xf32, #tpu.memory_space<vmem>>, vector<1x16xf32>,
        %get3A_659 = vector.shape_cast %get3A_658 : vector<1x16xf32> to vector<16xf32>
        %bitcast_convert_type3A_660 = tpu.bitcast %get3A_659 : vector<16xf32> -> vector<16xi32>
        %and3A_661 = arith.andi %bitcast_convert_type3A_652, %not3A_32 : vector<16xi32>
        %and3A_662 = arith.andi %bitcast_convert_type3A_660, %sub3A_31 : vector<16xi32>
        %or3A_663 = arith.ori %and3A_661, %and3A_662 : vector<16xi32>
        %bitcast_convert_type3A_664 = tpu.bitcast %or3A_663 : vector<16xi32> -> vector<16xf32>
        %mul3A_665 = arith.constant 16 : i32
        %mul3A_666 = arith.muli %scan3A_644, %mul3A_665 : i32
        %swap3A_667 = arith.constant 0 : i32
        %swap3A_668 = arith.index_cast %swap3A_667 : i32 to index
        %swap3A_669 = arith.index_cast %mul3A_666 : i32 to index
        %swap3A_670 = tpu.vector_load %arg7[%swap3A_668, %swap3A_669] {strides = array<i32>} : memref<8x4096xf32, #tpu.memory_space<vmem>>, vector<1x16xf32>,
        %swap3A_671 = vector.shape_cast %swap3A_670 : vector<1x16xf32> to vector<16xf32>
        %swap3A_672 = vector.shape_cast %bitcast_convert_type3A_664 : vector<16xf32> to vector<1x16xf32>
        tpu.vector_store %arg7[%swap3A_668, %swap3A_669], %swap3A_672 {strides = array<i32>} : memref<8x4096xf32, #tpu.memory_space<vmem>>, vector<1x16xf32>,
        %and3A_673 = arith.andi %bitcast_convert_type3A_652, %not3A_40 : vector<16xi32>
        %and3A_674 = arith.andi %bitcast_convert_type3A_660, %sub3A_38 : vector<16xi32>
        %or3A_675 = arith.ori %and3A_673, %and3A_674 : vector<16xi32>
        %bitcast_convert_type3A_676 = tpu.bitcast %or3A_675 : vector<16xi32> -> vector<16xf32>
        %mul3A_677 = arith.constant 16 : i32
        %mul3A_678 = arith.muli %scan3A_644, %mul3A_677 : i32
        %swap3A_679 = arith.constant 1 : i32
        %swap3A_680 = arith.index_cast %swap3A_679 : i32 to index
        %swap3A_681 = arith.index_cast %mul3A_678 : i32 to index
        %swap3A_682 = tpu.vector_load %arg7[%swap3A_680, %swap3A_681] {strides = array<i32>} : memref<8x4096xf32, #tpu.memory_space<vmem>>, vector<1x16xf32>,
        %swap3A_683 = vector.shape_cast %swap3A_682 : vector<1x16xf32> to vector<16xf32>
        %swap3A_684 = vector.shape_cast %bitcast_convert_type3A_676 : vector<16xf32> to vector<1x16xf32>
        tpu.vector_store %arg7[%swap3A_680, %swap3A_681], %swap3A_684 {strides = array<i32>} : memref<8x4096xf32, #tpu.memory_space<vmem>>, vector<1x16xf32>,
        %and3A_685 = arith.andi %bitcast_convert_type3A_652, %not3A_48 : vector<16xi32>
        %and3A_686 = arith.andi %bitcast_convert_type3A_660, %sub3A_46 : vector<16xi32>
        %or3A_687 = arith.ori %and3A_685, %and3A_686 : vector<16xi32>
        %bitcast_convert_type3A_688 = tpu.bitcast %or3A_687 : vector<16xi32> -> vector<16xf32>
        %mul3A_689 = arith.constant 16 : i32
        %mul3A_690 = arith.muli %scan3A_644, %mul3A_689 : i32
        %swap3A_691 = arith.constant 2 : i32
        %swap3A_692 = arith.index_cast %swap3A_691 : i32 to index
        %swap3A_693 = arith.index_cast %mul3A_690 : i32 to index
        %swap3A_694 = tpu.vector_load %arg7[%swap3A_692, %swap3A_693] {strides = array<i32>} : memref<8x4096xf32, #tpu.memory_space<vmem>>, vector<1x16xf32>,
        %swap3A_695 = vector.shape_cast %swap3A_694 : vector<1x16xf32> to vector<16xf32>
        %swap3A_696 = vector.shape_cast %bitcast_convert_type3A_688 : vector<16xf32> to vector<1x16xf32>
        tpu.vector_store %arg7[%swap3A_692, %swap3A_693], %swap3A_696 {strides = array<i32>} : memref<8x4096xf32, #tpu.memory_space<vmem>>, vector<1x16xf32>,
        %and3A_697 = arith.andi %bitcast_convert_type3A_652, %not3A_56 : vector<16xi32>
        %and3A_698 = arith.andi %bitcast_convert_type3A_660, %sub3A_54 : vector<16xi32>
        %or3A_699 = arith.ori %and3A_697, %and3A_698 : vector<16xi32>
        %bitcast_convert_type3A_700 = tpu.bitcast %or3A_699 : vector<16xi32> -> vector<16xf32>
        %mul3A_701 = arith.constant 16 : i32
        %mul3A_702 = arith.muli %scan3A_644, %mul3A_701 : i32
        %swap3A_703 = arith.constant 3 : i32
        %swap3A_704 = arith.index_cast %swap3A_703 : i32 to index
        %swap3A_705 = arith.index_cast %mul3A_702 : i32 to index
        %swap3A_706 = tpu.vector_load %arg7[%swap3A_704, %swap3A_705] {strides = array<i32>} : memref<8x4096xf32, #tpu.memory_space<vmem>>, vector<1x16xf32>,
        %swap3A_707 = vector.shape_cast %swap3A_706 : vector<1x16xf32> to vector<16xf32>
        %swap3A_708 = vector.shape_cast %bitcast_convert_type3A_700 : vector<16xf32> to vector<1x16xf32>
        tpu.vector_store %arg7[%swap3A_704, %swap3A_705], %swap3A_708 {strides = array<i32>} : memref<8x4096xf32, #tpu.memory_space<vmem>>, vector<1x16xf32>,
        %and3A_709 = arith.andi %bitcast_convert_type3A_652, %not3A_64 : vector<16xi32>
        %and3A_710 = arith.andi %bitcast_convert_type3A_660, %sub3A_62 : vector<16xi32>
        %or3A_711 = arith.ori %and3A_709, %and3A_710 : vector<16xi32>
        %bitcast_convert_type3A_712 = tpu.bitcast %or3A_711 : vector<16xi32> -> vector<16xf32>
        %mul3A_713 = arith.constant 16 : i32
        %mul3A_714 = arith.muli %scan3A_644, %mul3A_713 : i32
        %swap3A_715 = arith.constant 4 : i32
        %swap3A_716 = arith.index_cast %swap3A_715 : i32 to index
        %swap3A_717 = arith.index_cast %mul3A_714 : i32 to index
        %swap3A_718 = tpu.vector_load %arg7[%swap3A_716, %swap3A_717] {strides = array<i32>} : memref<8x4096xf32, #tpu.memory_space<vmem>>, vector<1x16xf32>,
        %swap3A_719 = vector.shape_cast %swap3A_718 : vector<1x16xf32> to vector<16xf32>
        %swap3A_720 = vector.shape_cast %bitcast_convert_type3A_712 : vector<16xf32> to vector<1x16xf32>
        tpu.vector_store %arg7[%swap3A_716, %swap3A_717], %swap3A_720 {strides = array<i32>} : memref<8x4096xf32, #tpu.memory_space<vmem>>, vector<1x16xf32>,
        %and3A_721 = arith.andi %bitcast_convert_type3A_652, %not3A_72 : vector<16xi32>
        %and3A_722 = arith.andi %bitcast_convert_type3A_660, %sub3A_70 : vector<16xi32>
        %or3A_723 = arith.ori %and3A_721, %and3A_722 : vector<16xi32>
        %bitcast_convert_type3A_724 = tpu.bitcast %or3A_723 : vector<16xi32> -> vector<16xf32>
        %mul3A_725 = arith.constant 16 : i32
        %mul3A_726 = arith.muli %scan3A_644, %mul3A_725 : i32
        %swap3A_727 = arith.constant 5 : i32
        %swap3A_728 = arith.index_cast %swap3A_727 : i32 to index
        %swap3A_729 = arith.index_cast %mul3A_726 : i32 to index
        %swap3A_730 = tpu.vector_load %arg7[%swap3A_728, %swap3A_729] {strides = array<i32>} : memref<8x4096xf32, #tpu.memory_space<vmem>>, vector<1x16xf32>,
        %swap3A_731 = vector.shape_cast %swap3A_730 : vector<1x16xf32> to vector<16xf32>
        %swap3A_732 = vector.shape_cast %bitcast_convert_type3A_724 : vector<16xf32> to vector<1x16xf32>
        tpu.vector_store %arg7[%swap3A_728, %swap3A_729], %swap3A_732 {strides = array<i32>} : memref<8x4096xf32, #tpu.memory_space<vmem>>, vector<1x16xf32>,
        %and3A_733 = arith.andi %bitcast_convert_type3A_652, %not3A_80 : vector<16xi32>
        %and3A_734 = arith.andi %bitcast_convert_type3A_660, %sub3A_78 : vector<16xi32>
        %or3A_735 = arith.ori %and3A_733, %and3A_734 : vector<16xi32>
        %bitcast_convert_type3A_736 = tpu.bitcast %or3A_735 : vector<16xi32> -> vector<16xf32>
        %mul3A_737 = arith.constant 16 : i32
        %mul3A_738 = arith.muli %scan3A_644, %mul3A_737 : i32
        %swap3A_739 = arith.constant 6 : i32
        %swap3A_740 = arith.index_cast %swap3A_739 : i32 to index
        %swap3A_741 = arith.index_cast %mul3A_738 : i32 to index
        %swap3A_742 = tpu.vector_load %arg7[%swap3A_740, %swap3A_741] {strides = array<i32>} : memref<8x4096xf32, #tpu.memory_space<vmem>>, vector<1x16xf32>,
        %swap3A_743 = vector.shape_cast %swap3A_742 : vector<1x16xf32> to vector<16xf32>
        %swap3A_744 = vector.shape_cast %bitcast_convert_type3A_736 : vector<16xf32> to vector<1x16xf32>
        tpu.vector_store %arg7[%swap3A_740, %swap3A_741], %swap3A_744 {strides = array<i32>} : memref<8x4096xf32, #tpu.memory_space<vmem>>, vector<1x16xf32>,
        %and3A_745 = arith.andi %bitcast_convert_type3A_652, %not3A_88 : vector<16xi32>
        %and3A_746 = arith.andi %bitcast_convert_type3A_660, %sub3A_86 : vector<16xi32>
        %or3A_747 = arith.ori %and3A_745, %and3A_746 : vector<16xi32>
        %bitcast_convert_type3A_748 = tpu.bitcast %or3A_747 : vector<16xi32> -> vector<16xf32>
        %mul3A_749 = arith.constant 16 : i32
        %mul3A_750 = arith.muli %scan3A_644, %mul3A_749 : i32
        %swap3A_751 = arith.constant 7 : i32
        %swap3A_752 = arith.index_cast %swap3A_751 : i32 to index
        %swap3A_753 = arith.index_cast %mul3A_750 : i32 to index
        %swap3A_754 = tpu.vector_load %arg7[%swap3A_752, %swap3A_753] {strides = array<i32>} : memref<8x4096xf32, #tpu.memory_space<vmem>>, vector<1x16xf32>,
        %swap3A_755 = vector.shape_cast %swap3A_754 : vector<1x16xf32> to vector<16xf32>
        %swap3A_756 = vector.shape_cast %bitcast_convert_type3A_748 : vector<16xf32> to vector<1x16xf32>
        tpu.vector_store %arg7[%swap3A_752, %swap3A_753], %swap3A_756 {strides = array<i32>} : memref<8x4096xf32, #tpu.memory_space<vmem>>, vector<1x16xf32>,
        %scan3A_757 = arith.constant 5 : i32
        %scan3A_758 = arith.addi %scan3A_192, %scan3A_757 : i32
        %mul3A_759 = arith.constant 16 : i32
        %mul3A_760 = arith.muli %scan3A_758, %mul3A_759 : i32
        %get3A_761 = arith.constant 0 : i32
        %get3A_762 = arith.index_cast %get3A_761 : i32 to index
        %get3A_763 = arith.index_cast %mul3A_760 : i32 to index
        %get3A_764 = tpu.vector_load %arg6[%get3A_762, %get3A_763] {strides = array<i32>} : memref<2x4096xf32, #tpu.memory_space<vmem>>, vector<1x16xf32>,
        %get3A_765 = vector.shape_cast %get3A_764 : vector<1x16xf32> to vector<16xf32>
        %bitcast_convert_type3A_766 = tpu.bitcast %get3A_765 : vector<16xf32> -> vector<16xi32>
        %mul3A_767 = arith.constant 16 : i32
        %mul3A_768 = arith.muli %scan3A_758, %mul3A_767 : i32
        %get3A_769 = arith.constant 1 : i32
        %get3A_770 = arith.index_cast %get3A_769 : i32 to index
        %get3A_771 = arith.index_cast %mul3A_768 : i32 to index
        %get3A_772 = tpu.vector_load %arg6[%get3A_770, %get3A_771] {strides = array<i32>} : memref<2x4096xf32, #tpu.memory_space<vmem>>, vector<1x16xf32>,
        %get3A_773 = vector.shape_cast %get3A_772 : vector<1x16xf32> to vector<16xf32>
        %bitcast_convert_type3A_774 = tpu.bitcast %get3A_773 : vector<16xf32> -> vector<16xi32>
        %and3A_775 = arith.andi %bitcast_convert_type3A_766, %not3A_32 : vector<16xi32>
        %and3A_776 = arith.andi %bitcast_convert_type3A_774, %sub3A_31 : vector<16xi32>
        %or3A_777 = arith.ori %and3A_775, %and3A_776 : vector<16xi32>
        %bitcast_convert_type3A_778 = tpu.bitcast %or3A_777 : vector<16xi32> -> vector<16xf32>
        %mul3A_779 = arith.constant 16 : i32
        %mul3A_780 = arith.muli %scan3A_758, %mul3A_779 : i32
        %swap3A_781 = arith.constant 0 : i32
        %swap3A_782 = arith.index_cast %swap3A_781 : i32 to index
        %swap3A_783 = arith.index_cast %mul3A_780 : i32 to index
        %swap3A_784 = tpu.vector_load %arg7[%swap3A_782, %swap3A_783] {strides = array<i32>} : memref<8x4096xf32, #tpu.memory_space<vmem>>, vector<1x16xf32>,
        %swap3A_785 = vector.shape_cast %swap3A_784 : vector<1x16xf32> to vector<16xf32>
        %swap3A_786 = vector.shape_cast %bitcast_convert_type3A_778 : vector<16xf32> to vector<1x16xf32>
        tpu.vector_store %arg7[%swap3A_782, %swap3A_783], %swap3A_786 {strides = array<i32>} : memref<8x4096xf32, #tpu.memory_space<vmem>>, vector<1x16xf32>,
        %and3A_787 = arith.andi %bitcast_convert_type3A_766, %not3A_40 : vector<16xi32>
        %and3A_788 = arith.andi %bitcast_convert_type3A_774, %sub3A_38 : vector<16xi32>
        %or3A_789 = arith.ori %and3A_787, %and3A_788 : vector<16xi32>
        %bitcast_convert_type3A_790 = tpu.bitcast %or3A_789 : vector<16xi32> -> vector<16xf32>
        %mul3A_791 = arith.constant 16 : i32
        %mul3A_792 = arith.muli %scan3A_758, %mul3A_791 : i32
        %swap3A_793 = arith.constant 1 : i32
        %swap3A_794 = arith.index_cast %swap3A_793 : i32 to index
        %swap3A_795 = arith.index_cast %mul3A_792 : i32 to index
        %swap3A_796 = tpu.vector_load %arg7[%swap3A_794, %swap3A_795] {strides = array<i32>} : memref<8x4096xf32, #tpu.memory_space<vmem>>, vector<1x16xf32>,
        %swap3A_797 = vector.shape_cast %swap3A_796 : vector<1x16xf32> to vector<16xf32>
        %swap3A_798 = vector.shape_cast %bitcast_convert_type3A_790 : vector<16xf32> to vector<1x16xf32>
        tpu.vector_store %arg7[%swap3A_794, %swap3A_795], %swap3A_798 {strides = array<i32>} : memref<8x4096xf32, #tpu.memory_space<vmem>>, vector<1x16xf32>,
        %and3A_799 = arith.andi %bitcast_convert_type3A_766, %not3A_48 : vector<16xi32>
        %and3A_800 = arith.andi %bitcast_convert_type3A_774, %sub3A_46 : vector<16xi32>
        %or3A_801 = arith.ori %and3A_799, %and3A_800 : vector<16xi32>
        %bitcast_convert_type3A_802 = tpu.bitcast %or3A_801 : vector<16xi32> -> vector<16xf32>
        %mul3A_803 = arith.constant 16 : i32
        %mul3A_804 = arith.muli %scan3A_758, %mul3A_803 : i32
        %swap3A_805 = arith.constant 2 : i32
        %swap3A_806 = arith.index_cast %swap3A_805 : i32 to index
        %swap3A_807 = arith.index_cast %mul3A_804 : i32 to index
        %swap3A_808 = tpu.vector_load %arg7[%swap3A_806, %swap3A_807] {strides = array<i32>} : memref<8x4096xf32, #tpu.memory_space<vmem>>, vector<1x16xf32>,
        %swap3A_809 = vector.shape_cast %swap3A_808 : vector<1x16xf32> to vector<16xf32>
        %swap3A_810 = vector.shape_cast %bitcast_convert_type3A_802 : vector<16xf32> to vector<1x16xf32>
        tpu.vector_store %arg7[%swap3A_806, %swap3A_807], %swap3A_810 {strides = array<i32>} : memref<8x4096xf32, #tpu.memory_space<vmem>>, vector<1x16xf32>,
        %and3A_811 = arith.andi %bitcast_convert_type3A_766, %not3A_56 : vector<16xi32>
        %and3A_812 = arith.andi %bitcast_convert_type3A_774, %sub3A_54 : vector<16xi32>
        %or3A_813 = arith.ori %and3A_811, %and3A_812 : vector<16xi32>
        %bitcast_convert_type3A_814 = tpu.bitcast %or3A_813 : vector<16xi32> -> vector<16xf32>
        %mul3A_815 = arith.constant 16 : i32
        %mul3A_816 = arith.muli %scan3A_758, %mul3A_815 : i32
        %swap3A_817 = arith.constant 3 : i32
        %swap3A_818 = arith.index_cast %swap3A_817 : i32 to index
        %swap3A_819 = arith.index_cast %mul3A_816 : i32 to index
        %swap3A_820 = tpu.vector_load %arg7[%swap3A_818, %swap3A_819] {strides = array<i32>} : memref<8x4096xf32, #tpu.memory_space<vmem>>, vector<1x16xf32>,
        %swap3A_821 = vector.shape_cast %swap3A_820 : vector<1x16xf32> to vector<16xf32>
        %swap3A_822 = vector.shape_cast %bitcast_convert_type3A_814 : vector<16xf32> to vector<1x16xf32>
        tpu.vector_store %arg7[%swap3A_818, %swap3A_819], %swap3A_822 {strides = array<i32>} : memref<8x4096xf32, #tpu.memory_space<vmem>>, vector<1x16xf32>,
        %and3A_823 = arith.andi %bitcast_convert_type3A_766, %not3A_64 : vector<16xi32>
        %and3A_824 = arith.andi %bitcast_convert_type3A_774, %sub3A_62 : vector<16xi32>
        %or3A_825 = arith.ori %and3A_823, %and3A_824 : vector<16xi32>
        %bitcast_convert_type3A_826 = tpu.bitcast %or3A_825 : vector<16xi32> -> vector<16xf32>
        %mul3A_827 = arith.constant 16 : i32
        %mul3A_828 = arith.muli %scan3A_758, %mul3A_827 : i32
        %swap3A_829 = arith.constant 4 : i32
        %swap3A_830 = arith.index_cast %swap3A_829 : i32 to index
        %swap3A_831 = arith.index_cast %mul3A_828 : i32 to index
        %swap3A_832 = tpu.vector_load %arg7[%swap3A_830, %swap3A_831] {strides = array<i32>} : memref<8x4096xf32, #tpu.memory_space<vmem>>, vector<1x16xf32>,
        %swap3A_833 = vector.shape_cast %swap3A_832 : vector<1x16xf32> to vector<16xf32>
        %swap3A_834 = vector.shape_cast %bitcast_convert_type3A_826 : vector<16xf32> to vector<1x16xf32>
        tpu.vector_store %arg7[%swap3A_830, %swap3A_831], %swap3A_834 {strides = array<i32>} : memref<8x4096xf32, #tpu.memory_space<vmem>>, vector<1x16xf32>,
        %and3A_835 = arith.andi %bitcast_convert_type3A_766, %not3A_72 : vector<16xi32>
        %and3A_836 = arith.andi %bitcast_convert_type3A_774, %sub3A_70 : vector<16xi32>
        %or3A_837 = arith.ori %and3A_835, %and3A_836 : vector<16xi32>
        %bitcast_convert_type3A_838 = tpu.bitcast %or3A_837 : vector<16xi32> -> vector<16xf32>
        %mul3A_839 = arith.constant 16 : i32
        %mul3A_840 = arith.muli %scan3A_758, %mul3A_839 : i32
        %swap3A_841 = arith.constant 5 : i32
        %swap3A_842 = arith.index_cast %swap3A_841 : i32 to index
        %swap3A_843 = arith.index_cast %mul3A_840 : i32 to index
        %swap3A_844 = tpu.vector_load %arg7[%swap3A_842, %swap3A_843] {strides = array<i32>} : memref<8x4096xf32, #tpu.memory_space<vmem>>, vector<1x16xf32>,
        %swap3A_845 = vector.shape_cast %swap3A_844 : vector<1x16xf32> to vector<16xf32>
        %swap3A_846 = vector.shape_cast %bitcast_convert_type3A_838 : vector<16xf32> to vector<1x16xf32>
        tpu.vector_store %arg7[%swap3A_842, %swap3A_843], %swap3A_846 {strides = array<i32>} : memref<8x4096xf32, #tpu.memory_space<vmem>>, vector<1x16xf32>,
        %and3A_847 = arith.andi %bitcast_convert_type3A_766, %not3A_80 : vector<16xi32>
        %and3A_848 = arith.andi %bitcast_convert_type3A_774, %sub3A_78 : vector<16xi32>
        %or3A_849 = arith.ori %and3A_847, %and3A_848 : vector<16xi32>
        %bitcast_convert_type3A_850 = tpu.bitcast %or3A_849 : vector<16xi32> -> vector<16xf32>
        %mul3A_851 = arith.constant 16 : i32
        %mul3A_852 = arith.muli %scan3A_758, %mul3A_851 : i32
        %swap3A_853 = arith.constant 6 : i32
        %swap3A_854 = arith.index_cast %swap3A_853 : i32 to index
        %swap3A_855 = arith.index_cast %mul3A_852 : i32 to index
        %swap3A_856 = tpu.vector_load %arg7[%swap3A_854, %swap3A_855] {strides = array<i32>} : memref<8x4096xf32, #tpu.memory_space<vmem>>, vector<1x16xf32>,
        %swap3A_857 = vector.shape_cast %swap3A_856 : vector<1x16xf32> to vector<16xf32>
        %swap3A_858 = vector.shape_cast %bitcast_convert_type3A_850 : vector<16xf32> to vector<1x16xf32>
        tpu.vector_store %arg7[%swap3A_854, %swap3A_855], %swap3A_858 {strides = array<i32>} : memref<8x4096xf32, #tpu.memory_space<vmem>>, vector<1x16xf32>,
        %and3A_859 = arith.andi %bitcast_convert_type3A_766, %not3A_88 : vector<16xi32>
        %and3A_860 = arith.andi %bitcast_convert_type3A_774, %sub3A_86 : vector<16xi32>
        %or3A_861 = arith.ori %and3A_859, %and3A_860 : vector<16xi32>
        %bitcast_convert_type3A_862 = tpu.bitcast %or3A_861 : vector<16xi32> -> vector<16xf32>
        %mul3A_863 = arith.constant 16 : i32
        %mul3A_864 = arith.muli %scan3A_758, %mul3A_863 : i32
        %swap3A_865 = arith.constant 7 : i32
        %swap3A_866 = arith.index_cast %swap3A_865 : i32 to index
        %swap3A_867 = arith.index_cast %mul3A_864 : i32 to index
        %swap3A_868 = tpu.vector_load %arg7[%swap3A_866, %swap3A_867] {strides = array<i32>} : memref<8x4096xf32, #tpu.memory_space<vmem>>, vector<1x16xf32>,
        %swap3A_869 = vector.shape_cast %swap3A_868 : vector<1x16xf32> to vector<16xf32>
        %swap3A_870 = vector.shape_cast %bitcast_convert_type3A_862 : vector<16xf32> to vector<1x16xf32>
        tpu.vector_store %arg7[%swap3A_866, %swap3A_867], %swap3A_870 {strides = array<i32>} : memref<8x4096xf32, #tpu.memory_space<vmem>>, vector<1x16xf32>,
        %scan3A_871 = arith.constant 6 : i32
        %scan3A_872 = arith.addi %scan3A_192, %scan3A_871 : i32
        %mul3A_873 = arith.constant 16 : i32
        %mul3A_874 = arith.muli %scan3A_872, %mul3A_873 : i32
        %get3A_875 = arith.constant 0 : i32
        %get3A_876 = arith.index_cast %get3A_875 : i32 to index
        %get3A_877 = arith.index_cast %mul3A_874 : i32 to index
        %get3A_878 = tpu.vector_load %arg6[%get3A_876, %get3A_877] {strides = array<i32>} : memref<2x4096xf32, #tpu.memory_space<vmem>>, vector<1x16xf32>,
        %get3A_879 = vector.shape_cast %get3A_878 : vector<1x16xf32> to vector<16xf32>
        %bitcast_convert_type3A_880 = tpu.bitcast %get3A_879 : vector<16xf32> -> vector<16xi32>
        %mul3A_881 = arith.constant 16 : i32
        %mul3A_882 = arith.muli %scan3A_872, %mul3A_881 : i32
        %get3A_883 = arith.constant 1 : i32
        %get3A_884 = arith.index_cast %get3A_883 : i32 to index
        %get3A_885 = arith.index_cast %mul3A_882 : i32 to index
        %get3A_886 = tpu.vector_load %arg6[%get3A_884, %get3A_885] {strides = array<i32>} : memref<2x4096xf32, #tpu.memory_space<vmem>>, vector<1x16xf32>,
        %get3A_887 = vector.shape_cast %get3A_886 : vector<1x16xf32> to vector<16xf32>
        %bitcast_convert_type3A_888 = tpu.bitcast %get3A_887 : vector<16xf32> -> vector<16xi32>
        %and3A_889 = arith.andi %bitcast_convert_type3A_880, %not3A_32 : vector<16xi32>
        %and3A_890 = arith.andi %bitcast_convert_type3A_888, %sub3A_31 : vector<16xi32>
        %or3A_891 = arith.ori %and3A_889, %and3A_890 : vector<16xi32>
        %bitcast_convert_type3A_892 = tpu.bitcast %or3A_891 : vector<16xi32> -> vector<16xf32>
        %mul3A_893 = arith.constant 16 : i32
        %mul3A_894 = arith.muli %scan3A_872, %mul3A_893 : i32
        %swap3A_895 = arith.constant 0 : i32
        %swap3A_896 = arith.index_cast %swap3A_895 : i32 to index
        %swap3A_897 = arith.index_cast %mul3A_894 : i32 to index
        %swap3A_898 = tpu.vector_load %arg7[%swap3A_896, %swap3A_897] {strides = array<i32>} : memref<8x4096xf32, #tpu.memory_space<vmem>>, vector<1x16xf32>,
        %swap3A_899 = vector.shape_cast %swap3A_898 : vector<1x16xf32> to vector<16xf32>
        %swap3A_900 = vector.shape_cast %bitcast_convert_type3A_892 : vector<16xf32> to vector<1x16xf32>
        tpu.vector_store %arg7[%swap3A_896, %swap3A_897], %swap3A_900 {strides = array<i32>} : memref<8x4096xf32, #tpu.memory_space<vmem>>, vector<1x16xf32>,
        %and3A_901 = arith.andi %bitcast_convert_type3A_880, %not3A_40 : vector<16xi32>
        %and3A_902 = arith.andi %bitcast_convert_type3A_888, %sub3A_38 : vector<16xi32>
        %or3A_903 = arith.ori %and3A_901, %and3A_902 : vector<16xi32>
        %bitcast_convert_type3A_904 = tpu.bitcast %or3A_903 : vector<16xi32> -> vector<16xf32>
        %mul3A_905 = arith.constant 16 : i32
        %mul3A_906 = arith.muli %scan3A_872, %mul3A_905 : i32
        %swap3A_907 = arith.constant 1 : i32
        %swap3A_908 = arith.index_cast %swap3A_907 : i32 to index
        %swap3A_909 = arith.index_cast %mul3A_906 : i32 to index
        %swap3A_910 = tpu.vector_load %arg7[%swap3A_908, %swap3A_909] {strides = array<i32>} : memref<8x4096xf32, #tpu.memory_space<vmem>>, vector<1x16xf32>,
        %swap3A_911 = vector.shape_cast %swap3A_910 : vector<1x16xf32> to vector<16xf32>
        %swap3A_912 = vector.shape_cast %bitcast_convert_type3A_904 : vector<16xf32> to vector<1x16xf32>
        tpu.vector_store %arg7[%swap3A_908, %swap3A_909], %swap3A_912 {strides = array<i32>} : memref<8x4096xf32, #tpu.memory_space<vmem>>, vector<1x16xf32>,
        %and3A_913 = arith.andi %bitcast_convert_type3A_880, %not3A_48 : vector<16xi32>
        %and3A_914 = arith.andi %bitcast_convert_type3A_888, %sub3A_46 : vector<16xi32>
        %or3A_915 = arith.ori %and3A_913, %and3A_914 : vector<16xi32>
        %bitcast_convert_type3A_916 = tpu.bitcast %or3A_915 : vector<16xi32> -> vector<16xf32>
        %mul3A_917 = arith.constant 16 : i32
        %mul3A_918 = arith.muli %scan3A_872, %mul3A_917 : i32
        %swap3A_919 = arith.constant 2 : i32
        %swap3A_920 = arith.index_cast %swap3A_919 : i32 to index
        %swap3A_921 = arith.index_cast %mul3A_918 : i32 to index
        %swap3A_922 = tpu.vector_load %arg7[%swap3A_920, %swap3A_921] {strides = array<i32>} : memref<8x4096xf32, #tpu.memory_space<vmem>>, vector<1x16xf32>,
        %swap3A_923 = vector.shape_cast %swap3A_922 : vector<1x16xf32> to vector<16xf32>
        %swap3A_924 = vector.shape_cast %bitcast_convert_type3A_916 : vector<16xf32> to vector<1x16xf32>
        tpu.vector_store %arg7[%swap3A_920, %swap3A_921], %swap3A_924 {strides = array<i32>} : memref<8x4096xf32, #tpu.memory_space<vmem>>, vector<1x16xf32>,
        %and3A_925 = arith.andi %bitcast_convert_type3A_880, %not3A_56 : vector<16xi32>
        %and3A_926 = arith.andi %bitcast_convert_type3A_888, %sub3A_54 : vector<16xi32>
        %or3A_927 = arith.ori %and3A_925, %and3A_926 : vector<16xi32>
        %bitcast_convert_type3A_928 = tpu.bitcast %or3A_927 : vector<16xi32> -> vector<16xf32>
        %mul3A_929 = arith.constant 16 : i32
        %mul3A_930 = arith.muli %scan3A_872, %mul3A_929 : i32
        %swap3A_931 = arith.constant 3 : i32
        %swap3A_932 = arith.index_cast %swap3A_931 : i32 to index
        %swap3A_933 = arith.index_cast %mul3A_930 : i32 to index
        %swap3A_934 = tpu.vector_load %arg7[%swap3A_932, %swap3A_933] {strides = array<i32>} : memref<8x4096xf32, #tpu.memory_space<vmem>>, vector<1x16xf32>,
        %swap3A_935 = vector.shape_cast %swap3A_934 : vector<1x16xf32> to vector<16xf32>
        %swap3A_936 = vector.shape_cast %bitcast_convert_type3A_928 : vector<16xf32> to vector<1x16xf32>
        tpu.vector_store %arg7[%swap3A_932, %swap3A_933], %swap3A_936 {strides = array<i32>} : memref<8x4096xf32, #tpu.memory_space<vmem>>, vector<1x16xf32>,
        %and3A_937 = arith.andi %bitcast_convert_type3A_880, %not3A_64 : vector<16xi32>
        %and3A_938 = arith.andi %bitcast_convert_type3A_888, %sub3A_62 : vector<16xi32>
        %or3A_939 = arith.ori %and3A_937, %and3A_938 : vector<16xi32>
        %bitcast_convert_type3A_940 = tpu.bitcast %or3A_939 : vector<16xi32> -> vector<16xf32>
        %mul3A_941 = arith.constant 16 : i32
        %mul3A_942 = arith.muli %scan3A_872, %mul3A_941 : i32
        %swap3A_943 = arith.constant 4 : i32
        %swap3A_944 = arith.index_cast %swap3A_943 : i32 to index
        %swap3A_945 = arith.index_cast %mul3A_942 : i32 to index
        %swap3A_946 = tpu.vector_load %arg7[%swap3A_944, %swap3A_945] {strides = array<i32>} : memref<8x4096xf32, #tpu.memory_space<vmem>>, vector<1x16xf32>,
        %swap3A_947 = vector.shape_cast %swap3A_946 : vector<1x16xf32> to vector<16xf32>
        %swap3A_948 = vector.shape_cast %bitcast_convert_type3A_940 : vector<16xf32> to vector<1x16xf32>
        tpu.vector_store %arg7[%swap3A_944, %swap3A_945], %swap3A_948 {strides = array<i32>} : memref<8x4096xf32, #tpu.memory_space<vmem>>, vector<1x16xf32>,
        %and3A_949 = arith.andi %bitcast_convert_type3A_880, %not3A_72 : vector<16xi32>
        %and3A_950 = arith.andi %bitcast_convert_type3A_888, %sub3A_70 : vector<16xi32>
        %or3A_951 = arith.ori %and3A_949, %and3A_950 : vector<16xi32>
        %bitcast_convert_type3A_952 = tpu.bitcast %or3A_951 : vector<16xi32> -> vector<16xf32>
        %mul3A_953 = arith.constant 16 : i32
        %mul3A_954 = arith.muli %scan3A_872, %mul3A_953 : i32
        %swap3A_955 = arith.constant 5 : i32
        %swap3A_956 = arith.index_cast %swap3A_955 : i32 to index
        %swap3A_957 = arith.index_cast %mul3A_954 : i32 to index
        %swap3A_958 = tpu.vector_load %arg7[%swap3A_956, %swap3A_957] {strides = array<i32>} : memref<8x4096xf32, #tpu.memory_space<vmem>>, vector<1x16xf32>,
        %swap3A_959 = vector.shape_cast %swap3A_958 : vector<1x16xf32> to vector<16xf32>
        %swap3A_960 = vector.shape_cast %bitcast_convert_type3A_952 : vector<16xf32> to vector<1x16xf32>
        tpu.vector_store %arg7[%swap3A_956, %swap3A_957], %swap3A_960 {strides = array<i32>} : memref<8x4096xf32, #tpu.memory_space<vmem>>, vector<1x16xf32>,
        %and3A_961 = arith.andi %bitcast_convert_type3A_880, %not3A_80 : vector<16xi32>
        %and3A_962 = arith.andi %bitcast_convert_type3A_888, %sub3A_78 : vector<16xi32>
        %or3A_963 = arith.ori %and3A_961, %and3A_962 : vector<16xi32>
        %bitcast_convert_type3A_964 = tpu.bitcast %or3A_963 : vector<16xi32> -> vector<16xf32>
        %mul3A_965 = arith.constant 16 : i32
        %mul3A_966 = arith.muli %scan3A_872, %mul3A_965 : i32
        %swap3A_967 = arith.constant 6 : i32
        %swap3A_968 = arith.index_cast %swap3A_967 : i32 to index
        %swap3A_969 = arith.index_cast %mul3A_966 : i32 to index
        %swap3A_970 = tpu.vector_load %arg7[%swap3A_968, %swap3A_969] {strides = array<i32>} : memref<8x4096xf32, #tpu.memory_space<vmem>>, vector<1x16xf32>,
        %swap3A_971 = vector.shape_cast %swap3A_970 : vector<1x16xf32> to vector<16xf32>
        %swap3A_972 = vector.shape_cast %bitcast_convert_type3A_964 : vector<16xf32> to vector<1x16xf32>
        tpu.vector_store %arg7[%swap3A_968, %swap3A_969], %swap3A_972 {strides = array<i32>} : memref<8x4096xf32, #tpu.memory_space<vmem>>, vector<1x16xf32>,
        %and3A_973 = arith.andi %bitcast_convert_type3A_880, %not3A_88 : vector<16xi32>
        %and3A_974 = arith.andi %bitcast_convert_type3A_888, %sub3A_86 : vector<16xi32>
        %or3A_975 = arith.ori %and3A_973, %and3A_974 : vector<16xi32>
        %bitcast_convert_type3A_976 = tpu.bitcast %or3A_975 : vector<16xi32> -> vector<16xf32>
        %mul3A_977 = arith.constant 16 : i32
        %mul3A_978 = arith.muli %scan3A_872, %mul3A_977 : i32
        %swap3A_979 = arith.constant 7 : i32
        %swap3A_980 = arith.index_cast %swap3A_979 : i32 to index
        %swap3A_981 = arith.index_cast %mul3A_978 : i32 to index
        %swap3A_982 = tpu.vector_load %arg7[%swap3A_980, %swap3A_981] {strides = array<i32>} : memref<8x4096xf32, #tpu.memory_space<vmem>>, vector<1x16xf32>,
        %swap3A_983 = vector.shape_cast %swap3A_982 : vector<1x16xf32> to vector<16xf32>
        %swap3A_984 = vector.shape_cast %bitcast_convert_type3A_976 : vector<16xf32> to vector<1x16xf32>
        tpu.vector_store %arg7[%swap3A_980, %swap3A_981], %swap3A_984 {strides = array<i32>} : memref<8x4096xf32, #tpu.memory_space<vmem>>, vector<1x16xf32>,
        %scan3A_985 = arith.constant 7 : i32
        %scan3A_986 = arith.addi %scan3A_192, %scan3A_985 : i32
        %mul3A_987 = arith.constant 16 : i32
        %mul3A_988 = arith.muli %scan3A_986, %mul3A_987 : i32
        %get3A_989 = arith.constant 0 : i32
        %get3A_990 = arith.index_cast %get3A_989 : i32 to index
        %get3A_991 = arith.index_cast %mul3A_988 : i32 to index
        %get3A_992 = tpu.vector_load %arg6[%get3A_990, %get3A_991] {strides = array<i32>} : memref<2x4096xf32, #tpu.memory_space<vmem>>, vector<1x16xf32>,
        %get3A_993 = vector.shape_cast %get3A_992 : vector<1x16xf32> to vector<16xf32>
        %bitcast_convert_type3A_994 = tpu.bitcast %get3A_993 : vector<16xf32> -> vector<16xi32>
        %mul3A_995 = arith.constant 16 : i32
        %mul3A_996 = arith.muli %scan3A_986, %mul3A_995 : i32
        %get3A_997 = arith.constant 1 : i32
        %get3A_998 = arith.index_cast %get3A_997 : i32 to index
        %get3A_999 = arith.index_cast %mul3A_996 : i32 to index
        %get3A_1000 = tpu.vector_load %arg6[%get3A_998, %get3A_999] {strides = array<i32>} : memref<2x4096xf32, #tpu.memory_space<vmem>>, vector<1x16xf32>,
        %get3A_1001 = vector.shape_cast %get3A_1000 : vector<1x16xf32> to vector<16xf32>
        %bitcast_convert_type3A_1002 = tpu.bitcast %get3A_1001 : vector<16xf32> -> vector<16xi32>
        %and3A_1003 = arith.andi %bitcast_convert_type3A_994, %not3A_32 : vector<16xi32>
        %and3A_1004 = arith.andi %bitcast_convert_type3A_1002, %sub3A_31 : vector<16xi32>
        %or3A_1005 = arith.ori %and3A_1003, %and3A_1004 : vector<16xi32>
        %bitcast_convert_type3A_1006 = tpu.bitcast %or3A_1005 : vector<16xi32> -> vector<16xf32>
        %mul3A_1007 = arith.constant 16 : i32
        %mul3A_1008 = arith.muli %scan3A_986, %mul3A_1007 : i32
        %swap3A_1009 = arith.constant 0 : i32
        %swap3A_1010 = arith.index_cast %swap3A_1009 : i32 to index
        %swap3A_1011 = arith.index_cast %mul3A_1008 : i32 to index
        %swap3A_1012 = tpu.vector_load %arg7[%swap3A_1010, %swap3A_1011] {strides = array<i32>} : memref<8x4096xf32, #tpu.memory_space<vmem>>, vector<1x16xf32>,
        %swap3A_1013 = vector.shape_cast %swap3A_1012 : vector<1x16xf32> to vector<16xf32>
        %swap3A_1014 = vector.shape_cast %bitcast_convert_type3A_1006 : vector<16xf32> to vector<1x16xf32>
        tpu.vector_store %arg7[%swap3A_1010, %swap3A_1011], %swap3A_1014 {strides = array<i32>} : memref<8x4096xf32, #tpu.memory_space<vmem>>, vector<1x16xf32>,
        %and3A_1015 = arith.andi %bitcast_convert_type3A_994, %not3A_40 : vector<16xi32>
        %and3A_1016 = arith.andi %bitcast_convert_type3A_1002, %sub3A_38 : vector<16xi32>
        %or3A_1017 = arith.ori %and3A_1015, %and3A_1016 : vector<16xi32>
        %bitcast_convert_type3A_1018 = tpu.bitcast %or3A_1017 : vector<16xi32> -> vector<16xf32>
        %mul3A_1019 = arith.constant 16 : i32
        %mul3A_1020 = arith.muli %scan3A_986, %mul3A_1019 : i32
        %swap3A_1021 = arith.constant 1 : i32
        %swap3A_1022 = arith.index_cast %swap3A_1021 : i32 to index
        %swap3A_1023 = arith.index_cast %mul3A_1020 : i32 to index
        %swap3A_1024 = tpu.vector_load %arg7[%swap3A_1022, %swap3A_1023] {strides = array<i32>} : memref<8x4096xf32, #tpu.memory_space<vmem>>, vector<1x16xf32>,
        %swap3A_1025 = vector.shape_cast %swap3A_1024 : vector<1x16xf32> to vector<16xf32>
        %swap3A_1026 = vector.shape_cast %bitcast_convert_type3A_1018 : vector<16xf32> to vector<1x16xf32>
        tpu.vector_store %arg7[%swap3A_1022, %swap3A_1023], %swap3A_1026 {strides = array<i32>} : memref<8x4096xf32, #tpu.memory_space<vmem>>, vector<1x16xf32>,
        %and3A_1027 = arith.andi %bitcast_convert_type3A_994, %not3A_48 : vector<16xi32>
        %and3A_1028 = arith.andi %bitcast_convert_type3A_1002, %sub3A_46 : vector<16xi32>
        %or3A_1029 = arith.ori %and3A_1027, %and3A_1028 : vector<16xi32>
        %bitcast_convert_type3A_1030 = tpu.bitcast %or3A_1029 : vector<16xi32> -> vector<16xf32>
        %mul3A_1031 = arith.constant 16 : i32
        %mul3A_1032 = arith.muli %scan3A_986, %mul3A_1031 : i32
        %swap3A_1033 = arith.constant 2 : i32
        %swap3A_1034 = arith.index_cast %swap3A_1033 : i32 to index
        %swap3A_1035 = arith.index_cast %mul3A_1032 : i32 to index
        %swap3A_1036 = tpu.vector_load %arg7[%swap3A_1034, %swap3A_1035] {strides = array<i32>} : memref<8x4096xf32, #tpu.memory_space<vmem>>, vector<1x16xf32>,
        %swap3A_1037 = vector.shape_cast %swap3A_1036 : vector<1x16xf32> to vector<16xf32>
        %swap3A_1038 = vector.shape_cast %bitcast_convert_type3A_1030 : vector<16xf32> to vector<1x16xf32>
        tpu.vector_store %arg7[%swap3A_1034, %swap3A_1035], %swap3A_1038 {strides = array<i32>} : memref<8x4096xf32, #tpu.memory_space<vmem>>, vector<1x16xf32>,
        %and3A_1039 = arith.andi %bitcast_convert_type3A_994, %not3A_56 : vector<16xi32>
        %and3A_1040 = arith.andi %bitcast_convert_type3A_1002, %sub3A_54 : vector<16xi32>
        %or3A_1041 = arith.ori %and3A_1039, %and3A_1040 : vector<16xi32>
        %bitcast_convert_type3A_1042 = tpu.bitcast %or3A_1041 : vector<16xi32> -> vector<16xf32>
        %mul3A_1043 = arith.constant 16 : i32
        %mul3A_1044 = arith.muli %scan3A_986, %mul3A_1043 : i32
        %swap3A_1045 = arith.constant 3 : i32
        %swap3A_1046 = arith.index_cast %swap3A_1045 : i32 to index
        %swap3A_1047 = arith.index_cast %mul3A_1044 : i32 to index
        %swap3A_1048 = tpu.vector_load %arg7[%swap3A_1046, %swap3A_1047] {strides = array<i32>} : memref<8x4096xf32, #tpu.memory_space<vmem>>, vector<1x16xf32>,
        %swap3A_1049 = vector.shape_cast %swap3A_1048 : vector<1x16xf32> to vector<16xf32>
        %swap3A_1050 = vector.shape_cast %bitcast_convert_type3A_1042 : vector<16xf32> to vector<1x16xf32>
        tpu.vector_store %arg7[%swap3A_1046, %swap3A_1047], %swap3A_1050 {strides = array<i32>} : memref<8x4096xf32, #tpu.memory_space<vmem>>, vector<1x16xf32>,
        %and3A_1051 = arith.andi %bitcast_convert_type3A_994, %not3A_64 : vector<16xi32>
        %and3A_1052 = arith.andi %bitcast_convert_type3A_1002, %sub3A_62 : vector<16xi32>
        %or3A_1053 = arith.ori %and3A_1051, %and3A_1052 : vector<16xi32>
        %bitcast_convert_type3A_1054 = tpu.bitcast %or3A_1053 : vector<16xi32> -> vector<16xf32>
        %mul3A_1055 = arith.constant 16 : i32
        %mul3A_1056 = arith.muli %scan3A_986, %mul3A_1055 : i32
        %swap3A_1057 = arith.constant 4 : i32
        %swap3A_1058 = arith.index_cast %swap3A_1057 : i32 to index
        %swap3A_1059 = arith.index_cast %mul3A_1056 : i32 to index
        %swap3A_1060 = tpu.vector_load %arg7[%swap3A_1058, %swap3A_1059] {strides = array<i32>} : memref<8x4096xf32, #tpu.memory_space<vmem>>, vector<1x16xf32>,
        %swap3A_1061 = vector.shape_cast %swap3A_1060 : vector<1x16xf32> to vector<16xf32>
        %swap3A_1062 = vector.shape_cast %bitcast_convert_type3A_1054 : vector<16xf32> to vector<1x16xf32>
        tpu.vector_store %arg7[%swap3A_1058, %swap3A_1059], %swap3A_1062 {strides = array<i32>} : memref<8x4096xf32, #tpu.memory_space<vmem>>, vector<1x16xf32>,
        %and3A_1063 = arith.andi %bitcast_convert_type3A_994, %not3A_72 : vector<16xi32>
        %and3A_1064 = arith.andi %bitcast_convert_type3A_1002, %sub3A_70 : vector<16xi32>
        %or3A_1065 = arith.ori %and3A_1063, %and3A_1064 : vector<16xi32>
        %bitcast_convert_type3A_1066 = tpu.bitcast %or3A_1065 : vector<16xi32> -> vector<16xf32>
        %mul3A_1067 = arith.constant 16 : i32
        %mul3A_1068 = arith.muli %scan3A_986, %mul3A_1067 : i32
        %swap3A_1069 = arith.constant 5 : i32
        %swap3A_1070 = arith.index_cast %swap3A_1069 : i32 to index
        %swap3A_1071 = arith.index_cast %mul3A_1068 : i32 to index
        %swap3A_1072 = tpu.vector_load %arg7[%swap3A_1070, %swap3A_1071] {strides = array<i32>} : memref<8x4096xf32, #tpu.memory_space<vmem>>, vector<1x16xf32>,
        %swap3A_1073 = vector.shape_cast %swap3A_1072 : vector<1x16xf32> to vector<16xf32>
        %swap3A_1074 = vector.shape_cast %bitcast_convert_type3A_1066 : vector<16xf32> to vector<1x16xf32>
        tpu.vector_store %arg7[%swap3A_1070, %swap3A_1071], %swap3A_1074 {strides = array<i32>} : memref<8x4096xf32, #tpu.memory_space<vmem>>, vector<1x16xf32>,
        %and3A_1075 = arith.andi %bitcast_convert_type3A_994, %not3A_80 : vector<16xi32>
        %and3A_1076 = arith.andi %bitcast_convert_type3A_1002, %sub3A_78 : vector<16xi32>
        %or3A_1077 = arith.ori %and3A_1075, %and3A_1076 : vector<16xi32>
        %bitcast_convert_type3A_1078 = tpu.bitcast %or3A_1077 : vector<16xi32> -> vector<16xf32>
        %mul3A_1079 = arith.constant 16 : i32
        %mul3A_1080 = arith.muli %scan3A_986, %mul3A_1079 : i32
        %swap3A_1081 = arith.constant 6 : i32
        %swap3A_1082 = arith.index_cast %swap3A_1081 : i32 to index
        %swap3A_1083 = arith.index_cast %mul3A_1080 : i32 to index
        %swap3A_1084 = tpu.vector_load %arg7[%swap3A_1082, %swap3A_1083] {strides = array<i32>} : memref<8x4096xf32, #tpu.memory_space<vmem>>, vector<1x16xf32>,
        %swap3A_1085 = vector.shape_cast %swap3A_1084 : vector<1x16xf32> to vector<16xf32>
        %swap3A_1086 = vector.shape_cast %bitcast_convert_type3A_1078 : vector<16xf32> to vector<1x16xf32>
        tpu.vector_store %arg7[%swap3A_1082, %swap3A_1083], %swap3A_1086 {strides = array<i32>} : memref<8x4096xf32, #tpu.memory_space<vmem>>, vector<1x16xf32>,
        %and3A_1087 = arith.andi %bitcast_convert_type3A_994, %not3A_88 : vector<16xi32>
        %and3A_1088 = arith.andi %bitcast_convert_type3A_1002, %sub3A_86 : vector<16xi32>
        %or3A_1089 = arith.ori %and3A_1087, %and3A_1088 : vector<16xi32>
        %bitcast_convert_type3A_1090 = tpu.bitcast %or3A_1089 : vector<16xi32> -> vector<16xf32>
        %mul3A_1091 = arith.constant 16 : i32
        %mul3A_1092 = arith.muli %scan3A_986, %mul3A_1091 : i32
        %swap3A_1093 = arith.constant 7 : i32
        %swap3A_1094 = arith.index_cast %swap3A_1093 : i32 to index
        %swap3A_1095 = arith.index_cast %mul3A_1092 : i32 to index
        %swap3A_1096 = tpu.vector_load %arg7[%swap3A_1094, %swap3A_1095] {strides = array<i32>} : memref<8x4096xf32, #tpu.memory_space<vmem>>, vector<1x16xf32>,
        %swap3A_1097 = vector.shape_cast %swap3A_1096 : vector<1x16xf32> to vector<16xf32>
        %swap3A_1098 = vector.shape_cast %bitcast_convert_type3A_1090 : vector<16xf32> to vector<1x16xf32>
        tpu.vector_store %arg7[%swap3A_1094, %swap3A_1095], %swap3A_1098 {strides = array<i32>} : memref<8x4096xf32, #tpu.memory_space<vmem>>, vector<1x16xf32>,
      }
      %scan3A_94 = arith.constant 256 : i32
      %mul3A_95 = arith.constant 8 : i32
      %mul3A_96 = arith.muli %add3A_23, %mul3A_95 : i32
      %add3A_97 = arith.addi %mul3A_2, %mul3A_96 : i32
      %dma_start3A = arith.constant 0 : i32
      %dma_start3A_98 = tpu.memref_slice %arg4[%add3A_97, %dma_start3A] : memref<32768x4096xf32, #tpu.memory_space<hbm>> -> memref<8x4096xf32, #tpu.memory_space<hbm>>
      %dma_start3A_99 = arith.constant 0 : i32
      %dma_start3A_100 = tpu.memref_slice %arg4[%add3A_97, %dma_start3A_99] : memref<32768x4096xf32, #tpu.memory_space<hbm>> -> memref<8x4096xf32, #tpu.memory_space<hbm>>
      tpu.enqueue_dma source(%arg7 : memref<8x4096xf32, #tpu.memory_space<vmem>>) target(%dma_start3A_100 : memref<8x4096xf32, #tpu.memory_space<hbm>>) target_semaphore(%arg9 : memref<!tpu.dma_semaphore, #tpu.memory_space<semaphore_mem>>)
      %mul3A_101 = arith.constant 2 : i32
      %mul3A_102 = arith.muli %scan3A_19, %mul3A_101 : i32
      %add3A_103 = arith.constant 1 : i32
      %add3A_104 = arith.addi %mul3A_102, %add3A_103 : i32
      %ge3A_105 = arith.constant 2 : i32
      %ge3A_106 = arith.cmpi sge, %add3A_104, %ge3A_105 : i32
      %convert_element_type3A_107 = arith.extui %ge3A_106 : i1 to i32
      %cond3A_108 = arith.constant 0 : i32
      %cond3A_109 = arith.cmpi ne, %convert_element_type3A_107, %cond3A_108 : i32
      scf.if %cond3A_109 {
        %sub3A_192 = arith.constant 2 : i32
        %sub3A_193 = arith.subi %add3A_104, %sub3A_192 : i32
        %mul3A_194 = arith.constant 8 : i32
        %mul3A_195 = arith.muli %sub3A_193, %mul3A_194 : i32
        %add3A_196 = arith.addi %mul3A_2, %mul3A_195 : i32
        %dma_wait3A_197 = arith.constant 0 : i32
        %dma_wait3A_198 = tpu.memref_slice %arg4[%add3A_196, %dma_wait3A_197] : memref<32768x4096xf32, #tpu.memory_space<hbm>> -> memref<8x4096xf32, #tpu.memory_space<hbm>>
        %dma_wait3A_199 = arith.constant 0 : i32
        %dma_wait3A_200 = tpu.memref_slice %arg4[%add3A_196, %dma_wait3A_199] : memref<32768x4096xf32, #tpu.memory_space<hbm>> -> memref<8x4096xf32, #tpu.memory_space<hbm>>
        tpu.wait_dma2 semaphore(%arg10 : memref<!tpu.dma_semaphore, #tpu.memory_space<semaphore_mem>>) src(%arg8 : memref<8x4096xf32, #tpu.memory_space<vmem>>) dst(%dma_wait3A_200 : memref<8x4096xf32, #tpu.memory_space<hbm>>)
      } else {
      }
      %mul3A_110 = arith.constant 8 : i32
      %mul3A_111 = arith.muli %add3A_104, %mul3A_110 : i32
      %get3A_112 = arith.index_cast %mul3A_111 : i32 to index
      %get3A_113 = tpu.vector_load %arg5[%get3A_112] {strides = array<i32>} : memref<1040xi32, #tpu.memory_space<vmem>>, vector<16xi32>,
      %get3A_114 = vector.shape_cast %get3A_113 : vector<16xi32> to vector<16xi32>
      %slice3A_115 = vector.extract_strided_slice %get3A_114 {offsets = [0], sizes = [1], strides = [1]} : vector<16xi32> to vector<1xi32>
      %squeeze3A_116 = vector.extract %slice3A_115[0] : i32 from vector<1xi32>
      %broadcast_in_dim3A_117 = arith.constant 0 : i32
      %broadcast_in_dim3A_118 = vector.broadcast %broadcast_in_dim3A_117 : i32 to vector<16xi32>
      %sub3A_119 = vector.broadcast %squeeze3A_116 : i32 to vector<16xi32>
      %sub3A_120 = arith.subi %broadcast_in_dim3A_118, %sub3A_119 : vector<16xi32>
      %not3A_121 = arith.constant dense<-1> : vector<16xi32>
      %not3A_122 = arith.xori %sub3A_120, %not3A_121 : vector<16xi32>
      %slice3A_123 = vector.extract_strided_slice %get3A_114 {offsets = [1], sizes = [1], strides = [1]} : vector<16xi32> to vector<1xi32>
      %squeeze3A_124 = vector.extract %slice3A_123[0] : i32 from vector<1xi32>
      %broadcast_in_dim3A_125 = arith.constant 0 : i32
      %broadcast_in_dim3A_126 = vector.broadcast %broadcast_in_dim3A_125 : i32 to vector<16xi32>
      %sub3A_127 = vector.broadcast %squeeze3A_124 : i32 to vector<16xi32>
      %sub3A_128 = arith.subi %broadcast_in_dim3A_126, %sub3A_127 : vector<16xi32>
      %not3A_129 = arith.constant dense<-1> : vector<16xi32>
      %not3A_130 = arith.xori %sub3A_128, %not3A_129 : vector<16xi32>
      %slice3A_131 = vector.extract_strided_slice %get3A_114 {offsets = [2], sizes = [1], strides = [1]} : vector<16xi32> to vector<1xi32>
      %squeeze3A_132 = vector.extract %slice3A_131[0] : i32 from vector<1xi32>
      %broadcast_in_dim3A_133 = arith.constant 0 : i32
      %broadcast_in_dim3A_134 = vector.broadcast %broadcast_in_dim3A_133 : i32 to vector<16xi32>
      %sub3A_135 = vector.broadcast %squeeze3A_132 : i32 to vector<16xi32>
      %sub3A_136 = arith.subi %broadcast_in_dim3A_134, %sub3A_135 : vector<16xi32>
      %not3A_137 = arith.constant dense<-1> : vector<16xi32>
      %not3A_138 = arith.xori %sub3A_136, %not3A_137 : vector<16xi32>
      %slice3A_139 = vector.extract_strided_slice %get3A_114 {offsets = [3], sizes = [1], strides = [1]} : vector<16xi32> to vector<1xi32>
      %squeeze3A_140 = vector.extract %slice3A_139[0] : i32 from vector<1xi32>
      %broadcast_in_dim3A_141 = arith.constant 0 : i32
      %broadcast_in_dim3A_142 = vector.broadcast %broadcast_in_dim3A_141 : i32 to vector<16xi32>
      %sub3A_143 = vector.broadcast %squeeze3A_140 : i32 to vector<16xi32>
      %sub3A_144 = arith.subi %broadcast_in_dim3A_142, %sub3A_143 : vector<16xi32>
      %not3A_145 = arith.constant dense<-1> : vector<16xi32>
      %not3A_146 = arith.xori %sub3A_144, %not3A_145 : vector<16xi32>
      %slice3A_147 = vector.extract_strided_slice %get3A_114 {offsets = [4], sizes = [1], strides = [1]} : vector<16xi32> to vector<1xi32>
      %squeeze3A_148 = vector.extract %slice3A_147[0] : i32 from vector<1xi32>
      %broadcast_in_dim3A_149 = arith.constant 0 : i32
      %broadcast_in_dim3A_150 = vector.broadcast %broadcast_in_dim3A_149 : i32 to vector<16xi32>
      %sub3A_151 = vector.broadcast %squeeze3A_148 : i32 to vector<16xi32>
      %sub3A_152 = arith.subi %broadcast_in_dim3A_150, %sub3A_151 : vector<16xi32>
      %not3A_153 = arith.constant dense<-1> : vector<16xi32>
      %not3A_154 = arith.xori %sub3A_152, %not3A_153 : vector<16xi32>
      %slice3A_155 = vector.extract_strided_slice %get3A_114 {offsets = [5], sizes = [1], strides = [1]} : vector<16xi32> to vector<1xi32>
      %squeeze3A_156 = vector.extract %slice3A_155[0] : i32 from vector<1xi32>
      %broadcast_in_dim3A_157 = arith.constant 0 : i32
      %broadcast_in_dim3A_158 = vector.broadcast %broadcast_in_dim3A_157 : i32 to vector<16xi32>
      %sub3A_159 = vector.broadcast %squeeze3A_156 : i32 to vector<16xi32>
      %sub3A_160 = arith.subi %broadcast_in_dim3A_158, %sub3A_159 : vector<16xi32>
      %not3A_161 = arith.constant dense<-1> : vector<16xi32>
      %not3A_162 = arith.xori %sub3A_160, %not3A_161 : vector<16xi32>
      %slice3A_163 = vector.extract_strided_slice %get3A_114 {offsets = [6], sizes = [1], strides = [1]} : vector<16xi32> to vector<1xi32>
      %squeeze3A_164 = vector.extract %slice3A_163[0] : i32 from vector<1xi32>
      %broadcast_in_dim3A_165 = arith.constant 0 : i32
      %broadcast_in_dim3A_166 = vector.broadcast %broadcast_in_dim3A_165 : i32 to vector<16xi32>
      %sub3A_167 = vector.broadcast %squeeze3A_164 : i32 to vector<16xi32>
      %sub3A_168 = arith.subi %broadcast_in_dim3A_166, %sub3A_167 : vector<16xi32>
      %not3A_169 = arith.constant dense<-1> : vector<16xi32>
      %not3A_170 = arith.xori %sub3A_168, %not3A_169 : vector<16xi32>
      %slice3A_171 = vector.extract_strided_slice %get3A_114 {offsets = [7], sizes = [1], strides = [1]} : vector<16xi32> to vector<1xi32>
      %squeeze3A_172 = vector.extract %slice3A_171[0] : i32 from vector<1xi32>
      %broadcast_in_dim3A_173 = arith.constant 0 : i32
      %broadcast_in_dim3A_174 = vector.broadcast %broadcast_in_dim3A_173 : i32 to vector<16xi32>
      %sub3A_175 = vector.broadcast %squeeze3A_172 : i32 to vector<16xi32>
      %sub3A_176 = arith.subi %broadcast_in_dim3A_174, %sub3A_175 : vector<16xi32>
      %not3A_177 = arith.constant dense<-1> : vector<16xi32>
      %not3A_178 = arith.xori %sub3A_176, %not3A_177 : vector<16xi32>
      %scan3A_179 = arith.constant 0 : i32
      %scan3A_180 = arith.constant 0 : i32
      %scan3A_181 = arith.constant 256 : i32
      %scan3A_182 = arith.addi %scan3A_180, %scan3A_181 : i32
      %scan3A_183 = arith.constant 8 : i32
      scf.for %scan3A_192 = %scan3A_180 to %scan3A_182 step %scan3A_183  : i32 {
        %mul3A_193 = arith.constant 16 : i32
        %mul3A_194 = arith.muli %scan3A_192, %mul3A_193 : i32
        %get3A_195 = arith.constant 0 : i32
        %get3A_196 = arith.index_cast %get3A_195 : i32 to index
        %get3A_197 = arith.index_cast %mul3A_194 : i32 to index
        %get3A_198 = tpu.vector_load %arg6[%get3A_196, %get3A_197] {strides = array<i32>} : memref<2x4096xf32, #tpu.memory_space<vmem>>, vector<1x16xf32>,
        %get3A_199 = vector.shape_cast %get3A_198 : vector<1x16xf32> to vector<16xf32>
        %bitcast_convert_type3A = tpu.bitcast %get3A_199 : vector<16xf32> -> vector<16xi32>
        %mul3A_200 = arith.constant 16 : i32
        %mul3A_201 = arith.muli %scan3A_192, %mul3A_200 : i32
        %get3A_202 = arith.constant 1 : i32
        %get3A_203 = arith.index_cast %get3A_202 : i32 to index
        %get3A_204 = arith.index_cast %mul3A_201 : i32 to index
        %get3A_205 = tpu.vector_load %arg6[%get3A_203, %get3A_204] {strides = array<i32>} : memref<2x4096xf32, #tpu.memory_space<vmem>>, vector<1x16xf32>,
        %get3A_206 = vector.shape_cast %get3A_205 : vector<1x16xf32> to vector<16xf32>
        %bitcast_convert_type3A_207 = tpu.bitcast %get3A_206 : vector<16xf32> -> vector<16xi32>
        %and3A = arith.andi %bitcast_convert_type3A, %not3A_122 : vector<16xi32>
        %and3A_208 = arith.andi %bitcast_convert_type3A_207, %sub3A_120 : vector<16xi32>
        %or3A = arith.ori %and3A, %and3A_208 : vector<16xi32>
        %bitcast_convert_type3A_209 = tpu.bitcast %or3A : vector<16xi32> -> vector<16xf32>
        %mul3A_210 = arith.constant 16 : i32
        %mul3A_211 = arith.muli %scan3A_192, %mul3A_210 : i32
        %swap3A = arith.constant 0 : i32
        %swap3A_212 = arith.index_cast %swap3A : i32 to index
        %swap3A_213 = arith.index_cast %mul3A_211 : i32 to index
        %swap3A_214 = tpu.vector_load %arg8[%swap3A_212, %swap3A_213] {strides = array<i32>} : memref<8x4096xf32, #tpu.memory_space<vmem>>, vector<1x16xf32>,
        %swap3A_215 = vector.shape_cast %swap3A_214 : vector<1x16xf32> to vector<16xf32>
        %swap3A_216 = vector.shape_cast %bitcast_convert_type3A_209 : vector<16xf32> to vector<1x16xf32>
        tpu.vector_store %arg8[%swap3A_212, %swap3A_213], %swap3A_216 {strides = array<i32>} : memref<8x4096xf32, #tpu.memory_space<vmem>>, vector<1x16xf32>,
        %and3A_217 = arith.andi %bitcast_convert_type3A, %not3A_130 : vector<16xi32>
        %and3A_218 = arith.andi %bitcast_convert_type3A_207, %sub3A_128 : vector<16xi32>
        %or3A_219 = arith.ori %and3A_217, %and3A_218 : vector<16xi32>
        %bitcast_convert_type3A_220 = tpu.bitcast %or3A_219 : vector<16xi32> -> vector<16xf32>
        %mul3A_221 = arith.constant 16 : i32
        %mul3A_222 = arith.muli %scan3A_192, %mul3A_221 : i32
        %swap3A_223 = arith.constant 1 : i32
        %swap3A_224 = arith.index_cast %swap3A_223 : i32 to index
        %swap3A_225 = arith.index_cast %mul3A_222 : i32 to index
        %swap3A_226 = tpu.vector_load %arg8[%swap3A_224, %swap3A_225] {strides = array<i32>} : memref<8x4096xf32, #tpu.memory_space<vmem>>, vector<1x16xf32>,
        %swap3A_227 = vector.shape_cast %swap3A_226 : vector<1x16xf32> to vector<16xf32>
        %swap3A_228 = vector.shape_cast %bitcast_convert_type3A_220 : vector<16xf32> to vector<1x16xf32>
        tpu.vector_store %arg8[%swap3A_224, %swap3A_225], %swap3A_228 {strides = array<i32>} : memref<8x4096xf32, #tpu.memory_space<vmem>>, vector<1x16xf32>,
        %and3A_229 = arith.andi %bitcast_convert_type3A, %not3A_138 : vector<16xi32>
        %and3A_230 = arith.andi %bitcast_convert_type3A_207, %sub3A_136 : vector<16xi32>
        %or3A_231 = arith.ori %and3A_229, %and3A_230 : vector<16xi32>
        %bitcast_convert_type3A_232 = tpu.bitcast %or3A_231 : vector<16xi32> -> vector<16xf32>
        %mul3A_233 = arith.constant 16 : i32
        %mul3A_234 = arith.muli %scan3A_192, %mul3A_233 : i32
        %swap3A_235 = arith.constant 2 : i32
        %swap3A_236 = arith.index_cast %swap3A_235 : i32 to index
        %swap3A_237 = arith.index_cast %mul3A_234 : i32 to index
        %swap3A_238 = tpu.vector_load %arg8[%swap3A_236, %swap3A_237] {strides = array<i32>} : memref<8x4096xf32, #tpu.memory_space<vmem>>, vector<1x16xf32>,
        %swap3A_239 = vector.shape_cast %swap3A_238 : vector<1x16xf32> to vector<16xf32>
        %swap3A_240 = vector.shape_cast %bitcast_convert_type3A_232 : vector<16xf32> to vector<1x16xf32>
        tpu.vector_store %arg8[%swap3A_236, %swap3A_237], %swap3A_240 {strides = array<i32>} : memref<8x4096xf32, #tpu.memory_space<vmem>>, vector<1x16xf32>,
        %and3A_241 = arith.andi %bitcast_convert_type3A, %not3A_146 : vector<16xi32>
        %and3A_242 = arith.andi %bitcast_convert_type3A_207, %sub3A_144 : vector<16xi32>
        %or3A_243 = arith.ori %and3A_241, %and3A_242 : vector<16xi32>
        %bitcast_convert_type3A_244 = tpu.bitcast %or3A_243 : vector<16xi32> -> vector<16xf32>
        %mul3A_245 = arith.constant 16 : i32
        %mul3A_246 = arith.muli %scan3A_192, %mul3A_245 : i32
        %swap3A_247 = arith.constant 3 : i32
        %swap3A_248 = arith.index_cast %swap3A_247 : i32 to index
        %swap3A_249 = arith.index_cast %mul3A_246 : i32 to index
        %swap3A_250 = tpu.vector_load %arg8[%swap3A_248, %swap3A_249] {strides = array<i32>} : memref<8x4096xf32, #tpu.memory_space<vmem>>, vector<1x16xf32>,
        %swap3A_251 = vector.shape_cast %swap3A_250 : vector<1x16xf32> to vector<16xf32>
        %swap3A_252 = vector.shape_cast %bitcast_convert_type3A_244 : vector<16xf32> to vector<1x16xf32>
        tpu.vector_store %arg8[%swap3A_248, %swap3A_249], %swap3A_252 {strides = array<i32>} : memref<8x4096xf32, #tpu.memory_space<vmem>>, vector<1x16xf32>,
        %and3A_253 = arith.andi %bitcast_convert_type3A, %not3A_154 : vector<16xi32>
        %and3A_254 = arith.andi %bitcast_convert_type3A_207, %sub3A_152 : vector<16xi32>
        %or3A_255 = arith.ori %and3A_253, %and3A_254 : vector<16xi32>
        %bitcast_convert_type3A_256 = tpu.bitcast %or3A_255 : vector<16xi32> -> vector<16xf32>
        %mul3A_257 = arith.constant 16 : i32
        %mul3A_258 = arith.muli %scan3A_192, %mul3A_257 : i32
        %swap3A_259 = arith.constant 4 : i32
        %swap3A_260 = arith.index_cast %swap3A_259 : i32 to index
        %swap3A_261 = arith.index_cast %mul3A_258 : i32 to index
        %swap3A_262 = tpu.vector_load %arg8[%swap3A_260, %swap3A_261] {strides = array<i32>} : memref<8x4096xf32, #tpu.memory_space<vmem>>, vector<1x16xf32>,
        %swap3A_263 = vector.shape_cast %swap3A_262 : vector<1x16xf32> to vector<16xf32>
        %swap3A_264 = vector.shape_cast %bitcast_convert_type3A_256 : vector<16xf32> to vector<1x16xf32>
        tpu.vector_store %arg8[%swap3A_260, %swap3A_261], %swap3A_264 {strides = array<i32>} : memref<8x4096xf32, #tpu.memory_space<vmem>>, vector<1x16xf32>,
        %and3A_265 = arith.andi %bitcast_convert_type3A, %not3A_162 : vector<16xi32>
        %and3A_266 = arith.andi %bitcast_convert_type3A_207, %sub3A_160 : vector<16xi32>
        %or3A_267 = arith.ori %and3A_265, %and3A_266 : vector<16xi32>
        %bitcast_convert_type3A_268 = tpu.bitcast %or3A_267 : vector<16xi32> -> vector<16xf32>
        %mul3A_269 = arith.constant 16 : i32
        %mul3A_270 = arith.muli %scan3A_192, %mul3A_269 : i32
        %swap3A_271 = arith.constant 5 : i32
        %swap3A_272 = arith.index_cast %swap3A_271 : i32 to index
        %swap3A_273 = arith.index_cast %mul3A_270 : i32 to index
        %swap3A_274 = tpu.vector_load %arg8[%swap3A_272, %swap3A_273] {strides = array<i32>} : memref<8x4096xf32, #tpu.memory_space<vmem>>, vector<1x16xf32>,
        %swap3A_275 = vector.shape_cast %swap3A_274 : vector<1x16xf32> to vector<16xf32>
        %swap3A_276 = vector.shape_cast %bitcast_convert_type3A_268 : vector<16xf32> to vector<1x16xf32>
        tpu.vector_store %arg8[%swap3A_272, %swap3A_273], %swap3A_276 {strides = array<i32>} : memref<8x4096xf32, #tpu.memory_space<vmem>>, vector<1x16xf32>,
        %and3A_277 = arith.andi %bitcast_convert_type3A, %not3A_170 : vector<16xi32>
        %and3A_278 = arith.andi %bitcast_convert_type3A_207, %sub3A_168 : vector<16xi32>
        %or3A_279 = arith.ori %and3A_277, %and3A_278 : vector<16xi32>
        %bitcast_convert_type3A_280 = tpu.bitcast %or3A_279 : vector<16xi32> -> vector<16xf32>
        %mul3A_281 = arith.constant 16 : i32
        %mul3A_282 = arith.muli %scan3A_192, %mul3A_281 : i32
        %swap3A_283 = arith.constant 6 : i32
        %swap3A_284 = arith.index_cast %swap3A_283 : i32 to index
        %swap3A_285 = arith.index_cast %mul3A_282 : i32 to index
        %swap3A_286 = tpu.vector_load %arg8[%swap3A_284, %swap3A_285] {strides = array<i32>} : memref<8x4096xf32, #tpu.memory_space<vmem>>, vector<1x16xf32>,
        %swap3A_287 = vector.shape_cast %swap3A_286 : vector<1x16xf32> to vector<16xf32>
        %swap3A_288 = vector.shape_cast %bitcast_convert_type3A_280 : vector<16xf32> to vector<1x16xf32>
        tpu.vector_store %arg8[%swap3A_284, %swap3A_285], %swap3A_288 {strides = array<i32>} : memref<8x4096xf32, #tpu.memory_space<vmem>>, vector<1x16xf32>,
        %and3A_289 = arith.andi %bitcast_convert_type3A, %not3A_178 : vector<16xi32>
        %and3A_290 = arith.andi %bitcast_convert_type3A_207, %sub3A_176 : vector<16xi32>
        %or3A_291 = arith.ori %and3A_289, %and3A_290 : vector<16xi32>
        %bitcast_convert_type3A_292 = tpu.bitcast %or3A_291 : vector<16xi32> -> vector<16xf32>
        %mul3A_293 = arith.constant 16 : i32
        %mul3A_294 = arith.muli %scan3A_192, %mul3A_293 : i32
        %swap3A_295 = arith.constant 7 : i32
        %swap3A_296 = arith.index_cast %swap3A_295 : i32 to index
        %swap3A_297 = arith.index_cast %mul3A_294 : i32 to index
        %swap3A_298 = tpu.vector_load %arg8[%swap3A_296, %swap3A_297] {strides = array<i32>} : memref<8x4096xf32, #tpu.memory_space<vmem>>, vector<1x16xf32>,
        %swap3A_299 = vector.shape_cast %swap3A_298 : vector<1x16xf32> to vector<16xf32>
        %swap3A_300 = vector.shape_cast %bitcast_convert_type3A_292 : vector<16xf32> to vector<1x16xf32>
        tpu.vector_store %arg8[%swap3A_296, %swap3A_297], %swap3A_300 {strides = array<i32>} : memref<8x4096xf32, #tpu.memory_space<vmem>>, vector<1x16xf32>,
        %scan3A_301 = arith.constant 1 : i32
        %scan3A_302 = arith.addi %scan3A_192, %scan3A_301 : i32
        %mul3A_303 = arith.constant 16 : i32
        %mul3A_304 = arith.muli %scan3A_302, %mul3A_303 : i32
        %get3A_305 = arith.constant 0 : i32
        %get3A_306 = arith.index_cast %get3A_305 : i32 to index
        %get3A_307 = arith.index_cast %mul3A_304 : i32 to index
        %get3A_308 = tpu.vector_load %arg6[%get3A_306, %get3A_307] {strides = array<i32>} : memref<2x4096xf32, #tpu.memory_space<vmem>>, vector<1x16xf32>,
        %get3A_309 = vector.shape_cast %get3A_308 : vector<1x16xf32> to vector<16xf32>
        %bitcast_convert_type3A_310 = tpu.bitcast %get3A_309 : vector<16xf32> -> vector<16xi32>
        %mul3A_311 = arith.constant 16 : i32
        %mul3A_312 = arith.muli %scan3A_302, %mul3A_311 : i32
        %get3A_313 = arith.constant 1 : i32
        %get3A_314 = arith.index_cast %get3A_313 : i32 to index
        %get3A_315 = arith.index_cast %mul3A_312 : i32 to index
        %get3A_316 = tpu.vector_load %arg6[%get3A_314, %get3A_315] {strides = array<i32>} : memref<2x4096xf32, #tpu.memory_space<vmem>>, vector<1x16xf32>,
        %get3A_317 = vector.shape_cast %get3A_316 : vector<1x16xf32> to vector<16xf32>
        %bitcast_convert_type3A_318 = tpu.bitcast %get3A_317 : vector<16xf32> -> vector<16xi32>
        %and3A_319 = arith.andi %bitcast_convert_type3A_310, %not3A_122 : vector<16xi32>
        %and3A_320 = arith.andi %bitcast_convert_type3A_318, %sub3A_120 : vector<16xi32>
        %or3A_321 = arith.ori %and3A_319, %and3A_320 : vector<16xi32>
        %bitcast_convert_type3A_322 = tpu.bitcast %or3A_321 : vector<16xi32> -> vector<16xf32>
        %mul3A_323 = arith.constant 16 : i32
        %mul3A_324 = arith.muli %scan3A_302, %mul3A_323 : i32
        %swap3A_325 = arith.constant 0 : i32
        %swap3A_326 = arith.index_cast %swap3A_325 : i32 to index
        %swap3A_327 = arith.index_cast %mul3A_324 : i32 to index
        %swap3A_328 = tpu.vector_load %arg8[%swap3A_326, %swap3A_327] {strides = array<i32>} : memref<8x4096xf32, #tpu.memory_space<vmem>>, vector<1x16xf32>,
        %swap3A_329 = vector.shape_cast %swap3A_328 : vector<1x16xf32> to vector<16xf32>
        %swap3A_330 = vector.shape_cast %bitcast_convert_type3A_322 : vector<16xf32> to vector<1x16xf32>
        tpu.vector_store %arg8[%swap3A_326, %swap3A_327], %swap3A_330 {strides = array<i32>} : memref<8x4096xf32, #tpu.memory_space<vmem>>, vector<1x16xf32>,
        %and3A_331 = arith.andi %bitcast_convert_type3A_310, %not3A_130 : vector<16xi32>
        %and3A_332 = arith.andi %bitcast_convert_type3A_318, %sub3A_128 : vector<16xi32>
        %or3A_333 = arith.ori %and3A_331, %and3A_332 : vector<16xi32>
        %bitcast_convert_type3A_334 = tpu.bitcast %or3A_333 : vector<16xi32> -> vector<16xf32>
        %mul3A_335 = arith.constant 16 : i32
        %mul3A_336 = arith.muli %scan3A_302, %mul3A_335 : i32
        %swap3A_337 = arith.constant 1 : i32
        %swap3A_338 = arith.index_cast %swap3A_337 : i32 to index
        %swap3A_339 = arith.index_cast %mul3A_336 : i32 to index
        %swap3A_340 = tpu.vector_load %arg8[%swap3A_338, %swap3A_339] {strides = array<i32>} : memref<8x4096xf32, #tpu.memory_space<vmem>>, vector<1x16xf32>,
        %swap3A_341 = vector.shape_cast %swap3A_340 : vector<1x16xf32> to vector<16xf32>
        %swap3A_342 = vector.shape_cast %bitcast_convert_type3A_334 : vector<16xf32> to vector<1x16xf32>
        tpu.vector_store %arg8[%swap3A_338, %swap3A_339], %swap3A_342 {strides = array<i32>} : memref<8x4096xf32, #tpu.memory_space<vmem>>, vector<1x16xf32>,
        %and3A_343 = arith.andi %bitcast_convert_type3A_310, %not3A_138 : vector<16xi32>
        %and3A_344 = arith.andi %bitcast_convert_type3A_318, %sub3A_136 : vector<16xi32>
        %or3A_345 = arith.ori %and3A_343, %and3A_344 : vector<16xi32>
        %bitcast_convert_type3A_346 = tpu.bitcast %or3A_345 : vector<16xi32> -> vector<16xf32>
        %mul3A_347 = arith.constant 16 : i32
        %mul3A_348 = arith.muli %scan3A_302, %mul3A_347 : i32
        %swap3A_349 = arith.constant 2 : i32
        %swap3A_350 = arith.index_cast %swap3A_349 : i32 to index
        %swap3A_351 = arith.index_cast %mul3A_348 : i32 to index
        %swap3A_352 = tpu.vector_load %arg8[%swap3A_350, %swap3A_351] {strides = array<i32>} : memref<8x4096xf32, #tpu.memory_space<vmem>>, vector<1x16xf32>,
        %swap3A_353 = vector.shape_cast %swap3A_352 : vector<1x16xf32> to vector<16xf32>
        %swap3A_354 = vector.shape_cast %bitcast_convert_type3A_346 : vector<16xf32> to vector<1x16xf32>
        tpu.vector_store %arg8[%swap3A_350, %swap3A_351], %swap3A_354 {strides = array<i32>} : memref<8x4096xf32, #tpu.memory_space<vmem>>, vector<1x16xf32>,
        %and3A_355 = arith.andi %bitcast_convert_type3A_310, %not3A_146 : vector<16xi32>
        %and3A_356 = arith.andi %bitcast_convert_type3A_318, %sub3A_144 : vector<16xi32>
        %or3A_357 = arith.ori %and3A_355, %and3A_356 : vector<16xi32>
        %bitcast_convert_type3A_358 = tpu.bitcast %or3A_357 : vector<16xi32> -> vector<16xf32>
        %mul3A_359 = arith.constant 16 : i32
        %mul3A_360 = arith.muli %scan3A_302, %mul3A_359 : i32
        %swap3A_361 = arith.constant 3 : i32
        %swap3A_362 = arith.index_cast %swap3A_361 : i32 to index
        %swap3A_363 = arith.index_cast %mul3A_360 : i32 to index
        %swap3A_364 = tpu.vector_load %arg8[%swap3A_362, %swap3A_363] {strides = array<i32>} : memref<8x4096xf32, #tpu.memory_space<vmem>>, vector<1x16xf32>,
        %swap3A_365 = vector.shape_cast %swap3A_364 : vector<1x16xf32> to vector<16xf32>
        %swap3A_366 = vector.shape_cast %bitcast_convert_type3A_358 : vector<16xf32> to vector<1x16xf32>
        tpu.vector_store %arg8[%swap3A_362, %swap3A_363], %swap3A_366 {strides = array<i32>} : memref<8x4096xf32, #tpu.memory_space<vmem>>, vector<1x16xf32>,
        %and3A_367 = arith.andi %bitcast_convert_type3A_310, %not3A_154 : vector<16xi32>
        %and3A_368 = arith.andi %bitcast_convert_type3A_318, %sub3A_152 : vector<16xi32>
        %or3A_369 = arith.ori %and3A_367, %and3A_368 : vector<16xi32>
        %bitcast_convert_type3A_370 = tpu.bitcast %or3A_369 : vector<16xi32> -> vector<16xf32>
        %mul3A_371 = arith.constant 16 : i32
        %mul3A_372 = arith.muli %scan3A_302, %mul3A_371 : i32
        %swap3A_373 = arith.constant 4 : i32
        %swap3A_374 = arith.index_cast %swap3A_373 : i32 to index
        %swap3A_375 = arith.index_cast %mul3A_372 : i32 to index
        %swap3A_376 = tpu.vector_load %arg8[%swap3A_374, %swap3A_375] {strides = array<i32>} : memref<8x4096xf32, #tpu.memory_space<vmem>>, vector<1x16xf32>,
        %swap3A_377 = vector.shape_cast %swap3A_376 : vector<1x16xf32> to vector<16xf32>
        %swap3A_378 = vector.shape_cast %bitcast_convert_type3A_370 : vector<16xf32> to vector<1x16xf32>
        tpu.vector_store %arg8[%swap3A_374, %swap3A_375], %swap3A_378 {strides = array<i32>} : memref<8x4096xf32, #tpu.memory_space<vmem>>, vector<1x16xf32>,
        %and3A_379 = arith.andi %bitcast_convert_type3A_310, %not3A_162 : vector<16xi32>
        %and3A_380 = arith.andi %bitcast_convert_type3A_318, %sub3A_160 : vector<16xi32>
        %or3A_381 = arith.ori %and3A_379, %and3A_380 : vector<16xi32>
        %bitcast_convert_type3A_382 = tpu.bitcast %or3A_381 : vector<16xi32> -> vector<16xf32>
        %mul3A_383 = arith.constant 16 : i32
        %mul3A_384 = arith.muli %scan3A_302, %mul3A_383 : i32
        %swap3A_385 = arith.constant 5 : i32
        %swap3A_386 = arith.index_cast %swap3A_385 : i32 to index
        %swap3A_387 = arith.index_cast %mul3A_384 : i32 to index
        %swap3A_388 = tpu.vector_load %arg8[%swap3A_386, %swap3A_387] {strides = array<i32>} : memref<8x4096xf32, #tpu.memory_space<vmem>>, vector<1x16xf32>,
        %swap3A_389 = vector.shape_cast %swap3A_388 : vector<1x16xf32> to vector<16xf32>
        %swap3A_390 = vector.shape_cast %bitcast_convert_type3A_382 : vector<16xf32> to vector<1x16xf32>
        tpu.vector_store %arg8[%swap3A_386, %swap3A_387], %swap3A_390 {strides = array<i32>} : memref<8x4096xf32, #tpu.memory_space<vmem>>, vector<1x16xf32>,
        %and3A_391 = arith.andi %bitcast_convert_type3A_310, %not3A_170 : vector<16xi32>
        %and3A_392 = arith.andi %bitcast_convert_type3A_318, %sub3A_168 : vector<16xi32>
        %or3A_393 = arith.ori %and3A_391, %and3A_392 : vector<16xi32>
        %bitcast_convert_type3A_394 = tpu.bitcast %or3A_393 : vector<16xi32> -> vector<16xf32>
        %mul3A_395 = arith.constant 16 : i32
        %mul3A_396 = arith.muli %scan3A_302, %mul3A_395 : i32
        %swap3A_397 = arith.constant 6 : i32
        %swap3A_398 = arith.index_cast %swap3A_397 : i32 to index
        %swap3A_399 = arith.index_cast %mul3A_396 : i32 to index
        %swap3A_400 = tpu.vector_load %arg8[%swap3A_398, %swap3A_399] {strides = array<i32>} : memref<8x4096xf32, #tpu.memory_space<vmem>>, vector<1x16xf32>,
        %swap3A_401 = vector.shape_cast %swap3A_400 : vector<1x16xf32> to vector<16xf32>
        %swap3A_402 = vector.shape_cast %bitcast_convert_type3A_394 : vector<16xf32> to vector<1x16xf32>
        tpu.vector_store %arg8[%swap3A_398, %swap3A_399], %swap3A_402 {strides = array<i32>} : memref<8x4096xf32, #tpu.memory_space<vmem>>, vector<1x16xf32>,
        %and3A_403 = arith.andi %bitcast_convert_type3A_310, %not3A_178 : vector<16xi32>
        %and3A_404 = arith.andi %bitcast_convert_type3A_318, %sub3A_176 : vector<16xi32>
        %or3A_405 = arith.ori %and3A_403, %and3A_404 : vector<16xi32>
        %bitcast_convert_type3A_406 = tpu.bitcast %or3A_405 : vector<16xi32> -> vector<16xf32>
        %mul3A_407 = arith.constant 16 : i32
        %mul3A_408 = arith.muli %scan3A_302, %mul3A_407 : i32
        %swap3A_409 = arith.constant 7 : i32
        %swap3A_410 = arith.index_cast %swap3A_409 : i32 to index
        %swap3A_411 = arith.index_cast %mul3A_408 : i32 to index
        %swap3A_412 = tpu.vector_load %arg8[%swap3A_410, %swap3A_411] {strides = array<i32>} : memref<8x4096xf32, #tpu.memory_space<vmem>>, vector<1x16xf32>,
        %swap3A_413 = vector.shape_cast %swap3A_412 : vector<1x16xf32> to vector<16xf32>
        %swap3A_414 = vector.shape_cast %bitcast_convert_type3A_406 : vector<16xf32> to vector<1x16xf32>
        tpu.vector_store %arg8[%swap3A_410, %swap3A_411], %swap3A_414 {strides = array<i32>} : memref<8x4096xf32, #tpu.memory_space<vmem>>, vector<1x16xf32>,
        %scan3A_415 = arith.constant 2 : i32
        %scan3A_416 = arith.addi %scan3A_192, %scan3A_415 : i32
        %mul3A_417 = arith.constant 16 : i32
        %mul3A_418 = arith.muli %scan3A_416, %mul3A_417 : i32
        %get3A_419 = arith.constant 0 : i32
        %get3A_420 = arith.index_cast %get3A_419 : i32 to index
        %get3A_421 = arith.index_cast %mul3A_418 : i32 to index
        %get3A_422 = tpu.vector_load %arg6[%get3A_420, %get3A_421] {strides = array<i32>} : memref<2x4096xf32, #tpu.memory_space<vmem>>, vector<1x16xf32>,
        %get3A_423 = vector.shape_cast %get3A_422 : vector<1x16xf32> to vector<16xf32>
        %bitcast_convert_type3A_424 = tpu.bitcast %get3A_423 : vector<16xf32> -> vector<16xi32>
        %mul3A_425 = arith.constant 16 : i32
        %mul3A_426 = arith.muli %scan3A_416, %mul3A_425 : i32
        %get3A_427 = arith.constant 1 : i32
        %get3A_428 = arith.index_cast %get3A_427 : i32 to index
        %get3A_429 = arith.index_cast %mul3A_426 : i32 to index
        %get3A_430 = tpu.vector_load %arg6[%get3A_428, %get3A_429] {strides = array<i32>} : memref<2x4096xf32, #tpu.memory_space<vmem>>, vector<1x16xf32>,
        %get3A_431 = vector.shape_cast %get3A_430 : vector<1x16xf32> to vector<16xf32>
        %bitcast_convert_type3A_432 = tpu.bitcast %get3A_431 : vector<16xf32> -> vector<16xi32>
        %and3A_433 = arith.andi %bitcast_convert_type3A_424, %not3A_122 : vector<16xi32>
        %and3A_434 = arith.andi %bitcast_convert_type3A_432, %sub3A_120 : vector<16xi32>
        %or3A_435 = arith.ori %and3A_433, %and3A_434 : vector<16xi32>
        %bitcast_convert_type3A_436 = tpu.bitcast %or3A_435 : vector<16xi32> -> vector<16xf32>
        %mul3A_437 = arith.constant 16 : i32
        %mul3A_438 = arith.muli %scan3A_416, %mul3A_437 : i32
        %swap3A_439 = arith.constant 0 : i32
        %swap3A_440 = arith.index_cast %swap3A_439 : i32 to index
        %swap3A_441 = arith.index_cast %mul3A_438 : i32 to index
        %swap3A_442 = tpu.vector_load %arg8[%swap3A_440, %swap3A_441] {strides = array<i32>} : memref<8x4096xf32, #tpu.memory_space<vmem>>, vector<1x16xf32>,
        %swap3A_443 = vector.shape_cast %swap3A_442 : vector<1x16xf32> to vector<16xf32>
        %swap3A_444 = vector.shape_cast %bitcast_convert_type3A_436 : vector<16xf32> to vector<1x16xf32>
        tpu.vector_store %arg8[%swap3A_440, %swap3A_441], %swap3A_444 {strides = array<i32>} : memref<8x4096xf32, #tpu.memory_space<vmem>>, vector<1x16xf32>,
        %and3A_445 = arith.andi %bitcast_convert_type3A_424, %not3A_130 : vector<16xi32>
        %and3A_446 = arith.andi %bitcast_convert_type3A_432, %sub3A_128 : vector<16xi32>
        %or3A_447 = arith.ori %and3A_445, %and3A_446 : vector<16xi32>
        %bitcast_convert_type3A_448 = tpu.bitcast %or3A_447 : vector<16xi32> -> vector<16xf32>
        %mul3A_449 = arith.constant 16 : i32
        %mul3A_450 = arith.muli %scan3A_416, %mul3A_449 : i32
        %swap3A_451 = arith.constant 1 : i32
        %swap3A_452 = arith.index_cast %swap3A_451 : i32 to index
        %swap3A_453 = arith.index_cast %mul3A_450 : i32 to index
        %swap3A_454 = tpu.vector_load %arg8[%swap3A_452, %swap3A_453] {strides = array<i32>} : memref<8x4096xf32, #tpu.memory_space<vmem>>, vector<1x16xf32>,
        %swap3A_455 = vector.shape_cast %swap3A_454 : vector<1x16xf32> to vector<16xf32>
        %swap3A_456 = vector.shape_cast %bitcast_convert_type3A_448 : vector<16xf32> to vector<1x16xf32>
        tpu.vector_store %arg8[%swap3A_452, %swap3A_453], %swap3A_456 {strides = array<i32>} : memref<8x4096xf32, #tpu.memory_space<vmem>>, vector<1x16xf32>,
        %and3A_457 = arith.andi %bitcast_convert_type3A_424, %not3A_138 : vector<16xi32>
        %and3A_458 = arith.andi %bitcast_convert_type3A_432, %sub3A_136 : vector<16xi32>
        %or3A_459 = arith.ori %and3A_457, %and3A_458 : vector<16xi32>
        %bitcast_convert_type3A_460 = tpu.bitcast %or3A_459 : vector<16xi32> -> vector<16xf32>
        %mul3A_461 = arith.constant 16 : i32
        %mul3A_462 = arith.muli %scan3A_416, %mul3A_461 : i32
        %swap3A_463 = arith.constant 2 : i32
        %swap3A_464 = arith.index_cast %swap3A_463 : i32 to index
        %swap3A_465 = arith.index_cast %mul3A_462 : i32 to index
        %swap3A_466 = tpu.vector_load %arg8[%swap3A_464, %swap3A_465] {strides = array<i32>} : memref<8x4096xf32, #tpu.memory_space<vmem>>, vector<1x16xf32>,
        %swap3A_467 = vector.shape_cast %swap3A_466 : vector<1x16xf32> to vector<16xf32>
        %swap3A_468 = vector.shape_cast %bitcast_convert_type3A_460 : vector<16xf32> to vector<1x16xf32>
        tpu.vector_store %arg8[%swap3A_464, %swap3A_465], %swap3A_468 {strides = array<i32>} : memref<8x4096xf32, #tpu.memory_space<vmem>>, vector<1x16xf32>,
        %and3A_469 = arith.andi %bitcast_convert_type3A_424, %not3A_146 : vector<16xi32>
        %and3A_470 = arith.andi %bitcast_convert_type3A_432, %sub3A_144 : vector<16xi32>
        %or3A_471 = arith.ori %and3A_469, %and3A_470 : vector<16xi32>
        %bitcast_convert_type3A_472 = tpu.bitcast %or3A_471 : vector<16xi32> -> vector<16xf32>
        %mul3A_473 = arith.constant 16 : i32
        %mul3A_474 = arith.muli %scan3A_416, %mul3A_473 : i32
        %swap3A_475 = arith.constant 3 : i32
        %swap3A_476 = arith.index_cast %swap3A_475 : i32 to index
        %swap3A_477 = arith.index_cast %mul3A_474 : i32 to index
        %swap3A_478 = tpu.vector_load %arg8[%swap3A_476, %swap3A_477] {strides = array<i32>} : memref<8x4096xf32, #tpu.memory_space<vmem>>, vector<1x16xf32>,
        %swap3A_479 = vector.shape_cast %swap3A_478 : vector<1x16xf32> to vector<16xf32>
        %swap3A_480 = vector.shape_cast %bitcast_convert_type3A_472 : vector<16xf32> to vector<1x16xf32>
        tpu.vector_store %arg8[%swap3A_476, %swap3A_477], %swap3A_480 {strides = array<i32>} : memref<8x4096xf32, #tpu.memory_space<vmem>>, vector<1x16xf32>,
        %and3A_481 = arith.andi %bitcast_convert_type3A_424, %not3A_154 : vector<16xi32>
        %and3A_482 = arith.andi %bitcast_convert_type3A_432, %sub3A_152 : vector<16xi32>
        %or3A_483 = arith.ori %and3A_481, %and3A_482 : vector<16xi32>
        %bitcast_convert_type3A_484 = tpu.bitcast %or3A_483 : vector<16xi32> -> vector<16xf32>
        %mul3A_485 = arith.constant 16 : i32
        %mul3A_486 = arith.muli %scan3A_416, %mul3A_485 : i32
        %swap3A_487 = arith.constant 4 : i32
        %swap3A_488 = arith.index_cast %swap3A_487 : i32 to index
        %swap3A_489 = arith.index_cast %mul3A_486 : i32 to index
        %swap3A_490 = tpu.vector_load %arg8[%swap3A_488, %swap3A_489] {strides = array<i32>} : memref<8x4096xf32, #tpu.memory_space<vmem>>, vector<1x16xf32>,
        %swap3A_491 = vector.shape_cast %swap3A_490 : vector<1x16xf32> to vector<16xf32>
        %swap3A_492 = vector.shape_cast %bitcast_convert_type3A_484 : vector<16xf32> to vector<1x16xf32>
        tpu.vector_store %arg8[%swap3A_488, %swap3A_489], %swap3A_492 {strides = array<i32>} : memref<8x4096xf32, #tpu.memory_space<vmem>>, vector<1x16xf32>,
        %and3A_493 = arith.andi %bitcast_convert_type3A_424, %not3A_162 : vector<16xi32>
        %and3A_494 = arith.andi %bitcast_convert_type3A_432, %sub3A_160 : vector<16xi32>
        %or3A_495 = arith.ori %and3A_493, %and3A_494 : vector<16xi32>
        %bitcast_convert_type3A_496 = tpu.bitcast %or3A_495 : vector<16xi32> -> vector<16xf32>
        %mul3A_497 = arith.constant 16 : i32
        %mul3A_498 = arith.muli %scan3A_416, %mul3A_497 : i32
        %swap3A_499 = arith.constant 5 : i32
        %swap3A_500 = arith.index_cast %swap3A_499 : i32 to index
        %swap3A_501 = arith.index_cast %mul3A_498 : i32 to index
        %swap3A_502 = tpu.vector_load %arg8[%swap3A_500, %swap3A_501] {strides = array<i32>} : memref<8x4096xf32, #tpu.memory_space<vmem>>, vector<1x16xf32>,
        %swap3A_503 = vector.shape_cast %swap3A_502 : vector<1x16xf32> to vector<16xf32>
        %swap3A_504 = vector.shape_cast %bitcast_convert_type3A_496 : vector<16xf32> to vector<1x16xf32>
        tpu.vector_store %arg8[%swap3A_500, %swap3A_501], %swap3A_504 {strides = array<i32>} : memref<8x4096xf32, #tpu.memory_space<vmem>>, vector<1x16xf32>,
        %and3A_505 = arith.andi %bitcast_convert_type3A_424, %not3A_170 : vector<16xi32>
        %and3A_506 = arith.andi %bitcast_convert_type3A_432, %sub3A_168 : vector<16xi32>
        %or3A_507 = arith.ori %and3A_505, %and3A_506 : vector<16xi32>
        %bitcast_convert_type3A_508 = tpu.bitcast %or3A_507 : vector<16xi32> -> vector<16xf32>
        %mul3A_509 = arith.constant 16 : i32
        %mul3A_510 = arith.muli %scan3A_416, %mul3A_509 : i32
        %swap3A_511 = arith.constant 6 : i32
        %swap3A_512 = arith.index_cast %swap3A_511 : i32 to index
        %swap3A_513 = arith.index_cast %mul3A_510 : i32 to index
        %swap3A_514 = tpu.vector_load %arg8[%swap3A_512, %swap3A_513] {strides = array<i32>} : memref<8x4096xf32, #tpu.memory_space<vmem>>, vector<1x16xf32>,
        %swap3A_515 = vector.shape_cast %swap3A_514 : vector<1x16xf32> to vector<16xf32>
        %swap3A_516 = vector.shape_cast %bitcast_convert_type3A_508 : vector<16xf32> to vector<1x16xf32>
        tpu.vector_store %arg8[%swap3A_512, %swap3A_513], %swap3A_516 {strides = array<i32>} : memref<8x4096xf32, #tpu.memory_space<vmem>>, vector<1x16xf32>,
        %and3A_517 = arith.andi %bitcast_convert_type3A_424, %not3A_178 : vector<16xi32>
        %and3A_518 = arith.andi %bitcast_convert_type3A_432, %sub3A_176 : vector<16xi32>
        %or3A_519 = arith.ori %and3A_517, %and3A_518 : vector<16xi32>
        %bitcast_convert_type3A_520 = tpu.bitcast %or3A_519 : vector<16xi32> -> vector<16xf32>
        %mul3A_521 = arith.constant 16 : i32
        %mul3A_522 = arith.muli %scan3A_416, %mul3A_521 : i32
        %swap3A_523 = arith.constant 7 : i32
        %swap3A_524 = arith.index_cast %swap3A_523 : i32 to index
        %swap3A_525 = arith.index_cast %mul3A_522 : i32 to index
        %swap3A_526 = tpu.vector_load %arg8[%swap3A_524, %swap3A_525] {strides = array<i32>} : memref<8x4096xf32, #tpu.memory_space<vmem>>, vector<1x16xf32>,
        %swap3A_527 = vector.shape_cast %swap3A_526 : vector<1x16xf32> to vector<16xf32>
        %swap3A_528 = vector.shape_cast %bitcast_convert_type3A_520 : vector<16xf32> to vector<1x16xf32>
        tpu.vector_store %arg8[%swap3A_524, %swap3A_525], %swap3A_528 {strides = array<i32>} : memref<8x4096xf32, #tpu.memory_space<vmem>>, vector<1x16xf32>,
        %scan3A_529 = arith.constant 3 : i32
        %scan3A_530 = arith.addi %scan3A_192, %scan3A_529 : i32
        %mul3A_531 = arith.constant 16 : i32
        %mul3A_532 = arith.muli %scan3A_530, %mul3A_531 : i32
        %get3A_533 = arith.constant 0 : i32
        %get3A_534 = arith.index_cast %get3A_533 : i32 to index
        %get3A_535 = arith.index_cast %mul3A_532 : i32 to index
        %get3A_536 = tpu.vector_load %arg6[%get3A_534, %get3A_535] {strides = array<i32>} : memref<2x4096xf32, #tpu.memory_space<vmem>>, vector<1x16xf32>,
        %get3A_537 = vector.shape_cast %get3A_536 : vector<1x16xf32> to vector<16xf32>
        %bitcast_convert_type3A_538 = tpu.bitcast %get3A_537 : vector<16xf32> -> vector<16xi32>
        %mul3A_539 = arith.constant 16 : i32
        %mul3A_540 = arith.muli %scan3A_530, %mul3A_539 : i32
        %get3A_541 = arith.constant 1 : i32
        %get3A_542 = arith.index_cast %get3A_541 : i32 to index
        %get3A_543 = arith.index_cast %mul3A_540 : i32 to index
        %get3A_544 = tpu.vector_load %arg6[%get3A_542, %get3A_543] {strides = array<i32>} : memref<2x4096xf32, #tpu.memory_space<vmem>>, vector<1x16xf32>,
        %get3A_545 = vector.shape_cast %get3A_544 : vector<1x16xf32> to vector<16xf32>
        %bitcast_convert_type3A_546 = tpu.bitcast %get3A_545 : vector<16xf32> -> vector<16xi32>
        %and3A_547 = arith.andi %bitcast_convert_type3A_538, %not3A_122 : vector<16xi32>
        %and3A_548 = arith.andi %bitcast_convert_type3A_546, %sub3A_120 : vector<16xi32>
        %or3A_549 = arith.ori %and3A_547, %and3A_548 : vector<16xi32>
        %bitcast_convert_type3A_550 = tpu.bitcast %or3A_549 : vector<16xi32> -> vector<16xf32>
        %mul3A_551 = arith.constant 16 : i32
        %mul3A_552 = arith.muli %scan3A_530, %mul3A_551 : i32
        %swap3A_553 = arith.constant 0 : i32
        %swap3A_554 = arith.index_cast %swap3A_553 : i32 to index
        %swap3A_555 = arith.index_cast %mul3A_552 : i32 to index
        %swap3A_556 = tpu.vector_load %arg8[%swap3A_554, %swap3A_555] {strides = array<i32>} : memref<8x4096xf32, #tpu.memory_space<vmem>>, vector<1x16xf32>,
        %swap3A_557 = vector.shape_cast %swap3A_556 : vector<1x16xf32> to vector<16xf32>
        %swap3A_558 = vector.shape_cast %bitcast_convert_type3A_550 : vector<16xf32> to vector<1x16xf32>
        tpu.vector_store %arg8[%swap3A_554, %swap3A_555], %swap3A_558 {strides = array<i32>} : memref<8x4096xf32, #tpu.memory_space<vmem>>, vector<1x16xf32>,
        %and3A_559 = arith.andi %bitcast_convert_type3A_538, %not3A_130 : vector<16xi32>
        %and3A_560 = arith.andi %bitcast_convert_type3A_546, %sub3A_128 : vector<16xi32>
        %or3A_561 = arith.ori %and3A_559, %and3A_560 : vector<16xi32>
        %bitcast_convert_type3A_562 = tpu.bitcast %or3A_561 : vector<16xi32> -> vector<16xf32>
        %mul3A_563 = arith.constant 16 : i32
        %mul3A_564 = arith.muli %scan3A_530, %mul3A_563 : i32
        %swap3A_565 = arith.constant 1 : i32
        %swap3A_566 = arith.index_cast %swap3A_565 : i32 to index
        %swap3A_567 = arith.index_cast %mul3A_564 : i32 to index
        %swap3A_568 = tpu.vector_load %arg8[%swap3A_566, %swap3A_567] {strides = array<i32>} : memref<8x4096xf32, #tpu.memory_space<vmem>>, vector<1x16xf32>,
        %swap3A_569 = vector.shape_cast %swap3A_568 : vector<1x16xf32> to vector<16xf32>
        %swap3A_570 = vector.shape_cast %bitcast_convert_type3A_562 : vector<16xf32> to vector<1x16xf32>
        tpu.vector_store %arg8[%swap3A_566, %swap3A_567], %swap3A_570 {strides = array<i32>} : memref<8x4096xf32, #tpu.memory_space<vmem>>, vector<1x16xf32>,
        %and3A_571 = arith.andi %bitcast_convert_type3A_538, %not3A_138 : vector<16xi32>
        %and3A_572 = arith.andi %bitcast_convert_type3A_546, %sub3A_136 : vector<16xi32>
        %or3A_573 = arith.ori %and3A_571, %and3A_572 : vector<16xi32>
        %bitcast_convert_type3A_574 = tpu.bitcast %or3A_573 : vector<16xi32> -> vector<16xf32>
        %mul3A_575 = arith.constant 16 : i32
        %mul3A_576 = arith.muli %scan3A_530, %mul3A_575 : i32
        %swap3A_577 = arith.constant 2 : i32
        %swap3A_578 = arith.index_cast %swap3A_577 : i32 to index
        %swap3A_579 = arith.index_cast %mul3A_576 : i32 to index
        %swap3A_580 = tpu.vector_load %arg8[%swap3A_578, %swap3A_579] {strides = array<i32>} : memref<8x4096xf32, #tpu.memory_space<vmem>>, vector<1x16xf32>,
        %swap3A_581 = vector.shape_cast %swap3A_580 : vector<1x16xf32> to vector<16xf32>
        %swap3A_582 = vector.shape_cast %bitcast_convert_type3A_574 : vector<16xf32> to vector<1x16xf32>
        tpu.vector_store %arg8[%swap3A_578, %swap3A_579], %swap3A_582 {strides = array<i32>} : memref<8x4096xf32, #tpu.memory_space<vmem>>, vector<1x16xf32>,
        %and3A_583 = arith.andi %bitcast_convert_type3A_538, %not3A_146 : vector<16xi32>
        %and3A_584 = arith.andi %bitcast_convert_type3A_546, %sub3A_144 : vector<16xi32>
        %or3A_585 = arith.ori %and3A_583, %and3A_584 : vector<16xi32>
        %bitcast_convert_type3A_586 = tpu.bitcast %or3A_585 : vector<16xi32> -> vector<16xf32>
        %mul3A_587 = arith.constant 16 : i32
        %mul3A_588 = arith.muli %scan3A_530, %mul3A_587 : i32
        %swap3A_589 = arith.constant 3 : i32
        %swap3A_590 = arith.index_cast %swap3A_589 : i32 to index
        %swap3A_591 = arith.index_cast %mul3A_588 : i32 to index
        %swap3A_592 = tpu.vector_load %arg8[%swap3A_590, %swap3A_591] {strides = array<i32>} : memref<8x4096xf32, #tpu.memory_space<vmem>>, vector<1x16xf32>,
        %swap3A_593 = vector.shape_cast %swap3A_592 : vector<1x16xf32> to vector<16xf32>
        %swap3A_594 = vector.shape_cast %bitcast_convert_type3A_586 : vector<16xf32> to vector<1x16xf32>
        tpu.vector_store %arg8[%swap3A_590, %swap3A_591], %swap3A_594 {strides = array<i32>} : memref<8x4096xf32, #tpu.memory_space<vmem>>, vector<1x16xf32>,
        %and3A_595 = arith.andi %bitcast_convert_type3A_538, %not3A_154 : vector<16xi32>
        %and3A_596 = arith.andi %bitcast_convert_type3A_546, %sub3A_152 : vector<16xi32>
        %or3A_597 = arith.ori %and3A_595, %and3A_596 : vector<16xi32>
        %bitcast_convert_type3A_598 = tpu.bitcast %or3A_597 : vector<16xi32> -> vector<16xf32>
        %mul3A_599 = arith.constant 16 : i32
        %mul3A_600 = arith.muli %scan3A_530, %mul3A_599 : i32
        %swap3A_601 = arith.constant 4 : i32
        %swap3A_602 = arith.index_cast %swap3A_601 : i32 to index
        %swap3A_603 = arith.index_cast %mul3A_600 : i32 to index
        %swap3A_604 = tpu.vector_load %arg8[%swap3A_602, %swap3A_603] {strides = array<i32>} : memref<8x4096xf32, #tpu.memory_space<vmem>>, vector<1x16xf32>,
        %swap3A_605 = vector.shape_cast %swap3A_604 : vector<1x16xf32> to vector<16xf32>
        %swap3A_606 = vector.shape_cast %bitcast_convert_type3A_598 : vector<16xf32> to vector<1x16xf32>
        tpu.vector_store %arg8[%swap3A_602, %swap3A_603], %swap3A_606 {strides = array<i32>} : memref<8x4096xf32, #tpu.memory_space<vmem>>, vector<1x16xf32>,
        %and3A_607 = arith.andi %bitcast_convert_type3A_538, %not3A_162 : vector<16xi32>
        %and3A_608 = arith.andi %bitcast_convert_type3A_546, %sub3A_160 : vector<16xi32>
        %or3A_609 = arith.ori %and3A_607, %and3A_608 : vector<16xi32>
        %bitcast_convert_type3A_610 = tpu.bitcast %or3A_609 : vector<16xi32> -> vector<16xf32>
        %mul3A_611 = arith.constant 16 : i32
        %mul3A_612 = arith.muli %scan3A_530, %mul3A_611 : i32
        %swap3A_613 = arith.constant 5 : i32
        %swap3A_614 = arith.index_cast %swap3A_613 : i32 to index
        %swap3A_615 = arith.index_cast %mul3A_612 : i32 to index
        %swap3A_616 = tpu.vector_load %arg8[%swap3A_614, %swap3A_615] {strides = array<i32>} : memref<8x4096xf32, #tpu.memory_space<vmem>>, vector<1x16xf32>,
        %swap3A_617 = vector.shape_cast %swap3A_616 : vector<1x16xf32> to vector<16xf32>
        %swap3A_618 = vector.shape_cast %bitcast_convert_type3A_610 : vector<16xf32> to vector<1x16xf32>
        tpu.vector_store %arg8[%swap3A_614, %swap3A_615], %swap3A_618 {strides = array<i32>} : memref<8x4096xf32, #tpu.memory_space<vmem>>, vector<1x16xf32>,
        %and3A_619 = arith.andi %bitcast_convert_type3A_538, %not3A_170 : vector<16xi32>
        %and3A_620 = arith.andi %bitcast_convert_type3A_546, %sub3A_168 : vector<16xi32>
        %or3A_621 = arith.ori %and3A_619, %and3A_620 : vector<16xi32>
        %bitcast_convert_type3A_622 = tpu.bitcast %or3A_621 : vector<16xi32> -> vector<16xf32>
        %mul3A_623 = arith.constant 16 : i32
        %mul3A_624 = arith.muli %scan3A_530, %mul3A_623 : i32
        %swap3A_625 = arith.constant 6 : i32
        %swap3A_626 = arith.index_cast %swap3A_625 : i32 to index
        %swap3A_627 = arith.index_cast %mul3A_624 : i32 to index
        %swap3A_628 = tpu.vector_load %arg8[%swap3A_626, %swap3A_627] {strides = array<i32>} : memref<8x4096xf32, #tpu.memory_space<vmem>>, vector<1x16xf32>,
        %swap3A_629 = vector.shape_cast %swap3A_628 : vector<1x16xf32> to vector<16xf32>
        %swap3A_630 = vector.shape_cast %bitcast_convert_type3A_622 : vector<16xf32> to vector<1x16xf32>
        tpu.vector_store %arg8[%swap3A_626, %swap3A_627], %swap3A_630 {strides = array<i32>} : memref<8x4096xf32, #tpu.memory_space<vmem>>, vector<1x16xf32>,
        %and3A_631 = arith.andi %bitcast_convert_type3A_538, %not3A_178 : vector<16xi32>
        %and3A_632 = arith.andi %bitcast_convert_type3A_546, %sub3A_176 : vector<16xi32>
        %or3A_633 = arith.ori %and3A_631, %and3A_632 : vector<16xi32>
        %bitcast_convert_type3A_634 = tpu.bitcast %or3A_633 : vector<16xi32> -> vector<16xf32>
        %mul3A_635 = arith.constant 16 : i32
        %mul3A_636 = arith.muli %scan3A_530, %mul3A_635 : i32
        %swap3A_637 = arith.constant 7 : i32
        %swap3A_638 = arith.index_cast %swap3A_637 : i32 to index
        %swap3A_639 = arith.index_cast %mul3A_636 : i32 to index
        %swap3A_640 = tpu.vector_load %arg8[%swap3A_638, %swap3A_639] {strides = array<i32>} : memref<8x4096xf32, #tpu.memory_space<vmem>>, vector<1x16xf32>,
        %swap3A_641 = vector.shape_cast %swap3A_640 : vector<1x16xf32> to vector<16xf32>
        %swap3A_642 = vector.shape_cast %bitcast_convert_type3A_634 : vector<16xf32> to vector<1x16xf32>
        tpu.vector_store %arg8[%swap3A_638, %swap3A_639], %swap3A_642 {strides = array<i32>} : memref<8x4096xf32, #tpu.memory_space<vmem>>, vector<1x16xf32>,
        %scan3A_643 = arith.constant 4 : i32
        %scan3A_644 = arith.addi %scan3A_192, %scan3A_643 : i32
        %mul3A_645 = arith.constant 16 : i32
        %mul3A_646 = arith.muli %scan3A_644, %mul3A_645 : i32
        %get3A_647 = arith.constant 0 : i32
        %get3A_648 = arith.index_cast %get3A_647 : i32 to index
        %get3A_649 = arith.index_cast %mul3A_646 : i32 to index
        %get3A_650 = tpu.vector_load %arg6[%get3A_648, %get3A_649] {strides = array<i32>} : memref<2x4096xf32, #tpu.memory_space<vmem>>, vector<1x16xf32>,
        %get3A_651 = vector.shape_cast %get3A_650 : vector<1x16xf32> to vector<16xf32>
        %bitcast_convert_type3A_652 = tpu.bitcast %get3A_651 : vector<16xf32> -> vector<16xi32>
        %mul3A_653 = arith.constant 16 : i32
        %mul3A_654 = arith.muli %scan3A_644, %mul3A_653 : i32
        %get3A_655 = arith.constant 1 : i32
        %get3A_656 = arith.index_cast %get3A_655 : i32 to index
        %get3A_657 = arith.index_cast %mul3A_654 : i32 to index
        %get3A_658 = tpu.vector_load %arg6[%get3A_656, %get3A_657] {strides = array<i32>} : memref<2x4096xf32, #tpu.memory_space<vmem>>, vector<1x16xf32>,
        %get3A_659 = vector.shape_cast %get3A_658 : vector<1x16xf32> to vector<16xf32>
        %bitcast_convert_type3A_660 = tpu.bitcast %get3A_659 : vector<16xf32> -> vector<16xi32>
        %and3A_661 = arith.andi %bitcast_convert_type3A_652, %not3A_122 : vector<16xi32>
        %and3A_662 = arith.andi %bitcast_convert_type3A_660, %sub3A_120 : vector<16xi32>
        %or3A_663 = arith.ori %and3A_661, %and3A_662 : vector<16xi32>
        %bitcast_convert_type3A_664 = tpu.bitcast %or3A_663 : vector<16xi32> -> vector<16xf32>
        %mul3A_665 = arith.constant 16 : i32
        %mul3A_666 = arith.muli %scan3A_644, %mul3A_665 : i32
        %swap3A_667 = arith.constant 0 : i32
        %swap3A_668 = arith.index_cast %swap3A_667 : i32 to index
        %swap3A_669 = arith.index_cast %mul3A_666 : i32 to index
        %swap3A_670 = tpu.vector_load %arg8[%swap3A_668, %swap3A_669] {strides = array<i32>} : memref<8x4096xf32, #tpu.memory_space<vmem>>, vector<1x16xf32>,
        %swap3A_671 = vector.shape_cast %swap3A_670 : vector<1x16xf32> to vector<16xf32>
        %swap3A_672 = vector.shape_cast %bitcast_convert_type3A_664 : vector<16xf32> to vector<1x16xf32>
        tpu.vector_store %arg8[%swap3A_668, %swap3A_669], %swap3A_672 {strides = array<i32>} : memref<8x4096xf32, #tpu.memory_space<vmem>>, vector<1x16xf32>,
        %and3A_673 = arith.andi %bitcast_convert_type3A_652, %not3A_130 : vector<16xi32>
        %and3A_674 = arith.andi %bitcast_convert_type3A_660, %sub3A_128 : vector<16xi32>
        %or3A_675 = arith.ori %and3A_673, %and3A_674 : vector<16xi32>
        %bitcast_convert_type3A_676 = tpu.bitcast %or3A_675 : vector<16xi32> -> vector<16xf32>
        %mul3A_677 = arith.constant 16 : i32
        %mul3A_678 = arith.muli %scan3A_644, %mul3A_677 : i32
        %swap3A_679 = arith.constant 1 : i32
        %swap3A_680 = arith.index_cast %swap3A_679 : i32 to index
        %swap3A_681 = arith.index_cast %mul3A_678 : i32 to index
        %swap3A_682 = tpu.vector_load %arg8[%swap3A_680, %swap3A_681] {strides = array<i32>} : memref<8x4096xf32, #tpu.memory_space<vmem>>, vector<1x16xf32>,
        %swap3A_683 = vector.shape_cast %swap3A_682 : vector<1x16xf32> to vector<16xf32>
        %swap3A_684 = vector.shape_cast %bitcast_convert_type3A_676 : vector<16xf32> to vector<1x16xf32>
        tpu.vector_store %arg8[%swap3A_680, %swap3A_681], %swap3A_684 {strides = array<i32>} : memref<8x4096xf32, #tpu.memory_space<vmem>>, vector<1x16xf32>,
        %and3A_685 = arith.andi %bitcast_convert_type3A_652, %not3A_138 : vector<16xi32>
        %and3A_686 = arith.andi %bitcast_convert_type3A_660, %sub3A_136 : vector<16xi32>
        %or3A_687 = arith.ori %and3A_685, %and3A_686 : vector<16xi32>
        %bitcast_convert_type3A_688 = tpu.bitcast %or3A_687 : vector<16xi32> -> vector<16xf32>
        %mul3A_689 = arith.constant 16 : i32
        %mul3A_690 = arith.muli %scan3A_644, %mul3A_689 : i32
        %swap3A_691 = arith.constant 2 : i32
        %swap3A_692 = arith.index_cast %swap3A_691 : i32 to index
        %swap3A_693 = arith.index_cast %mul3A_690 : i32 to index
        %swap3A_694 = tpu.vector_load %arg8[%swap3A_692, %swap3A_693] {strides = array<i32>} : memref<8x4096xf32, #tpu.memory_space<vmem>>, vector<1x16xf32>,
        %swap3A_695 = vector.shape_cast %swap3A_694 : vector<1x16xf32> to vector<16xf32>
        %swap3A_696 = vector.shape_cast %bitcast_convert_type3A_688 : vector<16xf32> to vector<1x16xf32>
        tpu.vector_store %arg8[%swap3A_692, %swap3A_693], %swap3A_696 {strides = array<i32>} : memref<8x4096xf32, #tpu.memory_space<vmem>>, vector<1x16xf32>,
        %and3A_697 = arith.andi %bitcast_convert_type3A_652, %not3A_146 : vector<16xi32>
        %and3A_698 = arith.andi %bitcast_convert_type3A_660, %sub3A_144 : vector<16xi32>
        %or3A_699 = arith.ori %and3A_697, %and3A_698 : vector<16xi32>
        %bitcast_convert_type3A_700 = tpu.bitcast %or3A_699 : vector<16xi32> -> vector<16xf32>
        %mul3A_701 = arith.constant 16 : i32
        %mul3A_702 = arith.muli %scan3A_644, %mul3A_701 : i32
        %swap3A_703 = arith.constant 3 : i32
        %swap3A_704 = arith.index_cast %swap3A_703 : i32 to index
        %swap3A_705 = arith.index_cast %mul3A_702 : i32 to index
        %swap3A_706 = tpu.vector_load %arg8[%swap3A_704, %swap3A_705] {strides = array<i32>} : memref<8x4096xf32, #tpu.memory_space<vmem>>, vector<1x16xf32>,
        %swap3A_707 = vector.shape_cast %swap3A_706 : vector<1x16xf32> to vector<16xf32>
        %swap3A_708 = vector.shape_cast %bitcast_convert_type3A_700 : vector<16xf32> to vector<1x16xf32>
        tpu.vector_store %arg8[%swap3A_704, %swap3A_705], %swap3A_708 {strides = array<i32>} : memref<8x4096xf32, #tpu.memory_space<vmem>>, vector<1x16xf32>,
        %and3A_709 = arith.andi %bitcast_convert_type3A_652, %not3A_154 : vector<16xi32>
        %and3A_710 = arith.andi %bitcast_convert_type3A_660, %sub3A_152 : vector<16xi32>
        %or3A_711 = arith.ori %and3A_709, %and3A_710 : vector<16xi32>
        %bitcast_convert_type3A_712 = tpu.bitcast %or3A_711 : vector<16xi32> -> vector<16xf32>
        %mul3A_713 = arith.constant 16 : i32
        %mul3A_714 = arith.muli %scan3A_644, %mul3A_713 : i32
        %swap3A_715 = arith.constant 4 : i32
        %swap3A_716 = arith.index_cast %swap3A_715 : i32 to index
        %swap3A_717 = arith.index_cast %mul3A_714 : i32 to index
        %swap3A_718 = tpu.vector_load %arg8[%swap3A_716, %swap3A_717] {strides = array<i32>} : memref<8x4096xf32, #tpu.memory_space<vmem>>, vector<1x16xf32>,
        %swap3A_719 = vector.shape_cast %swap3A_718 : vector<1x16xf32> to vector<16xf32>
        %swap3A_720 = vector.shape_cast %bitcast_convert_type3A_712 : vector<16xf32> to vector<1x16xf32>
        tpu.vector_store %arg8[%swap3A_716, %swap3A_717], %swap3A_720 {strides = array<i32>} : memref<8x4096xf32, #tpu.memory_space<vmem>>, vector<1x16xf32>,
        %and3A_721 = arith.andi %bitcast_convert_type3A_652, %not3A_162 : vector<16xi32>
        %and3A_722 = arith.andi %bitcast_convert_type3A_660, %sub3A_160 : vector<16xi32>
        %or3A_723 = arith.ori %and3A_721, %and3A_722 : vector<16xi32>
        %bitcast_convert_type3A_724 = tpu.bitcast %or3A_723 : vector<16xi32> -> vector<16xf32>
        %mul3A_725 = arith.constant 16 : i32
        %mul3A_726 = arith.muli %scan3A_644, %mul3A_725 : i32
        %swap3A_727 = arith.constant 5 : i32
        %swap3A_728 = arith.index_cast %swap3A_727 : i32 to index
        %swap3A_729 = arith.index_cast %mul3A_726 : i32 to index
        %swap3A_730 = tpu.vector_load %arg8[%swap3A_728, %swap3A_729] {strides = array<i32>} : memref<8x4096xf32, #tpu.memory_space<vmem>>, vector<1x16xf32>,
        %swap3A_731 = vector.shape_cast %swap3A_730 : vector<1x16xf32> to vector<16xf32>
        %swap3A_732 = vector.shape_cast %bitcast_convert_type3A_724 : vector<16xf32> to vector<1x16xf32>
        tpu.vector_store %arg8[%swap3A_728, %swap3A_729], %swap3A_732 {strides = array<i32>} : memref<8x4096xf32, #tpu.memory_space<vmem>>, vector<1x16xf32>,
        %and3A_733 = arith.andi %bitcast_convert_type3A_652, %not3A_170 : vector<16xi32>
        %and3A_734 = arith.andi %bitcast_convert_type3A_660, %sub3A_168 : vector<16xi32>
        %or3A_735 = arith.ori %and3A_733, %and3A_734 : vector<16xi32>
        %bitcast_convert_type3A_736 = tpu.bitcast %or3A_735 : vector<16xi32> -> vector<16xf32>
        %mul3A_737 = arith.constant 16 : i32
        %mul3A_738 = arith.muli %scan3A_644, %mul3A_737 : i32
        %swap3A_739 = arith.constant 6 : i32
        %swap3A_740 = arith.index_cast %swap3A_739 : i32 to index
        %swap3A_741 = arith.index_cast %mul3A_738 : i32 to index
        %swap3A_742 = tpu.vector_load %arg8[%swap3A_740, %swap3A_741] {strides = array<i32>} : memref<8x4096xf32, #tpu.memory_space<vmem>>, vector<1x16xf32>,
        %swap3A_743 = vector.shape_cast %swap3A_742 : vector<1x16xf32> to vector<16xf32>
        %swap3A_744 = vector.shape_cast %bitcast_convert_type3A_736 : vector<16xf32> to vector<1x16xf32>
        tpu.vector_store %arg8[%swap3A_740, %swap3A_741], %swap3A_744 {strides = array<i32>} : memref<8x4096xf32, #tpu.memory_space<vmem>>, vector<1x16xf32>,
        %and3A_745 = arith.andi %bitcast_convert_type3A_652, %not3A_178 : vector<16xi32>
        %and3A_746 = arith.andi %bitcast_convert_type3A_660, %sub3A_176 : vector<16xi32>
        %or3A_747 = arith.ori %and3A_745, %and3A_746 : vector<16xi32>
        %bitcast_convert_type3A_748 = tpu.bitcast %or3A_747 : vector<16xi32> -> vector<16xf32>
        %mul3A_749 = arith.constant 16 : i32
        %mul3A_750 = arith.muli %scan3A_644, %mul3A_749 : i32
        %swap3A_751 = arith.constant 7 : i32
        %swap3A_752 = arith.index_cast %swap3A_751 : i32 to index
        %swap3A_753 = arith.index_cast %mul3A_750 : i32 to index
        %swap3A_754 = tpu.vector_load %arg8[%swap3A_752, %swap3A_753] {strides = array<i32>} : memref<8x4096xf32, #tpu.memory_space<vmem>>, vector<1x16xf32>,
        %swap3A_755 = vector.shape_cast %swap3A_754 : vector<1x16xf32> to vector<16xf32>
        %swap3A_756 = vector.shape_cast %bitcast_convert_type3A_748 : vector<16xf32> to vector<1x16xf32>
        tpu.vector_store %arg8[%swap3A_752, %swap3A_753], %swap3A_756 {strides = array<i32>} : memref<8x4096xf32, #tpu.memory_space<vmem>>, vector<1x16xf32>,
        %scan3A_757 = arith.constant 5 : i32
        %scan3A_758 = arith.addi %scan3A_192, %scan3A_757 : i32
        %mul3A_759 = arith.constant 16 : i32
        %mul3A_760 = arith.muli %scan3A_758, %mul3A_759 : i32
        %get3A_761 = arith.constant 0 : i32
        %get3A_762 = arith.index_cast %get3A_761 : i32 to index
        %get3A_763 = arith.index_cast %mul3A_760 : i32 to index
        %get3A_764 = tpu.vector_load %arg6[%get3A_762, %get3A_763] {strides = array<i32>} : memref<2x4096xf32, #tpu.memory_space<vmem>>, vector<1x16xf32>,
        %get3A_765 = vector.shape_cast %get3A_764 : vector<1x16xf32> to vector<16xf32>
        %bitcast_convert_type3A_766 = tpu.bitcast %get3A_765 : vector<16xf32> -> vector<16xi32>
        %mul3A_767 = arith.constant 16 : i32
        %mul3A_768 = arith.muli %scan3A_758, %mul3A_767 : i32
        %get3A_769 = arith.constant 1 : i32
        %get3A_770 = arith.index_cast %get3A_769 : i32 to index
        %get3A_771 = arith.index_cast %mul3A_768 : i32 to index
        %get3A_772 = tpu.vector_load %arg6[%get3A_770, %get3A_771] {strides = array<i32>} : memref<2x4096xf32, #tpu.memory_space<vmem>>, vector<1x16xf32>,
        %get3A_773 = vector.shape_cast %get3A_772 : vector<1x16xf32> to vector<16xf32>
        %bitcast_convert_type3A_774 = tpu.bitcast %get3A_773 : vector<16xf32> -> vector<16xi32>
        %and3A_775 = arith.andi %bitcast_convert_type3A_766, %not3A_122 : vector<16xi32>
        %and3A_776 = arith.andi %bitcast_convert_type3A_774, %sub3A_120 : vector<16xi32>
        %or3A_777 = arith.ori %and3A_775, %and3A_776 : vector<16xi32>
        %bitcast_convert_type3A_778 = tpu.bitcast %or3A_777 : vector<16xi32> -> vector<16xf32>
        %mul3A_779 = arith.constant 16 : i32
        %mul3A_780 = arith.muli %scan3A_758, %mul3A_779 : i32
        %swap3A_781 = arith.constant 0 : i32
        %swap3A_782 = arith.index_cast %swap3A_781 : i32 to index
        %swap3A_783 = arith.index_cast %mul3A_780 : i32 to index
        %swap3A_784 = tpu.vector_load %arg8[%swap3A_782, %swap3A_783] {strides = array<i32>} : memref<8x4096xf32, #tpu.memory_space<vmem>>, vector<1x16xf32>,
        %swap3A_785 = vector.shape_cast %swap3A_784 : vector<1x16xf32> to vector<16xf32>
        %swap3A_786 = vector.shape_cast %bitcast_convert_type3A_778 : vector<16xf32> to vector<1x16xf32>
        tpu.vector_store %arg8[%swap3A_782, %swap3A_783], %swap3A_786 {strides = array<i32>} : memref<8x4096xf32, #tpu.memory_space<vmem>>, vector<1x16xf32>,
        %and3A_787 = arith.andi %bitcast_convert_type3A_766, %not3A_130 : vector<16xi32>
        %and3A_788 = arith.andi %bitcast_convert_type3A_774, %sub3A_128 : vector<16xi32>
        %or3A_789 = arith.ori %and3A_787, %and3A_788 : vector<16xi32>
        %bitcast_convert_type3A_790 = tpu.bitcast %or3A_789 : vector<16xi32> -> vector<16xf32>
        %mul3A_791 = arith.constant 16 : i32
        %mul3A_792 = arith.muli %scan3A_758, %mul3A_791 : i32
        %swap3A_793 = arith.constant 1 : i32
        %swap3A_794 = arith.index_cast %swap3A_793 : i32 to index
        %swap3A_795 = arith.index_cast %mul3A_792 : i32 to index
        %swap3A_796 = tpu.vector_load %arg8[%swap3A_794, %swap3A_795] {strides = array<i32>} : memref<8x4096xf32, #tpu.memory_space<vmem>>, vector<1x16xf32>,
        %swap3A_797 = vector.shape_cast %swap3A_796 : vector<1x16xf32> to vector<16xf32>
        %swap3A_798 = vector.shape_cast %bitcast_convert_type3A_790 : vector<16xf32> to vector<1x16xf32>
        tpu.vector_store %arg8[%swap3A_794, %swap3A_795], %swap3A_798 {strides = array<i32>} : memref<8x4096xf32, #tpu.memory_space<vmem>>, vector<1x16xf32>,
        %and3A_799 = arith.andi %bitcast_convert_type3A_766, %not3A_138 : vector<16xi32>
        %and3A_800 = arith.andi %bitcast_convert_type3A_774, %sub3A_136 : vector<16xi32>
        %or3A_801 = arith.ori %and3A_799, %and3A_800 : vector<16xi32>
        %bitcast_convert_type3A_802 = tpu.bitcast %or3A_801 : vector<16xi32> -> vector<16xf32>
        %mul3A_803 = arith.constant 16 : i32
        %mul3A_804 = arith.muli %scan3A_758, %mul3A_803 : i32
        %swap3A_805 = arith.constant 2 : i32
        %swap3A_806 = arith.index_cast %swap3A_805 : i32 to index
        %swap3A_807 = arith.index_cast %mul3A_804 : i32 to index
        %swap3A_808 = tpu.vector_load %arg8[%swap3A_806, %swap3A_807] {strides = array<i32>} : memref<8x4096xf32, #tpu.memory_space<vmem>>, vector<1x16xf32>,
        %swap3A_809 = vector.shape_cast %swap3A_808 : vector<1x16xf32> to vector<16xf32>
        %swap3A_810 = vector.shape_cast %bitcast_convert_type3A_802 : vector<16xf32> to vector<1x16xf32>
        tpu.vector_store %arg8[%swap3A_806, %swap3A_807], %swap3A_810 {strides = array<i32>} : memref<8x4096xf32, #tpu.memory_space<vmem>>, vector<1x16xf32>,
        %and3A_811 = arith.andi %bitcast_convert_type3A_766, %not3A_146 : vector<16xi32>
        %and3A_812 = arith.andi %bitcast_convert_type3A_774, %sub3A_144 : vector<16xi32>
        %or3A_813 = arith.ori %and3A_811, %and3A_812 : vector<16xi32>
        %bitcast_convert_type3A_814 = tpu.bitcast %or3A_813 : vector<16xi32> -> vector<16xf32>
        %mul3A_815 = arith.constant 16 : i32
        %mul3A_816 = arith.muli %scan3A_758, %mul3A_815 : i32
        %swap3A_817 = arith.constant 3 : i32
        %swap3A_818 = arith.index_cast %swap3A_817 : i32 to index
        %swap3A_819 = arith.index_cast %mul3A_816 : i32 to index
        %swap3A_820 = tpu.vector_load %arg8[%swap3A_818, %swap3A_819] {strides = array<i32>} : memref<8x4096xf32, #tpu.memory_space<vmem>>, vector<1x16xf32>,
        %swap3A_821 = vector.shape_cast %swap3A_820 : vector<1x16xf32> to vector<16xf32>
        %swap3A_822 = vector.shape_cast %bitcast_convert_type3A_814 : vector<16xf32> to vector<1x16xf32>
        tpu.vector_store %arg8[%swap3A_818, %swap3A_819], %swap3A_822 {strides = array<i32>} : memref<8x4096xf32, #tpu.memory_space<vmem>>, vector<1x16xf32>,
        %and3A_823 = arith.andi %bitcast_convert_type3A_766, %not3A_154 : vector<16xi32>
        %and3A_824 = arith.andi %bitcast_convert_type3A_774, %sub3A_152 : vector<16xi32>
        %or3A_825 = arith.ori %and3A_823, %and3A_824 : vector<16xi32>
        %bitcast_convert_type3A_826 = tpu.bitcast %or3A_825 : vector<16xi32> -> vector<16xf32>
        %mul3A_827 = arith.constant 16 : i32
        %mul3A_828 = arith.muli %scan3A_758, %mul3A_827 : i32
        %swap3A_829 = arith.constant 4 : i32
        %swap3A_830 = arith.index_cast %swap3A_829 : i32 to index
        %swap3A_831 = arith.index_cast %mul3A_828 : i32 to index
        %swap3A_832 = tpu.vector_load %arg8[%swap3A_830, %swap3A_831] {strides = array<i32>} : memref<8x4096xf32, #tpu.memory_space<vmem>>, vector<1x16xf32>,
        %swap3A_833 = vector.shape_cast %swap3A_832 : vector<1x16xf32> to vector<16xf32>
        %swap3A_834 = vector.shape_cast %bitcast_convert_type3A_826 : vector<16xf32> to vector<1x16xf32>
        tpu.vector_store %arg8[%swap3A_830, %swap3A_831], %swap3A_834 {strides = array<i32>} : memref<8x4096xf32, #tpu.memory_space<vmem>>, vector<1x16xf32>,
        %and3A_835 = arith.andi %bitcast_convert_type3A_766, %not3A_162 : vector<16xi32>
        %and3A_836 = arith.andi %bitcast_convert_type3A_774, %sub3A_160 : vector<16xi32>
        %or3A_837 = arith.ori %and3A_835, %and3A_836 : vector<16xi32>
        %bitcast_convert_type3A_838 = tpu.bitcast %or3A_837 : vector<16xi32> -> vector<16xf32>
        %mul3A_839 = arith.constant 16 : i32
        %mul3A_840 = arith.muli %scan3A_758, %mul3A_839 : i32
        %swap3A_841 = arith.constant 5 : i32
        %swap3A_842 = arith.index_cast %swap3A_841 : i32 to index
        %swap3A_843 = arith.index_cast %mul3A_840 : i32 to index
        %swap3A_844 = tpu.vector_load %arg8[%swap3A_842, %swap3A_843] {strides = array<i32>} : memref<8x4096xf32, #tpu.memory_space<vmem>>, vector<1x16xf32>,
        %swap3A_845 = vector.shape_cast %swap3A_844 : vector<1x16xf32> to vector<16xf32>
        %swap3A_846 = vector.shape_cast %bitcast_convert_type3A_838 : vector<16xf32> to vector<1x16xf32>
        tpu.vector_store %arg8[%swap3A_842, %swap3A_843], %swap3A_846 {strides = array<i32>} : memref<8x4096xf32, #tpu.memory_space<vmem>>, vector<1x16xf32>,
        %and3A_847 = arith.andi %bitcast_convert_type3A_766, %not3A_170 : vector<16xi32>
        %and3A_848 = arith.andi %bitcast_convert_type3A_774, %sub3A_168 : vector<16xi32>
        %or3A_849 = arith.ori %and3A_847, %and3A_848 : vector<16xi32>
        %bitcast_convert_type3A_850 = tpu.bitcast %or3A_849 : vector<16xi32> -> vector<16xf32>
        %mul3A_851 = arith.constant 16 : i32
        %mul3A_852 = arith.muli %scan3A_758, %mul3A_851 : i32
        %swap3A_853 = arith.constant 6 : i32
        %swap3A_854 = arith.index_cast %swap3A_853 : i32 to index
        %swap3A_855 = arith.index_cast %mul3A_852 : i32 to index
        %swap3A_856 = tpu.vector_load %arg8[%swap3A_854, %swap3A_855] {strides = array<i32>} : memref<8x4096xf32, #tpu.memory_space<vmem>>, vector<1x16xf32>,
        %swap3A_857 = vector.shape_cast %swap3A_856 : vector<1x16xf32> to vector<16xf32>
        %swap3A_858 = vector.shape_cast %bitcast_convert_type3A_850 : vector<16xf32> to vector<1x16xf32>
        tpu.vector_store %arg8[%swap3A_854, %swap3A_855], %swap3A_858 {strides = array<i32>} : memref<8x4096xf32, #tpu.memory_space<vmem>>, vector<1x16xf32>,
        %and3A_859 = arith.andi %bitcast_convert_type3A_766, %not3A_178 : vector<16xi32>
        %and3A_860 = arith.andi %bitcast_convert_type3A_774, %sub3A_176 : vector<16xi32>
        %or3A_861 = arith.ori %and3A_859, %and3A_860 : vector<16xi32>
        %bitcast_convert_type3A_862 = tpu.bitcast %or3A_861 : vector<16xi32> -> vector<16xf32>
        %mul3A_863 = arith.constant 16 : i32
        %mul3A_864 = arith.muli %scan3A_758, %mul3A_863 : i32
        %swap3A_865 = arith.constant 7 : i32
        %swap3A_866 = arith.index_cast %swap3A_865 : i32 to index
        %swap3A_867 = arith.index_cast %mul3A_864 : i32 to index
        %swap3A_868 = tpu.vector_load %arg8[%swap3A_866, %swap3A_867] {strides = array<i32>} : memref<8x4096xf32, #tpu.memory_space<vmem>>, vector<1x16xf32>,
        %swap3A_869 = vector.shape_cast %swap3A_868 : vector<1x16xf32> to vector<16xf32>
        %swap3A_870 = vector.shape_cast %bitcast_convert_type3A_862 : vector<16xf32> to vector<1x16xf32>
        tpu.vector_store %arg8[%swap3A_866, %swap3A_867], %swap3A_870 {strides = array<i32>} : memref<8x4096xf32, #tpu.memory_space<vmem>>, vector<1x16xf32>,
        %scan3A_871 = arith.constant 6 : i32
        %scan3A_872 = arith.addi %scan3A_192, %scan3A_871 : i32
        %mul3A_873 = arith.constant 16 : i32
        %mul3A_874 = arith.muli %scan3A_872, %mul3A_873 : i32
        %get3A_875 = arith.constant 0 : i32
        %get3A_876 = arith.index_cast %get3A_875 : i32 to index
        %get3A_877 = arith.index_cast %mul3A_874 : i32 to index
        %get3A_878 = tpu.vector_load %arg6[%get3A_876, %get3A_877] {strides = array<i32>} : memref<2x4096xf32, #tpu.memory_space<vmem>>, vector<1x16xf32>,
        %get3A_879 = vector.shape_cast %get3A_878 : vector<1x16xf32> to vector<16xf32>
        %bitcast_convert_type3A_880 = tpu.bitcast %get3A_879 : vector<16xf32> -> vector<16xi32>
        %mul3A_881 = arith.constant 16 : i32
        %mul3A_882 = arith.muli %scan3A_872, %mul3A_881 : i32
        %get3A_883 = arith.constant 1 : i32
        %get3A_884 = arith.index_cast %get3A_883 : i32 to index
        %get3A_885 = arith.index_cast %mul3A_882 : i32 to index
        %get3A_886 = tpu.vector_load %arg6[%get3A_884, %get3A_885] {strides = array<i32>} : memref<2x4096xf32, #tpu.memory_space<vmem>>, vector<1x16xf32>,
        %get3A_887 = vector.shape_cast %get3A_886 : vector<1x16xf32> to vector<16xf32>
        %bitcast_convert_type3A_888 = tpu.bitcast %get3A_887 : vector<16xf32> -> vector<16xi32>
        %and3A_889 = arith.andi %bitcast_convert_type3A_880, %not3A_122 : vector<16xi32>
        %and3A_890 = arith.andi %bitcast_convert_type3A_888, %sub3A_120 : vector<16xi32>
        %or3A_891 = arith.ori %and3A_889, %and3A_890 : vector<16xi32>
        %bitcast_convert_type3A_892 = tpu.bitcast %or3A_891 : vector<16xi32> -> vector<16xf32>
        %mul3A_893 = arith.constant 16 : i32
        %mul3A_894 = arith.muli %scan3A_872, %mul3A_893 : i32
        %swap3A_895 = arith.constant 0 : i32
        %swap3A_896 = arith.index_cast %swap3A_895 : i32 to index
        %swap3A_897 = arith.index_cast %mul3A_894 : i32 to index
        %swap3A_898 = tpu.vector_load %arg8[%swap3A_896, %swap3A_897] {strides = array<i32>} : memref<8x4096xf32, #tpu.memory_space<vmem>>, vector<1x16xf32>,
        %swap3A_899 = vector.shape_cast %swap3A_898 : vector<1x16xf32> to vector<16xf32>
        %swap3A_900 = vector.shape_cast %bitcast_convert_type3A_892 : vector<16xf32> to vector<1x16xf32>
        tpu.vector_store %arg8[%swap3A_896, %swap3A_897], %swap3A_900 {strides = array<i32>} : memref<8x4096xf32, #tpu.memory_space<vmem>>, vector<1x16xf32>,
        %and3A_901 = arith.andi %bitcast_convert_type3A_880, %not3A_130 : vector<16xi32>
        %and3A_902 = arith.andi %bitcast_convert_type3A_888, %sub3A_128 : vector<16xi32>
        %or3A_903 = arith.ori %and3A_901, %and3A_902 : vector<16xi32>
        %bitcast_convert_type3A_904 = tpu.bitcast %or3A_903 : vector<16xi32> -> vector<16xf32>
        %mul3A_905 = arith.constant 16 : i32
        %mul3A_906 = arith.muli %scan3A_872, %mul3A_905 : i32
        %swap3A_907 = arith.constant 1 : i32
        %swap3A_908 = arith.index_cast %swap3A_907 : i32 to index
        %swap3A_909 = arith.index_cast %mul3A_906 : i32 to index
        %swap3A_910 = tpu.vector_load %arg8[%swap3A_908, %swap3A_909] {strides = array<i32>} : memref<8x4096xf32, #tpu.memory_space<vmem>>, vector<1x16xf32>,
        %swap3A_911 = vector.shape_cast %swap3A_910 : vector<1x16xf32> to vector<16xf32>
        %swap3A_912 = vector.shape_cast %bitcast_convert_type3A_904 : vector<16xf32> to vector<1x16xf32>
        tpu.vector_store %arg8[%swap3A_908, %swap3A_909], %swap3A_912 {strides = array<i32>} : memref<8x4096xf32, #tpu.memory_space<vmem>>, vector<1x16xf32>,
        %and3A_913 = arith.andi %bitcast_convert_type3A_880, %not3A_138 : vector<16xi32>
        %and3A_914 = arith.andi %bitcast_convert_type3A_888, %sub3A_136 : vector<16xi32>
        %or3A_915 = arith.ori %and3A_913, %and3A_914 : vector<16xi32>
        %bitcast_convert_type3A_916 = tpu.bitcast %or3A_915 : vector<16xi32> -> vector<16xf32>
        %mul3A_917 = arith.constant 16 : i32
        %mul3A_918 = arith.muli %scan3A_872, %mul3A_917 : i32
        %swap3A_919 = arith.constant 2 : i32
        %swap3A_920 = arith.index_cast %swap3A_919 : i32 to index
        %swap3A_921 = arith.index_cast %mul3A_918 : i32 to index
        %swap3A_922 = tpu.vector_load %arg8[%swap3A_920, %swap3A_921] {strides = array<i32>} : memref<8x4096xf32, #tpu.memory_space<vmem>>, vector<1x16xf32>,
        %swap3A_923 = vector.shape_cast %swap3A_922 : vector<1x16xf32> to vector<16xf32>
        %swap3A_924 = vector.shape_cast %bitcast_convert_type3A_916 : vector<16xf32> to vector<1x16xf32>
        tpu.vector_store %arg8[%swap3A_920, %swap3A_921], %swap3A_924 {strides = array<i32>} : memref<8x4096xf32, #tpu.memory_space<vmem>>, vector<1x16xf32>,
        %and3A_925 = arith.andi %bitcast_convert_type3A_880, %not3A_146 : vector<16xi32>
        %and3A_926 = arith.andi %bitcast_convert_type3A_888, %sub3A_144 : vector<16xi32>
        %or3A_927 = arith.ori %and3A_925, %and3A_926 : vector<16xi32>
        %bitcast_convert_type3A_928 = tpu.bitcast %or3A_927 : vector<16xi32> -> vector<16xf32>
        %mul3A_929 = arith.constant 16 : i32
        %mul3A_930 = arith.muli %scan3A_872, %mul3A_929 : i32
        %swap3A_931 = arith.constant 3 : i32
        %swap3A_932 = arith.index_cast %swap3A_931 : i32 to index
        %swap3A_933 = arith.index_cast %mul3A_930 : i32 to index
        %swap3A_934 = tpu.vector_load %arg8[%swap3A_932, %swap3A_933] {strides = array<i32>} : memref<8x4096xf32, #tpu.memory_space<vmem>>, vector<1x16xf32>,
        %swap3A_935 = vector.shape_cast %swap3A_934 : vector<1x16xf32> to vector<16xf32>
        %swap3A_936 = vector.shape_cast %bitcast_convert_type3A_928 : vector<16xf32> to vector<1x16xf32>
        tpu.vector_store %arg8[%swap3A_932, %swap3A_933], %swap3A_936 {strides = array<i32>} : memref<8x4096xf32, #tpu.memory_space<vmem>>, vector<1x16xf32>,
        %and3A_937 = arith.andi %bitcast_convert_type3A_880, %not3A_154 : vector<16xi32>
        %and3A_938 = arith.andi %bitcast_convert_type3A_888, %sub3A_152 : vector<16xi32>
        %or3A_939 = arith.ori %and3A_937, %and3A_938 : vector<16xi32>
        %bitcast_convert_type3A_940 = tpu.bitcast %or3A_939 : vector<16xi32> -> vector<16xf32>
        %mul3A_941 = arith.constant 16 : i32
        %mul3A_942 = arith.muli %scan3A_872, %mul3A_941 : i32
        %swap3A_943 = arith.constant 4 : i32
        %swap3A_944 = arith.index_cast %swap3A_943 : i32 to index
        %swap3A_945 = arith.index_cast %mul3A_942 : i32 to index
        %swap3A_946 = tpu.vector_load %arg8[%swap3A_944, %swap3A_945] {strides = array<i32>} : memref<8x4096xf32, #tpu.memory_space<vmem>>, vector<1x16xf32>,
        %swap3A_947 = vector.shape_cast %swap3A_946 : vector<1x16xf32> to vector<16xf32>
        %swap3A_948 = vector.shape_cast %bitcast_convert_type3A_940 : vector<16xf32> to vector<1x16xf32>
        tpu.vector_store %arg8[%swap3A_944, %swap3A_945], %swap3A_948 {strides = array<i32>} : memref<8x4096xf32, #tpu.memory_space<vmem>>, vector<1x16xf32>,
        %and3A_949 = arith.andi %bitcast_convert_type3A_880, %not3A_162 : vector<16xi32>
        %and3A_950 = arith.andi %bitcast_convert_type3A_888, %sub3A_160 : vector<16xi32>
        %or3A_951 = arith.ori %and3A_949, %and3A_950 : vector<16xi32>
        %bitcast_convert_type3A_952 = tpu.bitcast %or3A_951 : vector<16xi32> -> vector<16xf32>
        %mul3A_953 = arith.constant 16 : i32
        %mul3A_954 = arith.muli %scan3A_872, %mul3A_953 : i32
        %swap3A_955 = arith.constant 5 : i32
        %swap3A_956 = arith.index_cast %swap3A_955 : i32 to index
        %swap3A_957 = arith.index_cast %mul3A_954 : i32 to index
        %swap3A_958 = tpu.vector_load %arg8[%swap3A_956, %swap3A_957] {strides = array<i32>} : memref<8x4096xf32, #tpu.memory_space<vmem>>, vector<1x16xf32>,
        %swap3A_959 = vector.shape_cast %swap3A_958 : vector<1x16xf32> to vector<16xf32>
        %swap3A_960 = vector.shape_cast %bitcast_convert_type3A_952 : vector<16xf32> to vector<1x16xf32>
        tpu.vector_store %arg8[%swap3A_956, %swap3A_957], %swap3A_960 {strides = array<i32>} : memref<8x4096xf32, #tpu.memory_space<vmem>>, vector<1x16xf32>,
        %and3A_961 = arith.andi %bitcast_convert_type3A_880, %not3A_170 : vector<16xi32>
        %and3A_962 = arith.andi %bitcast_convert_type3A_888, %sub3A_168 : vector<16xi32>
        %or3A_963 = arith.ori %and3A_961, %and3A_962 : vector<16xi32>
        %bitcast_convert_type3A_964 = tpu.bitcast %or3A_963 : vector<16xi32> -> vector<16xf32>
        %mul3A_965 = arith.constant 16 : i32
        %mul3A_966 = arith.muli %scan3A_872, %mul3A_965 : i32
        %swap3A_967 = arith.constant 6 : i32
        %swap3A_968 = arith.index_cast %swap3A_967 : i32 to index
        %swap3A_969 = arith.index_cast %mul3A_966 : i32 to index
        %swap3A_970 = tpu.vector_load %arg8[%swap3A_968, %swap3A_969] {strides = array<i32>} : memref<8x4096xf32, #tpu.memory_space<vmem>>, vector<1x16xf32>,
        %swap3A_971 = vector.shape_cast %swap3A_970 : vector<1x16xf32> to vector<16xf32>
        %swap3A_972 = vector.shape_cast %bitcast_convert_type3A_964 : vector<16xf32> to vector<1x16xf32>
        tpu.vector_store %arg8[%swap3A_968, %swap3A_969], %swap3A_972 {strides = array<i32>} : memref<8x4096xf32, #tpu.memory_space<vmem>>, vector<1x16xf32>,
        %and3A_973 = arith.andi %bitcast_convert_type3A_880, %not3A_178 : vector<16xi32>
        %and3A_974 = arith.andi %bitcast_convert_type3A_888, %sub3A_176 : vector<16xi32>
        %or3A_975 = arith.ori %and3A_973, %and3A_974 : vector<16xi32>
        %bitcast_convert_type3A_976 = tpu.bitcast %or3A_975 : vector<16xi32> -> vector<16xf32>
        %mul3A_977 = arith.constant 16 : i32
        %mul3A_978 = arith.muli %scan3A_872, %mul3A_977 : i32
        %swap3A_979 = arith.constant 7 : i32
        %swap3A_980 = arith.index_cast %swap3A_979 : i32 to index
        %swap3A_981 = arith.index_cast %mul3A_978 : i32 to index
        %swap3A_982 = tpu.vector_load %arg8[%swap3A_980, %swap3A_981] {strides = array<i32>} : memref<8x4096xf32, #tpu.memory_space<vmem>>, vector<1x16xf32>,
        %swap3A_983 = vector.shape_cast %swap3A_982 : vector<1x16xf32> to vector<16xf32>
        %swap3A_984 = vector.shape_cast %bitcast_convert_type3A_976 : vector<16xf32> to vector<1x16xf32>
        tpu.vector_store %arg8[%swap3A_980, %swap3A_981], %swap3A_984 {strides = array<i32>} : memref<8x4096xf32, #tpu.memory_space<vmem>>, vector<1x16xf32>,
        %scan3A_985 = arith.constant 7 : i32
        %scan3A_986 = arith.addi %scan3A_192, %scan3A_985 : i32
        %mul3A_987 = arith.constant 16 : i32
        %mul3A_988 = arith.muli %scan3A_986, %mul3A_987 : i32
        %get3A_989 = arith.constant 0 : i32
        %get3A_990 = arith.index_cast %get3A_989 : i32 to index
        %get3A_991 = arith.index_cast %mul3A_988 : i32 to index
        %get3A_992 = tpu.vector_load %arg6[%get3A_990, %get3A_991] {strides = array<i32>} : memref<2x4096xf32, #tpu.memory_space<vmem>>, vector<1x16xf32>,
        %get3A_993 = vector.shape_cast %get3A_992 : vector<1x16xf32> to vector<16xf32>
        %bitcast_convert_type3A_994 = tpu.bitcast %get3A_993 : vector<16xf32> -> vector<16xi32>
        %mul3A_995 = arith.constant 16 : i32
        %mul3A_996 = arith.muli %scan3A_986, %mul3A_995 : i32
        %get3A_997 = arith.constant 1 : i32
        %get3A_998 = arith.index_cast %get3A_997 : i32 to index
        %get3A_999 = arith.index_cast %mul3A_996 : i32 to index
        %get3A_1000 = tpu.vector_load %arg6[%get3A_998, %get3A_999] {strides = array<i32>} : memref<2x4096xf32, #tpu.memory_space<vmem>>, vector<1x16xf32>,
        %get3A_1001 = vector.shape_cast %get3A_1000 : vector<1x16xf32> to vector<16xf32>
        %bitcast_convert_type3A_1002 = tpu.bitcast %get3A_1001 : vector<16xf32> -> vector<16xi32>
        %and3A_1003 = arith.andi %bitcast_convert_type3A_994, %not3A_122 : vector<16xi32>
        %and3A_1004 = arith.andi %bitcast_convert_type3A_1002, %sub3A_120 : vector<16xi32>
        %or3A_1005 = arith.ori %and3A_1003, %and3A_1004 : vector<16xi32>
        %bitcast_convert_type3A_1006 = tpu.bitcast %or3A_1005 : vector<16xi32> -> vector<16xf32>
        %mul3A_1007 = arith.constant 16 : i32
        %mul3A_1008 = arith.muli %scan3A_986, %mul3A_1007 : i32
        %swap3A_1009 = arith.constant 0 : i32
        %swap3A_1010 = arith.index_cast %swap3A_1009 : i32 to index
        %swap3A_1011 = arith.index_cast %mul3A_1008 : i32 to index
        %swap3A_1012 = tpu.vector_load %arg8[%swap3A_1010, %swap3A_1011] {strides = array<i32>} : memref<8x4096xf32, #tpu.memory_space<vmem>>, vector<1x16xf32>,
        %swap3A_1013 = vector.shape_cast %swap3A_1012 : vector<1x16xf32> to vector<16xf32>
        %swap3A_1014 = vector.shape_cast %bitcast_convert_type3A_1006 : vector<16xf32> to vector<1x16xf32>
        tpu.vector_store %arg8[%swap3A_1010, %swap3A_1011], %swap3A_1014 {strides = array<i32>} : memref<8x4096xf32, #tpu.memory_space<vmem>>, vector<1x16xf32>,
        %and3A_1015 = arith.andi %bitcast_convert_type3A_994, %not3A_130 : vector<16xi32>
        %and3A_1016 = arith.andi %bitcast_convert_type3A_1002, %sub3A_128 : vector<16xi32>
        %or3A_1017 = arith.ori %and3A_1015, %and3A_1016 : vector<16xi32>
        %bitcast_convert_type3A_1018 = tpu.bitcast %or3A_1017 : vector<16xi32> -> vector<16xf32>
        %mul3A_1019 = arith.constant 16 : i32
        %mul3A_1020 = arith.muli %scan3A_986, %mul3A_1019 : i32
        %swap3A_1021 = arith.constant 1 : i32
        %swap3A_1022 = arith.index_cast %swap3A_1021 : i32 to index
        %swap3A_1023 = arith.index_cast %mul3A_1020 : i32 to index
        %swap3A_1024 = tpu.vector_load %arg8[%swap3A_1022, %swap3A_1023] {strides = array<i32>} : memref<8x4096xf32, #tpu.memory_space<vmem>>, vector<1x16xf32>,
        %swap3A_1025 = vector.shape_cast %swap3A_1024 : vector<1x16xf32> to vector<16xf32>
        %swap3A_1026 = vector.shape_cast %bitcast_convert_type3A_1018 : vector<16xf32> to vector<1x16xf32>
        tpu.vector_store %arg8[%swap3A_1022, %swap3A_1023], %swap3A_1026 {strides = array<i32>} : memref<8x4096xf32, #tpu.memory_space<vmem>>, vector<1x16xf32>,
        %and3A_1027 = arith.andi %bitcast_convert_type3A_994, %not3A_138 : vector<16xi32>
        %and3A_1028 = arith.andi %bitcast_convert_type3A_1002, %sub3A_136 : vector<16xi32>
        %or3A_1029 = arith.ori %and3A_1027, %and3A_1028 : vector<16xi32>
        %bitcast_convert_type3A_1030 = tpu.bitcast %or3A_1029 : vector<16xi32> -> vector<16xf32>
        %mul3A_1031 = arith.constant 16 : i32
        %mul3A_1032 = arith.muli %scan3A_986, %mul3A_1031 : i32
        %swap3A_1033 = arith.constant 2 : i32
        %swap3A_1034 = arith.index_cast %swap3A_1033 : i32 to index
        %swap3A_1035 = arith.index_cast %mul3A_1032 : i32 to index
        %swap3A_1036 = tpu.vector_load %arg8[%swap3A_1034, %swap3A_1035] {strides = array<i32>} : memref<8x4096xf32, #tpu.memory_space<vmem>>, vector<1x16xf32>,
        %swap3A_1037 = vector.shape_cast %swap3A_1036 : vector<1x16xf32> to vector<16xf32>
        %swap3A_1038 = vector.shape_cast %bitcast_convert_type3A_1030 : vector<16xf32> to vector<1x16xf32>
        tpu.vector_store %arg8[%swap3A_1034, %swap3A_1035], %swap3A_1038 {strides = array<i32>} : memref<8x4096xf32, #tpu.memory_space<vmem>>, vector<1x16xf32>,
        %and3A_1039 = arith.andi %bitcast_convert_type3A_994, %not3A_146 : vector<16xi32>
        %and3A_1040 = arith.andi %bitcast_convert_type3A_1002, %sub3A_144 : vector<16xi32>
        %or3A_1041 = arith.ori %and3A_1039, %and3A_1040 : vector<16xi32>
        %bitcast_convert_type3A_1042 = tpu.bitcast %or3A_1041 : vector<16xi32> -> vector<16xf32>
        %mul3A_1043 = arith.constant 16 : i32
        %mul3A_1044 = arith.muli %scan3A_986, %mul3A_1043 : i32
        %swap3A_1045 = arith.constant 3 : i32
        %swap3A_1046 = arith.index_cast %swap3A_1045 : i32 to index
        %swap3A_1047 = arith.index_cast %mul3A_1044 : i32 to index
        %swap3A_1048 = tpu.vector_load %arg8[%swap3A_1046, %swap3A_1047] {strides = array<i32>} : memref<8x4096xf32, #tpu.memory_space<vmem>>, vector<1x16xf32>,
        %swap3A_1049 = vector.shape_cast %swap3A_1048 : vector<1x16xf32> to vector<16xf32>
        %swap3A_1050 = vector.shape_cast %bitcast_convert_type3A_1042 : vector<16xf32> to vector<1x16xf32>
        tpu.vector_store %arg8[%swap3A_1046, %swap3A_1047], %swap3A_1050 {strides = array<i32>} : memref<8x4096xf32, #tpu.memory_space<vmem>>, vector<1x16xf32>,
        %and3A_1051 = arith.andi %bitcast_convert_type3A_994, %not3A_154 : vector<16xi32>
        %and3A_1052 = arith.andi %bitcast_convert_type3A_1002, %sub3A_152 : vector<16xi32>
        %or3A_1053 = arith.ori %and3A_1051, %and3A_1052 : vector<16xi32>
        %bitcast_convert_type3A_1054 = tpu.bitcast %or3A_1053 : vector<16xi32> -> vector<16xf32>
        %mul3A_1055 = arith.constant 16 : i32
        %mul3A_1056 = arith.muli %scan3A_986, %mul3A_1055 : i32
        %swap3A_1057 = arith.constant 4 : i32
        %swap3A_1058 = arith.index_cast %swap3A_1057 : i32 to index
        %swap3A_1059 = arith.index_cast %mul3A_1056 : i32 to index
        %swap3A_1060 = tpu.vector_load %arg8[%swap3A_1058, %swap3A_1059] {strides = array<i32>} : memref<8x4096xf32, #tpu.memory_space<vmem>>, vector<1x16xf32>,
        %swap3A_1061 = vector.shape_cast %swap3A_1060 : vector<1x16xf32> to vector<16xf32>
        %swap3A_1062 = vector.shape_cast %bitcast_convert_type3A_1054 : vector<16xf32> to vector<1x16xf32>
        tpu.vector_store %arg8[%swap3A_1058, %swap3A_1059], %swap3A_1062 {strides = array<i32>} : memref<8x4096xf32, #tpu.memory_space<vmem>>, vector<1x16xf32>,
        %and3A_1063 = arith.andi %bitcast_convert_type3A_994, %not3A_162 : vector<16xi32>
        %and3A_1064 = arith.andi %bitcast_convert_type3A_1002, %sub3A_160 : vector<16xi32>
        %or3A_1065 = arith.ori %and3A_1063, %and3A_1064 : vector<16xi32>
        %bitcast_convert_type3A_1066 = tpu.bitcast %or3A_1065 : vector<16xi32> -> vector<16xf32>
        %mul3A_1067 = arith.constant 16 : i32
        %mul3A_1068 = arith.muli %scan3A_986, %mul3A_1067 : i32
        %swap3A_1069 = arith.constant 5 : i32
        %swap3A_1070 = arith.index_cast %swap3A_1069 : i32 to index
        %swap3A_1071 = arith.index_cast %mul3A_1068 : i32 to index
        %swap3A_1072 = tpu.vector_load %arg8[%swap3A_1070, %swap3A_1071] {strides = array<i32>} : memref<8x4096xf32, #tpu.memory_space<vmem>>, vector<1x16xf32>,
        %swap3A_1073 = vector.shape_cast %swap3A_1072 : vector<1x16xf32> to vector<16xf32>
        %swap3A_1074 = vector.shape_cast %bitcast_convert_type3A_1066 : vector<16xf32> to vector<1x16xf32>
        tpu.vector_store %arg8[%swap3A_1070, %swap3A_1071], %swap3A_1074 {strides = array<i32>} : memref<8x4096xf32, #tpu.memory_space<vmem>>, vector<1x16xf32>,
        %and3A_1075 = arith.andi %bitcast_convert_type3A_994, %not3A_170 : vector<16xi32>
        %and3A_1076 = arith.andi %bitcast_convert_type3A_1002, %sub3A_168 : vector<16xi32>
        %or3A_1077 = arith.ori %and3A_1075, %and3A_1076 : vector<16xi32>
        %bitcast_convert_type3A_1078 = tpu.bitcast %or3A_1077 : vector<16xi32> -> vector<16xf32>
        %mul3A_1079 = arith.constant 16 : i32
        %mul3A_1080 = arith.muli %scan3A_986, %mul3A_1079 : i32
        %swap3A_1081 = arith.constant 6 : i32
        %swap3A_1082 = arith.index_cast %swap3A_1081 : i32 to index
        %swap3A_1083 = arith.index_cast %mul3A_1080 : i32 to index
        %swap3A_1084 = tpu.vector_load %arg8[%swap3A_1082, %swap3A_1083] {strides = array<i32>} : memref<8x4096xf32, #tpu.memory_space<vmem>>, vector<1x16xf32>,
        %swap3A_1085 = vector.shape_cast %swap3A_1084 : vector<1x16xf32> to vector<16xf32>
        %swap3A_1086 = vector.shape_cast %bitcast_convert_type3A_1078 : vector<16xf32> to vector<1x16xf32>
        tpu.vector_store %arg8[%swap3A_1082, %swap3A_1083], %swap3A_1086 {strides = array<i32>} : memref<8x4096xf32, #tpu.memory_space<vmem>>, vector<1x16xf32>,
        %and3A_1087 = arith.andi %bitcast_convert_type3A_994, %not3A_178 : vector<16xi32>
        %and3A_1088 = arith.andi %bitcast_convert_type3A_1002, %sub3A_176 : vector<16xi32>
        %or3A_1089 = arith.ori %and3A_1087, %and3A_1088 : vector<16xi32>
        %bitcast_convert_type3A_1090 = tpu.bitcast %or3A_1089 : vector<16xi32> -> vector<16xf32>
        %mul3A_1091 = arith.constant 16 : i32
        %mul3A_1092 = arith.muli %scan3A_986, %mul3A_1091 : i32
        %swap3A_1093 = arith.constant 7 : i32
        %swap3A_1094 = arith.index_cast %swap3A_1093 : i32 to index
        %swap3A_1095 = arith.index_cast %mul3A_1092 : i32 to index
        %swap3A_1096 = tpu.vector_load %arg8[%swap3A_1094, %swap3A_1095] {strides = array<i32>} : memref<8x4096xf32, #tpu.memory_space<vmem>>, vector<1x16xf32>,
        %swap3A_1097 = vector.shape_cast %swap3A_1096 : vector<1x16xf32> to vector<16xf32>
        %swap3A_1098 = vector.shape_cast %bitcast_convert_type3A_1090 : vector<16xf32> to vector<1x16xf32>
        tpu.vector_store %arg8[%swap3A_1094, %swap3A_1095], %swap3A_1098 {strides = array<i32>} : memref<8x4096xf32, #tpu.memory_space<vmem>>, vector<1x16xf32>,
      }
      %scan3A_184 = arith.constant 256 : i32
      %mul3A_185 = arith.constant 8 : i32
      %mul3A_186 = arith.muli %add3A_104, %mul3A_185 : i32
      %add3A_187 = arith.addi %mul3A_2, %mul3A_186 : i32
      %dma_start3A_188 = arith.constant 0 : i32
      %dma_start3A_189 = tpu.memref_slice %arg4[%add3A_187, %dma_start3A_188] : memref<32768x4096xf32, #tpu.memory_space<hbm>> -> memref<8x4096xf32, #tpu.memory_space<hbm>>
      %dma_start3A_190 = arith.constant 0 : i32
      %dma_start3A_191 = tpu.memref_slice %arg4[%add3A_187, %dma_start3A_190] : memref<32768x4096xf32, #tpu.memory_space<hbm>> -> memref<8x4096xf32, #tpu.memory_space<hbm>>
      tpu.enqueue_dma source(%arg8 : memref<8x4096xf32, #tpu.memory_space<vmem>>) target(%dma_start3A_191 : memref<8x4096xf32, #tpu.memory_space<hbm>>) target_semaphore(%arg10 : memref<!tpu.dma_semaphore, #tpu.memory_space<semaphore_mem>>)
    }
    %scan3A_7 = arith.constant 64 : i32
    %add3A_8 = arith.constant 1008 : i32
    %add3A_9 = arith.addi %mul3A_2, %add3A_8 : i32
    %dma_wait3A = arith.constant 0 : i32
    %dma_wait3A_10 = tpu.memref_slice %arg4[%add3A_9, %dma_wait3A] : memref<32768x4096xf32, #tpu.memory_space<hbm>> -> memref<8x4096xf32, #tpu.memory_space<hbm>>
    %dma_wait3A_11 = arith.constant 0 : i32
    %dma_wait3A_12 = tpu.memref_slice %arg4[%add3A_9, %dma_wait3A_11] : memref<32768x4096xf32, #tpu.memory_space<hbm>> -> memref<8x4096xf32, #tpu.memory_space<hbm>>
    tpu.wait_dma2 semaphore(%arg9 : memref<!tpu.dma_semaphore, #tpu.memory_space<semaphore_mem>>) src(%arg7 : memref<8x4096xf32, #tpu.memory_space<vmem>>) dst(%dma_wait3A_12 : memref<8x4096xf32, #tpu.memory_space<hbm>>)
    %add3A_13 = arith.constant 1016 : i32
    %add3A_14 = arith.addi %mul3A_2, %add3A_13 : i32
    %dma_wait3A_15 = arith.constant 0 : i32
    %dma_wait3A_16 = tpu.memref_slice %arg4[%add3A_14, %dma_wait3A_15] : memref<32768x4096xf32, #tpu.memory_space<hbm>> -> memref<8x4096xf32, #tpu.memory_space<hbm>>
    %dma_wait3A_17 = arith.constant 0 : i32
    %dma_wait3A_18 = tpu.memref_slice %arg4[%add3A_14, %dma_wait3A_17] : memref<32768x4096xf32, #tpu.memory_space<hbm>> -> memref<8x4096xf32, #tpu.memory_space<hbm>>
    tpu.wait_dma2 semaphore(%arg10 : memref<!tpu.dma_semaphore, #tpu.memory_space<semaphore_mem>>) src(%arg8 : memref<8x4096xf32, #tpu.memory_space<vmem>>) dst(%dma_wait3A_18 : memref<8x4096xf32, #tpu.memory_space<hbm>>)
    return
  }
}

</mosaic_0001>

<sc_bundles>
// kernel: kernel.3.cloned.1.call-start
scs
__scs_entry_jumppad:
0x0: {  	(pc) =	sbr.rel $0x88, $3  }
0x1: {  	(tag) =	ssettag $0x0;
	lr =	simm.s32 $0x1  }
0x2: {  	[smem:$0x3F9F] =	sst lr;
	_ =	strace $0xD0000000  }
0x3: {  	_ = 	snop  }
0x4: {  	_ = 	snop  }
0x5: {  	_ = 	snop  }
0x6: {  	_ = 	snop  }
0x7: {  	_ = 	snop  }
__scs_overlays_trampoline_lowered:
0x8: {  	[smem:$0x3FAE] =	sst s0  }
0x9: {  	[smem:$0x3FAF] =	sst s1  }
0xa: {  	[smem:$0x3FB0] =	sst s2  }
0xb: {  	[smem:$0x3FB1] =	sst s3  }
0xc: {  	[smem:$0x3FB2] =	sst s4  }
0xd: {  	[smem:$0x3FB3] =	sst s5  }
0xe: {  	[smem:$0x3FB4] =	sst s6  }
0xf: {  	[smem:$0x3FB5] =	sst s7  }
0x10: {  	[smem:$0x3FB6] =	sst s8  }
0x11: {  	[smem:$0x3FB7] =	sst s9;
	s0 =	simm.s32 @!p0 $0x0  }
0x12: {  	s1 =	sld [smem:$0x3F9D];
	s0 =	simm.s32 @p0 $0x1  }
0x13: {  	[smem:$0x3FB8] =	sst s0;
	s0 =	simm.s32 @!p1 $0x0  }
0x14: {  	s2 =	sld [smem:$0x3F9C];
	s0 =	simm.s32 @p1 $0x1  }
0x15: {  	[smem:$0x3FB9] =	sst s0;
	s0 =	simm.s32 @!p2 $0x0  }
0x16: {  	s3 =	sld [smem:$0x3FDB];
	s0 =	simm.s32 @p2 $0x1  }
0x17: {  	s4 =	simm.s32 $0x1BF5;
	[smem:$0x3FBB] =	sst s0  }
0x18: {  	s0 =	sld [smem:$0x3F9E];
	_ =	swait.ge [sflag:s4], $0x0  }
0x19: {  	s7 =	sld [smem:$0x3F9F]  }
0x1a: {  	s8 =	sadd.s32 $0xFFFFE003, lr  }
0x1b: {  	s9 =	sadd.s32 $0xFFFFFEF7, lr;
	s5 =	simm.s32 $0xFFFFFFFF;
	p2 =	slt.u32 s8, $0xFFFFF086  }
0x1c: {  	p1 =	slt.u32 s9, $0xF7A;
	s5 =	simm.s32 @!p2 $0x0  }
0x1d: {  	s5 =	simm.s32 @p1 $0x1;
	p0 =	seq.s32 s7, s2  }
0x1e: {  	s7 =	smul.u32 @!p0 $0xF7A, s2;
	p2 =	seq.s32 @!p0 s5, $0x0  }
0x1f: {  	s9 =	smul.u32 $0xF7A, s1;
	s8 =	simm.s32 @!p0 $0x1BF5;
	p2 =	por !p2, p0  }
0x20: {  	[sflag:s8] =	ssyncset.s32 @!p0 $0xFFFFF086;
	s6 =	sadd.s32 @!p0 s3, s7;
	s7 =	simm.s32 @!p0 $0x108  }
0x21: {  	s3 =	sadd.s32 s3, s9;
	s6 =	sadd.s32 @!p0 $0x88, s6;
	s7 =	simm.s32 @p2 $0x1082  }
0x22: {  	[simem:s7], [sflag:s8] =	dma.local @!p0 [hbm:s6], $0xF7A  }
0x23: {  	s9 =	sor.u32 $0xD0000000, s2;
	s6 =	simm.s32 $0x108;
	_ =	swait.ge @!p0 [sflag:s8], $0x0  }
0x24: {  	s3 =	sadd.s32 $0x88, s3;
	s6 =	simm.s32 @!p1 $0x1082;
	[sflag:s4] =	ssyncset.s32 $0xFFFFF086  }
0x25: {  	[simem:s6], [sflag:s4] =	dma.local [hbm:s3], $0xF7A  }
0x26: {  	[smem:$0x3F9F] =	sst s1;
	(tag) =	ssettag s2;
	_ =	strace s9  }
0x27: {  	s1 =	sld [smem:$0x3FAF]  }
0x28: {  	s2 =	sld [smem:$0x3FB0]  }
0x29: {  	s4 =	sld [smem:$0x3FB2]  }
0x2a: {  	p0 =	seq.s32 s5, $0x0;
	s5 =	sld [smem:$0x3FB3]  }
0x2b: {  	s6 =	sld [smem:$0x3FB4]  }
0x2c: {  	s7 =	sld [smem:$0x3FB5]  }
0x2d: {  	s3 =	simm.s32 $0x108;
	s8 =	sld [smem:$0x3FB6]  }
0x2e: {  	s3 =	simm.s32 @!p0 $0x1082;
	s9 =	sld [smem:$0x3FB7]  }
0x2f: {  	lr =	sadd.s32 s0, s3;
	s0 =	sld [smem:$0x3FAE]  }
0x30: {  	s3 =	sld [smem:$0x3FB1]  }
0x31: {  	[smem:$0x3FBA] =	sst s10  }
0x32: {  	s10 =	sld [smem:$0x3FB8];
	_ =	sdelay $0x3  }
0x33: {  	p0 =	seq.s32 s10, $0x1;
	s10 =	sld [smem:$0x3FBA];
	_ =	sdelay $0x3  }
0x34: {  	[smem:$0x3FBA] =	sst s10  }
0x35: {  	s10 =	sld [smem:$0x3FB9];
	_ =	sdelay $0x3  }
0x36: {  	p1 =	seq.s32 s10, $0x1;
	s10 =	sld [smem:$0x3FBA];
	_ =	sdelay $0x3  }
0x37: {  	[smem:$0x3FBA] =	sst s10  }
0x38: {  	s10 =	sld [smem:$0x3FBB]  }
0x39: {  	_ = 	snop;
	(pc) =	sbr.ind lr, $3  }
0x3a: {  	_ = 	snop  }
0x3b: {  	_ = 	snop  }
0x3c: {  	p2 =	seq.s32 s10, $0x1;
	s10 =	sld [smem:$0x3FBA]  }
0x3d: {  	_ =	shalt  }
0x3e: {  	_ =	shalt  }
0x3f: {  	_ =	shalt  }
0x40: {  	_ =	shalt  }
0x41: {  	_ =	shalt  }
0x42: {  	_ =	shalt  }
0x43: {  	_ =	shalt  }
0x44: {  	_ =	shalt  }
0x45: {  	_ =	shalt  }
0x46: {  	_ =	shalt  }
0x47: {  	_ =	shalt  }
0x48: {  	_ =	shalt  }
0x49: {  	_ =	shalt  }
0x4a: {  	_ =	shalt  }
0x4b: {  	_ =	shalt  }
0x4c: {  	_ =	shalt  }
0x4d: {  	_ =	shalt  }
0x4e: {  	_ =	shalt  }
0x4f: {  	_ =	shalt  }
0x50: {  	_ =	shalt  }
0x51: {  	_ =	shalt  }
0x52: {  	_ =	shalt  }
0x53: {  	_ =	shalt  }
0x54: {  	_ =	shalt  }
0x55: {  	_ =	shalt  }
0x56: {  	_ =	shalt  }
0x57: {  	_ =	shalt  }
0x58: {  	_ =	shalt  }
0x59: {  	_ =	shalt  }
0x5a: {  	_ =	shalt  }
0x5b: {  	_ =	shalt  }
0x5c: {  	_ =	shalt  }
0x5d: {  	_ =	shalt  }
0x5e: {  	_ =	shalt  }
0x5f: {  	_ =	shalt  }
0x60: {  	_ =	shalt  }
0x61: {  	_ =	shalt  }
0x62: {  	_ =	shalt  }
0x63: {  	_ =	shalt  }
0x64: {  	_ =	shalt  }
0x65: {  	_ =	shalt  }
0x66: {  	_ =	shalt  }
0x67: {  	_ =	shalt  }
0x68: {  	_ =	shalt  }
0x69: {  	_ =	shalt  }
0x6a: {  	_ =	shalt  }
0x6b: {  	_ =	shalt  }
0x6c: {  	_ =	shalt  }
0x6d: {  	_ =	shalt  }
0x6e: {  	_ =	shalt  }
0x6f: {  	_ =	shalt  }
0x70: {  	_ =	shalt  }
0x71: {  	_ =	shalt  }
0x72: {  	_ =	shalt  }
0x73: {  	_ =	shalt  }
0x74: {  	_ =	shalt  }
0x75: {  	_ =	shalt  }
0x76: {  	_ =	shalt  }
0x77: {  	_ =	shalt  }
0x78: {  	_ =	shalt  }
0x79: {  	_ =	shalt  }
0x7a: {  	_ =	shalt  }
0x7b: {  	_ =	shalt  }
0x7c: {  	_ =	shalt  }
0x7d: {  	_ =	shalt  }
0x7e: {  	_ =	shalt  }
0x7f: {  	_ =	shalt  }
0x80: {  	_ =	shalt  }
0x81: {  	_ =	shalt  }
0x82: {  	_ =	shalt  }
0x83: {  	_ =	shalt  }
0x84: {  	_ =	shalt  }
0x85: {  	_ =	shalt  }
0x86: {  	_ =	shalt  }
0x87: {  	_ =	shalt  }
.Lfunc_end0:
.L_simem_size_0:
called_computation_lowered:
.L_overlay_start_0:
0x88: {  	s2 =	sld [smem:$0x3FD9]  }
0x89: {  	s3 =	sld [smem:$0x3FFE];
	_ =	sdelay $0x1  }
0x8a: {  	s1 =	srdreg.scid  }
0x8b: {  	s0 =	sand.u32 $0x1, s1  }
0x8c: {  	s17 =	sshll.u32 s0, $0xA;
	s2 =	sadd.s32 s3, s2  }
0x8d: {  	s2 =	sadd.s32 s2, s17  }
0x8e: {  	[smem:$0x3FC6] =	sst s2  }
0x8f: {  	_ = 	snop  }
0x90: {  	s2 =	sld [smem:$0x3FC8]  }
0x91: {  	s18 =	sld [smem:$0x3FD0];
	(tm) =	ssettm $0x1  }
0x92: {  	s4 =	sld [smem:$0x3FFB];
	_ =	sdelay $0x3  }
0x93: {  	_ =	strace s4  }
0x94: {  	s4 =	sld [smem:$0x3FFC];
	_ =	sdelay $0x3  }
0x95: {  	_ =	strace s4  }
0x96: {  	s4 =	sld [smem:$0x3FFD];
	_ =	sdelay $0x3  }
0x97: {  	_ =	strace s4  }
0x98: {  	_ =	strace $0x8FFFFFFF  }
0x99: {  	s19 =	sld [smem:$0x3FDB];
	_ =	sdelay $0x1  }
0x9a: {  	s5 =	simm.s32 $_scs_section_size  }
0x9b: {  	s6 =	simm.s32 $_size__tile_overlayer_lowered;
	s7 =	simm.s32 $_tile_overlayer_lowered  }
0x9c: {  	s22 =	simm.s32 $0x1BFF;
	s21 =	sshll.u32 s7, $0x1;
	s4 =	sadd.s32 s5, s19  }
0x9d: {  	s8 =	simm.s32 $0x0;
	s20 =	sshll.u32 s6, $0x1;
	s6 =	sadd.s32 s21, s4  }
0x9e: {  	[timem:s8], [sflag:s22] =	dma.local [hbm:s6], s20  }
0x9f: {  	_ =	swait.ge [sflag:s22], s20  }
0xa0: {  	s5 =	ssub.s32 $0x0, s20;
	[sflag:s22] =	ssyncset.done $0x0  }
0xa1: {  	[sflag:s22] =	ssyncadd.s32 s5;
	_ =	sdelay $0x1  }
0xa2: {  	s23 =	simm.s32 $0x1B8B  }
0xa3: {  	_ =	swait.ge [sflag:s23], $0x1  }
0xa4: {  	[sflag:s23] =	ssyncset.done $0x0  }
0xa5: {  	s25 =	simm.s32 $0x1B8E;
	s24 =	sld [smem:$0x3FFE];
	[sflag:s23] =	ssyncadd.s32 $0xFFFFFFFF  }
0xa6: {  	s26 =	simm.s32 $execute0_lowered;
	[smem:$0x3FD2] =	sst s25  }
0xa7: {  	s6 =	sshll.u32 s26, $0x1;
	_ =	strace $0x80000046;
	[dreg:$0x1] =	wrdreg $0xFFFFFFFF  }
0xa8: {  	s28 =	simm.s32 $_size_execute0_lowered;
	s4 =	sadd.s32 s4, s6;
	[dreg:$0x0] =	wrdreg $0x0  }
0xa9: {  	s6 =	sshll.u32 s28, $0x1;
	[dreg:$0x2] =	wrdreg s4  }
0xaa: {  	[dreg:$0x3] =	wrdreg s6  }
0xab: {  	[dreg:$0x4] =	wrdreg $0xC0  }
0xac: {  	_ =	task [dreg:s8], $0x5FFFF  }
0xad: {  	[dreg:$0x1] =	wrdreg $0xFFFFFFFF  }
0xae: {  	[dreg:$0x0] =	wrdreg $0x60  }
0xaf: {  	[dreg:$0x2] =	wrdreg s2  }
0xb0: {  	[dreg:$0x3] =	wrdreg s24  }
0xb1: {  	[dreg:$0x4] =	wrdreg s18  }
0xb2: {  	[dreg:$0x5] =	wrdreg $0x9  }
0xb3: {  	_ =	task.clear_ibuf [dreg:s8], $0x6FFFF;
	_ =	strace $0x90000046  }
0xb4: {  	s29 =	simm.s32 $0x9;
	_ =	strace $0x80000048  }
0xb5: {  	_ =	swait.ge [sflag:s29], $0x1  }
0xb6: {  	[sflag:s29] =	ssyncadd.s32 $0xFFFFFFFF  }
0xb7: {  	_ =	strace $0x90000048  }
0xb8: {  	_ =	sfence  }
0xb9: {  	s30 =	sld [smem:$0x0];
	_ =	sdelay $0x2  }
0xba: {  	s31 =	sshll.u32 s1, $0xD;
	s1 =	sshrl.u32 s1, $0x2  }
0xbb: {  	s3 =	sand.u32 $0x4000, s31;
	s1 =	sadd.s32 s1, s30  }
0xbc: {  	s0 =	sor.u32 s3, s0;
	s1 =	sshll.u32 s1, $0x11  }
0xbd: {  	s0 =	sor.u32 s1, s0  }
0xbe: {  	s0 =	sadd.s32 $0x8F2B, s0  }
0xbf: {  	[sflag:s0] =	ssyncadd.remote.s32 $0x1  }
0xc0: {  	_ =	sfence.sel $0xFFFF  }
0xc1: {  	[dreg:$0x0] =	wrdreg $0xFFFFFFFF;
	(pc) =	sbr.abs _section_cstart, $3  }
0xc2: {  	[dreg:$0x1] =	wrdreg $0xFFFFFFFF  }
0xc3: {  	_ =	task.clear_ibuf [dreg:s8], $0x2FFFF;
	_ =	strace $0x9FFFFFFF  }
0xc4: {  	(tm) =	ssettm $0x7FFFFFFF  }
0xc5: {  	_ =	shalt  }
tec
execute0_lowered:
.L_overlay_start_1:
0x0: {  	(tag) =	ssettag $0x1  }
0x1: {  	s2 =	rddreg [dreg:$0x0]  }
0x2: {  	s6 =	rddreg [dreg:$0x1];
	s0 =	srdreg.scid  }
0x3: {  	s3 =	rddreg [dreg:$0x2];
	s1 =	stileid.u32;
	s4 =	simm.s32 $0x0  }
0x4: {  	s10 =	simm.s32 $0x2480;
	s11 =	simm.s32 $0xA480;
	s12 =	simm.s32 $0x1  }
0x5: {  	s13 =	simm.s32 $0x2;
	s14 =	simm.s32 $0x0;
	s7 =	sand.u32 $0x1, s0  }
0x6: {  	s0 =	rddreg [dreg:$0x3];
	s5 =	sshll.u32 s1, $0xB;
	s8 =	sshll.u32 s7, $0xA  }
0x7: {  	[smem:$0x7FF] =	sst s4;
	s7 =	ssub.s32 $0x2, s7;
	s5 =	sor.u32 s8, s5  }
0x8: {  	_ =	strace $0x80000047;
	s9 =	sshrl.u32 s7, $0x1;
	s8 =	sshrl.u32 s5, $0x3  }
0x9: {  	s7 =	ssub.s32 s7, s9;
	s9 =	simm.s32 $0x480;
	s6 =	sadd.s32 s8, s6  }
0xa: {  	s7 =	smax.u32 s7, $0x1;
	s8 =	simm.s32 $0x3;
	s6 =	sadd.s32 $0x400, s6  }
.LBB2_1:
0xb: {  	[tilespmem:s4], [sflag:$0x3] =	stream.linear.gather [hbm4b:s6+s4], $0x400, $0x38;
	[tilespmem:$0x12480] =	vst v63  }
0xc: {  	_ =	swait.ge [sflag:s8], $0x400  }
0xd: {  	[sflag:s8] =	ssyncset.done $0x0  }
0xe: {  	[sflag:s8] =	ssyncadd.s32 $0xFFFFFC00  }
0xf: {  	[tilespmem:s9], [sflag:$0x3] =	stream.linear.gather [hbm4b:s2+s4], $0x2000, $0x38;
	[tilespmem:$0x12480] =	vst v63  }
0x10: {  	_ =	swait.ge [sflag:s8], $0x2000  }
0x11: {  	[sflag:s8] =	ssyncset.done $0x0  }
0x12: {  	s15 =	simm.s32 $0x0;
	[sflag:s8] =	ssyncadd.s32 $0xFFFFE000  }
.LBB2_2:
0x13: {  	p0 =	seq.s32 s15, $0x0  }
0x14: {  	s16 =	simm.s32 @!p0 $0x1  }
0x15: {  	_ =	swait.ge @!p0 [sflag:s16], $0x8000  }
0x16: {  	[sflag:s16] =	ssyncset.done @!p0 $0x0  }
0x17: {  	[sflag:s16] =	ssyncadd.s32 @!p0 $0xFFFF8000;
	s16 =	sshll.u32 s15, $0x4  }
0x18: {  	v0 =	vld [tilespmem:s16+$0x0];
	_ =	sdelay $0x4  }
0x19: {  	v9 =	vsub.s32 $0x0, v0  }
0x1a: {  	v0 =	vbroadcast v9, $0x0  }
0x1b: {  	v1 =	vbroadcast v9, $0x1;
	v2 =	vbroadcast v9, $0x2  }
0x1c: {  	v3 =	vbroadcast v9, $0x3;
	v5 =	vbroadcast v9, $0x4  }
0x1d: {  	v6 =	vbroadcast v9, $0x5;
	v8 =	vbroadcast v9, $0x6  }
0x1e: {  	v9 =	vbroadcast v9, $0x7;
	v4 =	vxor.u32 $0xFFFFFFFF, v0;
	v7 =	vxor.u32 $0xFFFFFFFF, v1  }
0x1f: {  	v10 =	vxor.u32 $0xFFFFFFFF, v2;
	v11 =	vxor.u32 $0xFFFFFFFF, v3;
	v12 =	vxor.u32 $0xFFFFFFFF, v5  }
0x20: {  	s17 =	simm.s32 $0xFFFFFFF8;
	s18 =	simm.s32 $0x2680;
	s19 =	simm.s32 $0x500;
	v13 =	vxor.u32 $0xFFFFFFFF, v6;
	v14 =	vxor.u32 $0xFFFFFFFF, v8;
	v15 =	vxor.u32 $0xFFFFFFFF, v9  }
.LBB2_3:
0x21: {  	v16 =	vld [tilespmem:s19+$0xFFFFFF80]  }
0x22: {  	v17 =	vld [tilespmem:s19+$0x0];
	_ =	sdelay $0x4  }
0x23: {  	v18 =	vand.u32 v4, v16;
	v19 =	vand.u32 v0, v17  }
0x24: {  	v28 =	vand.u32 v7, v16;
	v20 =	vand.u32 v1, v17;
	v18 =	vor.u32 v18, v19  }
0x25: {  	v30 =	vand.u32 v10, v16;
	v31 =	vand.u32 v2, v17;
	v29 =	vor.u32 v28, v20;
	[tilespmem:s18+$0xFFFFFE00] =	vst v18  }
0x26: {  	v33 =	vand.u32 v11, v16;
	v34 =	vand.u32 v3, v17;
	v32 =	vor.u32 v30, v31;
	[tilespmem:s18+$0xFFFFFE80] =	vst v29  }
0x27: {  	v36 =	vand.u32 v12, v16;
	v37 =	vand.u32 v5, v17;
	v35 =	vor.u32 v33, v34;
	[tilespmem:s18+$0xFFFFFF00] =	vst v32  }
0x28: {  	v39 =	vand.u32 v13, v16;
	v40 =	vand.u32 v6, v17;
	v38 =	vor.u32 v36, v37;
	[tilespmem:s18+$0xFFFFFF80] =	vst v35  }
0x29: {  	v42 =	vand.u32 v14, v16;
	v43 =	vand.u32 v8, v17;
	v41 =	vor.u32 v39, v40;
	[tilespmem:s18+$0x0] =	vst v38  }
0x2a: {  	v16 =	vand.u32 v15, v16;
	v17 =	vand.u32 v9, v17;
	v44 =	vor.u32 v42, v43;
	[tilespmem:s18+$0x80] =	vst v41  }
0x2b: {  	v16 =	vor.u32 v16, v17;
	[tilespmem:s18+$0x100] =	vst v44  }
0x2c: {  	[tilespmem:s18+$0x180] =	vst v16  }
0x2d: {  	v16 =	vld [tilespmem:s19+$0xFFFFFF90]  }
0x2e: {  	v17 =	vld [tilespmem:s19+$0x10];
	_ =	sdelay $0x4  }
0x2f: {  	v45 =	vand.u32 v4, v16;
	v46 =	vand.u32 v0, v17  }
0x30: {  	v47 =	vand.u32 v7, v16;
	v48 =	vand.u32 v1, v17;
	v18 =	vor.u32 v45, v46  }
0x31: {  	v50 =	vand.u32 v10, v16;
	v51 =	vand.u32 v2, v17;
	v49 =	vor.u32 v47, v48;
	[tilespmem:s18+$0xFFFFFE10] =	vst v18  }
0x32: {  	v53 =	vand.u32 v11, v16;
	v54 =	vand.u32 v3, v17;
	v52 =	vor.u32 v50, v51;
	[tilespmem:s18+$0xFFFFFE90] =	vst v49  }
0x33: {  	v56 =	vand.u32 v12, v16;
	v57 =	vand.u32 v5, v17;
	v55 =	vor.u32 v53, v54;
	[tilespmem:s18+$0xFFFFFF10] =	vst v52  }
0x34: {  	v59 =	vand.u32 v13, v16;
	v60 =	vand.u32 v6, v17;
	v58 =	vor.u32 v56, v57;
	[tilespmem:s18+$0xFFFFFF90] =	vst v55  }
0x35: {  	v62 =	vand.u32 v14, v16;
	v63 =	vand.u32 v8, v17;
	v61 =	vor.u32 v59, v60;
	[tilespmem:s18+$0x10] =	vst v58  }
0x36: {  	v16 =	vand.u32 v15, v16;
	v17 =	vand.u32 v9, v17;
	v24 =	vor.u32 v62, v63;
	[tilespmem:s18+$0x90] =	vst v61  }
0x37: {  	v16 =	vor.u32 v16, v17;
	[tilespmem:s18+$0x110] =	vst v24  }
0x38: {  	[tilespmem:s18+$0x190] =	vst v16  }
0x39: {  	v16 =	vld [tilespmem:s19+$0xFFFFFFA0]  }
0x3a: {  	v17 =	vld [tilespmem:s19+$0x20];
	_ =	sdelay $0x4  }
0x3b: {  	v25 =	vand.u32 v4, v16;
	v26 =	vand.u32 v0, v17  }
0x3c: {  	v27 =	vand.u32 v7, v16;
	v28 =	vand.u32 v1, v17;
	v18 =	vor.u32 v25, v26  }
0x3d: {  	v30 =	vand.u32 v10, v16;
	v31 =	vand.u32 v2, v17;
	v29 =	vor.u32 v27, v28;
	[tilespmem:s18+$0xFFFFFE20] =	vst v18  }
0x3e: {  	v33 =	vand.u32 v11, v16;
	v34 =	vand.u32 v3, v17;
	v32 =	vor.u32 v30, v31;
	[tilespmem:s18+$0xFFFFFEA0] =	vst v29  }
0x3f: {  	v36 =	vand.u32 v12, v16;
	v37 =	vand.u32 v5, v17;
	v35 =	vor.u32 v33, v34;
	[tilespmem:s18+$0xFFFFFF20] =	vst v32  }
0x40: {  	v39 =	vand.u32 v13, v16;
	v40 =	vand.u32 v6, v17;
	v38 =	vor.u32 v36, v37;
	[tilespmem:s18+$0xFFFFFFA0] =	vst v35  }
0x41: {  	v42 =	vand.u32 v14, v16;
	v43 =	vand.u32 v8, v17;
	v41 =	vor.u32 v39, v40;
	[tilespmem:s18+$0x20] =	vst v38  }
0x42: {  	v16 =	vand.u32 v15, v16;
	v17 =	vand.u32 v9, v17;
	v44 =	vor.u32 v42, v43;
	[tilespmem:s18+$0xA0] =	vst v41  }
0x43: {  	v16 =	vor.u32 v16, v17;
	[tilespmem:s18+$0x120] =	vst v44  }
0x44: {  	[tilespmem:s18+$0x1A0] =	vst v16  }
0x45: {  	v16 =	vld [tilespmem:s19+$0xFFFFFFB0]  }
0x46: {  	v17 =	vld [tilespmem:s19+$0x30];
	_ =	sdelay $0x4  }
0x47: {  	v45 =	vand.u32 v4, v16;
	v46 =	vand.u32 v0, v17  }
0x48: {  	v47 =	vand.u32 v7, v16;
	v48 =	vand.u32 v1, v17;
	v18 =	vor.u32 v45, v46  }
0x49: {  	v50 =	vand.u32 v10, v16;
	v51 =	vand.u32 v2, v17;
	v49 =	vor.u32 v47, v48;
	[tilespmem:s18+$0xFFFFFE30] =	vst v18  }
0x4a: {  	v53 =	vand.u32 v11, v16;
	v54 =	vand.u32 v3, v17;
	v52 =	vor.u32 v50, v51;
	[tilespmem:s18+$0xFFFFFEB0] =	vst v49  }
0x4b: {  	v56 =	vand.u32 v12, v16;
	v57 =	vand.u32 v5, v17;
	v55 =	vor.u32 v53, v54;
	[tilespmem:s18+$0xFFFFFF30] =	vst v52  }
0x4c: {  	v59 =	vand.u32 v13, v16;
	v60 =	vand.u32 v6, v17;
	v58 =	vor.u32 v56, v57;
	[tilespmem:s18+$0xFFFFFFB0] =	vst v55  }
0x4d: {  	v62 =	vand.u32 v14, v16;
	v63 =	vand.u32 v8, v17;
	v61 =	vor.u32 v59, v60;
	[tilespmem:s18+$0x30] =	vst v58  }
0x4e: {  	v16 =	vand.u32 v15, v16;
	v17 =	vand.u32 v9, v17;
	v24 =	vor.u32 v62, v63;
	[tilespmem:s18+$0xB0] =	vst v61  }
0x4f: {  	v16 =	vor.u32 v16, v17;
	[tilespmem:s18+$0x130] =	vst v24  }
0x50: {  	[tilespmem:s18+$0x1B0] =	vst v16  }
0x51: {  	v16 =	vld [tilespmem:s19+$0xFFFFFFC0]  }
0x52: {  	v17 =	vld [tilespmem:s19+$0x40];
	_ =	sdelay $0x4  }
0x53: {  	v25 =	vand.u32 v4, v16;
	v26 =	vand.u32 v0, v17  }
0x54: {  	v27 =	vand.u32 v7, v16;
	v28 =	vand.u32 v1, v17;
	v18 =	vor.u32 v25, v26  }
0x55: {  	v30 =	vand.u32 v10, v16;
	v31 =	vand.u32 v2, v17;
	v29 =	vor.u32 v27, v28;
	[tilespmem:s18+$0xFFFFFE40] =	vst v18  }
0x56: {  	v33 =	vand.u32 v11, v16;
	v34 =	vand.u32 v3, v17;
	v32 =	vor.u32 v30, v31;
	[tilespmem:s18+$0xFFFFFEC0] =	vst v29  }
0x57: {  	v36 =	vand.u32 v12, v16;
	v37 =	vand.u32 v5, v17;
	v35 =	vor.u32 v33, v34;
	[tilespmem:s18+$0xFFFFFF40] =	vst v32  }
0x58: {  	v39 =	vand.u32 v13, v16;
	v40 =	vand.u32 v6, v17;
	v38 =	vor.u32 v36, v37;
	[tilespmem:s18+$0xFFFFFFC0] =	vst v35  }
0x59: {  	v42 =	vand.u32 v14, v16;
	v43 =	vand.u32 v8, v17;
	v41 =	vor.u32 v39, v40;
	[tilespmem:s18+$0x40] =	vst v38  }
0x5a: {  	v16 =	vand.u32 v15, v16;
	v17 =	vand.u32 v9, v17;
	v44 =	vor.u32 v42, v43;
	[tilespmem:s18+$0xC0] =	vst v41  }
0x5b: {  	v16 =	vor.u32 v16, v17;
	[tilespmem:s18+$0x140] =	vst v44  }
0x5c: {  	[tilespmem:s18+$0x1C0] =	vst v16  }
0x5d: {  	v16 =	vld [tilespmem:s19+$0xFFFFFFD0]  }
0x5e: {  	v17 =	vld [tilespmem:s19+$0x50];
	_ =	sdelay $0x4  }
0x5f: {  	v45 =	vand.u32 v4, v16;
	v46 =	vand.u32 v0, v17  }
0x60: {  	v47 =	vand.u32 v7, v16;
	v48 =	vand.u32 v1, v17;
	v18 =	vor.u32 v45, v46  }
0x61: {  	v50 =	vand.u32 v10, v16;
	v51 =	vand.u32 v2, v17;
	v49 =	vor.u32 v47, v48;
	[tilespmem:s18+$0xFFFFFE50] =	vst v18  }
0x62: {  	v53 =	vand.u32 v11, v16;
	v54 =	vand.u32 v3, v17;
	v52 =	vor.u32 v50, v51;
	[tilespmem:s18+$0xFFFFFED0] =	vst v49  }
0x63: {  	v56 =	vand.u32 v12, v16;
	v57 =	vand.u32 v5, v17;
	v55 =	vor.u32 v53, v54;
	[tilespmem:s18+$0xFFFFFF50] =	vst v52  }
0x64: {  	v59 =	vand.u32 v13, v16;
	v60 =	vand.u32 v6, v17;
	v58 =	vor.u32 v56, v57;
	[tilespmem:s18+$0xFFFFFFD0] =	vst v55  }
0x65: {  	v62 =	vand.u32 v14, v16;
	v63 =	vand.u32 v8, v17;
	v61 =	vor.u32 v59, v60;
	[tilespmem:s18+$0x50] =	vst v58  }
0x66: {  	v16 =	vand.u32 v15, v16;
	v17 =	vand.u32 v9, v17;
	v23 =	vor.u32 v62, v63;
	[tilespmem:s18+$0xD0] =	vst v61  }
0x67: {  	v16 =	vor.u32 v16, v17;
	[tilespmem:s18+$0x150] =	vst v23  }
0x68: {  	[tilespmem:s18+$0x1D0] =	vst v16  }
0x69: {  	v16 =	vld [tilespmem:s19+$0xFFFFFFE0]  }
0x6a: {  	v17 =	vld [tilespmem:s19+$0x60];
	_ =	sdelay $0x4  }
0x6b: {  	v24 =	vand.u32 v4, v16;
	v25 =	vand.u32 v0, v17  }
0x6c: {  	v26 =	vand.u32 v7, v16;
	v27 =	vand.u32 v1, v17;
	v18 =	vor.u32 v24, v25  }
0x6d: {  	v29 =	vand.u32 v10, v16;
	v30 =	vand.u32 v2, v17;
	v28 =	vor.u32 v26, v27;
	[tilespmem:s18+$0xFFFFFE60] =	vst v18  }
0x6e: {  	v32 =	vand.u32 v11, v16;
	v33 =	vand.u32 v3, v17;
	v31 =	vor.u32 v29, v30;
	[tilespmem:s18+$0xFFFFFEE0] =	vst v28  }
0x6f: {  	v35 =	vand.u32 v12, v16;
	v36 =	vand.u32 v5, v17;
	v34 =	vor.u32 v32, v33;
	[tilespmem:s18+$0xFFFFFF60] =	vst v31  }
0x70: {  	v38 =	vand.u32 v13, v16;
	v39 =	vand.u32 v6, v17;
	v37 =	vor.u32 v35, v36;
	[tilespmem:s18+$0xFFFFFFE0] =	vst v34  }
0x71: {  	v41 =	vand.u32 v14, v16;
	v42 =	vand.u32 v8, v17;
	v40 =	vor.u32 v38, v39;
	[tilespmem:s18+$0x60] =	vst v37  }
0x72: {  	v16 =	vand.u32 v15, v16;
	v17 =	vand.u32 v9, v17;
	v43 =	vor.u32 v41, v42;
	[tilespmem:s18+$0xE0] =	vst v40  }
0x73: {  	v16 =	vor.u32 v16, v17;
	[tilespmem:s18+$0x160] =	vst v43  }
0x74: {  	[tilespmem:s18+$0x1E0] =	vst v16  }
0x75: {  	v16 =	vld [tilespmem:s19+$0xFFFFFFF0]  }
0x76: {  	v17 =	vld [tilespmem:s19+$0x70];
	_ =	sdelay $0x4  }
0x77: {  	v44 =	vand.u32 v4, v16;
	v45 =	vand.u32 v0, v17  }
0x78: {  	v46 =	vand.u32 v7, v16;
	v47 =	vand.u32 v1, v17;
	v18 =	vor.u32 v44, v45  }
0x79: {  	v49 =	vand.u32 v10, v16;
	v50 =	vand.u32 v2, v17;
	v48 =	vor.u32 v46, v47;
	[tilespmem:s18+$0xFFFFFE70] =	vst v18  }
0x7a: {  	s17 =	sadd.s32 $0x8, s17;
	v52 =	vand.u32 v11, v16;
	v53 =	vand.u32 v3, v17;
	v51 =	vor.u32 v49, v50;
	[tilespmem:s18+$0xFFFFFEF0] =	vst v48  }
0x7b: {  	p1 =	slt.u32 s17, $0xF8;
	v55 =	vand.u32 v12, v16;
	v56 =	vand.u32 v5, v17;
	v54 =	vor.u32 v52, v53;
	[tilespmem:s18+$0xFFFFFF70] =	vst v51  }
.Ltmp0:
0x7c: {  	v58 =	vand.u32 v13, v16;
	v59 =	vand.u32 v6, v17;
	v57 =	vor.u32 v55, v56;
	[tilespmem:s18+$0xFFFFFFF0] =	vst v54;
	(pc) =	sbr.rel @p1 .LBB2_3-.Ltmp0, $4  }
0x7d: {  	v61 =	vand.u32 v14, v16;
	v62 =	vand.u32 v8, v17;
	v60 =	vor.u32 v58, v59;
	[tilespmem:s18+$0x70] =	vst v57  }
0x7e: {  	v16 =	vand.u32 v15, v16;
	v17 =	vand.u32 v9, v17;
	v63 =	vor.u32 v61, v62;
	[tilespmem:s18+$0xF0] =	vst v60  }
0x7f: {  	v16 =	vor.u32 v16, v17;
	[tilespmem:s18+$0x170] =	vst v63  }
0x80: {  	s19 =	sadd.s32 $0x100, s19;
	[tilespmem:s18+$0x1F0] =	vst v16;
	s18 =	sadd.s32 $0x400, s18  }
0x81: {  	s17 =	sadd.s32 s5, s16  }
0x82: {  	s17 =	sshll.u32 s17, $0x9  }
0x83: {  	s17 =	sadd.s32 s3, s17  }
0x84: {  	[hbm4b:s17+s4] =	stream.linear.scatter [tilespmem:s10], [sflag:$0x1], $0x8000, $0x38;
	[tilespmem:$0x12480] =	vst v63  }
0x85: {  	s17 =	simm.s32 @!p0 $0x2  }
0x86: {  	_ =	swait.ge @!p0 [sflag:s17], $0x8000  }
0x87: {  	[sflag:s17] =	ssyncset.done @!p0 $0x0  }
0x88: {  	s16 =	sor.u32 $0x8, s16;
	[sflag:s17] =	ssyncadd.s32 @!p0 $0xFFFF8000  }
0x89: {  	v0 =	vld [tilespmem:s16+$0x0];
	_ =	sdelay $0x4  }
0x8a: {  	v9 =	vsub.s32 $0x0, v0  }
0x8b: {  	v0 =	vbroadcast v9, $0x0  }
0x8c: {  	v1 =	vbroadcast v9, $0x1;
	v2 =	vbroadcast v9, $0x2  }
0x8d: {  	v3 =	vbroadcast v9, $0x3;
	v5 =	vbroadcast v9, $0x4  }
0x8e: {  	v6 =	vbroadcast v9, $0x5;
	v8 =	vbroadcast v9, $0x6  }
0x8f: {  	v9 =	vbroadcast v9, $0x7;
	v4 =	vxor.u32 $0xFFFFFFFF, v0;
	v7 =	vxor.u32 $0xFFFFFFFF, v1  }
0x90: {  	v10 =	vxor.u32 $0xFFFFFFFF, v2;
	v11 =	vxor.u32 $0xFFFFFFFF, v3;
	v12 =	vxor.u32 $0xFFFFFFFF, v5  }
0x91: {  	s18 =	simm.s32 $0xA680;
	s19 =	simm.s32 $0x500;
	s17 =	simm.s32 $0xFFFFFFF8;
	v13 =	vxor.u32 $0xFFFFFFFF, v6;
	v14 =	vxor.u32 $0xFFFFFFFF, v8;
	v15 =	vxor.u32 $0xFFFFFFFF, v9  }
.LBB2_5:
0x92: {  	v16 =	vld [tilespmem:s19+$0xFFFFFF80]  }
0x93: {  	v17 =	vld [tilespmem:s19+$0x0];
	_ =	sdelay $0x4  }
0x94: {  	v18 =	vand.u32 v4, v16;
	v19 =	vand.u32 v0, v17  }
0x95: {  	v28 =	vand.u32 v7, v16;
	v20 =	vand.u32 v1, v17;
	v18 =	vor.u32 v18, v19  }
0x96: {  	v30 =	vand.u32 v10, v16;
	v31 =	vand.u32 v2, v17;
	v29 =	vor.u32 v28, v20;
	[tilespmem:s18+$0xFFFFFE00] =	vst v18  }
0x97: {  	v33 =	vand.u32 v11, v16;
	v34 =	vand.u32 v3, v17;
	v32 =	vor.u32 v30, v31;
	[tilespmem:s18+$0xFFFFFE80] =	vst v29  }
0x98: {  	v36 =	vand.u32 v12, v16;
	v37 =	vand.u32 v5, v17;
	v35 =	vor.u32 v33, v34;
	[tilespmem:s18+$0xFFFFFF00] =	vst v32  }
0x99: {  	v39 =	vand.u32 v13, v16;
	v40 =	vand.u32 v6, v17;
	v38 =	vor.u32 v36, v37;
	[tilespmem:s18+$0xFFFFFF80] =	vst v35  }
0x9a: {  	v42 =	vand.u32 v14, v16;
	v43 =	vand.u32 v8, v17;
	v41 =	vor.u32 v39, v40;
	[tilespmem:s18+$0x0] =	vst v38  }
0x9b: {  	v16 =	vand.u32 v15, v16;
	v17 =	vand.u32 v9, v17;
	v44 =	vor.u32 v42, v43;
	[tilespmem:s18+$0x80] =	vst v41  }
0x9c: {  	v16 =	vor.u32 v16, v17;
	[tilespmem:s18+$0x100] =	vst v44  }
0x9d: {  	[tilespmem:s18+$0x180] =	vst v16  }
0x9e: {  	v16 =	vld [tilespmem:s19+$0xFFFFFF90]  }
0x9f: {  	v17 =	vld [tilespmem:s19+$0x10];
	_ =	sdelay $0x4  }
0xa0: {  	v45 =	vand.u32 v4, v16;
	v46 =	vand.u32 v0, v17  }
0xa1: {  	v47 =	vand.u32 v7, v16;
	v48 =	vand.u32 v1, v17;
	v18 =	vor.u32 v45, v46  }
0xa2: {  	v50 =	vand.u32 v10, v16;
	v51 =	vand.u32 v2, v17;
	v49 =	vor.u32 v47, v48;
	[tilespmem:s18+$0xFFFFFE10] =	vst v18  }
0xa3: {  	v53 =	vand.u32 v11, v16;
	v54 =	vand.u32 v3, v17;
	v52 =	vor.u32 v50, v51;
	[tilespmem:s18+$0xFFFFFE90] =	vst v49  }
0xa4: {  	v56 =	vand.u32 v12, v16;
	v57 =	vand.u32 v5, v17;
	v55 =	vor.u32 v53, v54;
	[tilespmem:s18+$0xFFFFFF10] =	vst v52  }
0xa5: {  	v59 =	vand.u32 v13, v16;
	v60 =	vand.u32 v6, v17;
	v58 =	vor.u32 v56, v57;
	[tilespmem:s18+$0xFFFFFF90] =	vst v55  }
0xa6: {  	v62 =	vand.u32 v14, v16;
	v63 =	vand.u32 v8, v17;
	v61 =	vor.u32 v59, v60;
	[tilespmem:s18+$0x10] =	vst v58  }
0xa7: {  	v16 =	vand.u32 v15, v16;
	v17 =	vand.u32 v9, v17;
	v24 =	vor.u32 v62, v63;
	[tilespmem:s18+$0x90] =	vst v61  }
0xa8: {  	v16 =	vor.u32 v16, v17;
	[tilespmem:s18+$0x110] =	vst v24  }
0xa9: {  	[tilespmem:s18+$0x190] =	vst v16  }
0xaa: {  	v16 =	vld [tilespmem:s19+$0xFFFFFFA0]  }
0xab: {  	v17 =	vld [tilespmem:s19+$0x20];
	_ =	sdelay $0x4  }
0xac: {  	v25 =	vand.u32 v4, v16;
	v26 =	vand.u32 v0, v17  }
0xad: {  	v27 =	vand.u32 v7, v16;
	v28 =	vand.u32 v1, v17;
	v18 =	vor.u32 v25, v26  }
0xae: {  	v30 =	vand.u32 v10, v16;
	v31 =	vand.u32 v2, v17;
	v29 =	vor.u32 v27, v28;
	[tilespmem:s18+$0xFFFFFE20] =	vst v18  }
0xaf: {  	v33 =	vand.u32 v11, v16;
	v34 =	vand.u32 v3, v17;
	v32 =	vor.u32 v30, v31;
	[tilespmem:s18+$0xFFFFFEA0] =	vst v29  }
0xb0: {  	v36 =	vand.u32 v12, v16;
	v37 =	vand.u32 v5, v17;
	v35 =	vor.u32 v33, v34;
	[tilespmem:s18+$0xFFFFFF20] =	vst v32  }
0xb1: {  	v39 =	vand.u32 v13, v16;
	v40 =	vand.u32 v6, v17;
	v38 =	vor.u32 v36, v37;
	[tilespmem:s18+$0xFFFFFFA0] =	vst v35  }
0xb2: {  	v42 =	vand.u32 v14, v16;
	v43 =	vand.u32 v8, v17;
	v41 =	vor.u32 v39, v40;
	[tilespmem:s18+$0x20] =	vst v38  }
0xb3: {  	v16 =	vand.u32 v15, v16;
	v17 =	vand.u32 v9, v17;
	v44 =	vor.u32 v42, v43;
	[tilespmem:s18+$0xA0] =	vst v41  }
0xb4: {  	v16 =	vor.u32 v16, v17;
	[tilespmem:s18+$0x120] =	vst v44  }
0xb5: {  	[tilespmem:s18+$0x1A0] =	vst v16  }
0xb6: {  	v16 =	vld [tilespmem:s19+$0xFFFFFFB0]  }
0xb7: {  	v17 =	vld [tilespmem:s19+$0x30];
	_ =	sdelay $0x4  }
0xb8: {  	v45 =	vand.u32 v4, v16;
	v46 =	vand.u32 v0, v17  }
0xb9: {  	v47 =	vand.u32 v7, v16;
	v48 =	vand.u32 v1, v17;
	v18 =	vor.u32 v45, v46  }
0xba: {  	v50 =	vand.u32 v10, v16;
	v51 =	vand.u32 v2, v17;
	v49 =	vor.u32 v47, v48;
	[tilespmem:s18+$0xFFFFFE30] =	vst v18  }
0xbb: {  	v53 =	vand.u32 v11, v16;
	v54 =	vand.u32 v3, v17;
	v52 =	vor.u32 v50, v51;
	[tilespmem:s18+$0xFFFFFEB0] =	vst v49  }
0xbc: {  	v56 =	vand.u32 v12, v16;
	v57 =	vand.u32 v5, v17;
	v55 =	vor.u32 v53, v54;
	[tilespmem:s18+$0xFFFFFF30] =	vst v52  }
0xbd: {  	v59 =	vand.u32 v13, v16;
	v60 =	vand.u32 v6, v17;
	v58 =	vor.u32 v56, v57;
	[tilespmem:s18+$0xFFFFFFB0] =	vst v55  }
0xbe: {  	v62 =	vand.u32 v14, v16;
	v63 =	vand.u32 v8, v17;
	v61 =	vor.u32 v59, v60;
	[tilespmem:s18+$0x30] =	vst v58  }
0xbf: {  	v16 =	vand.u32 v15, v16;
	v17 =	vand.u32 v9, v17;
	v24 =	vor.u32 v62, v63;
	[tilespmem:s18+$0xB0] =	vst v61  }
0xc0: {  	v16 =	vor.u32 v16, v17;
	[tilespmem:s18+$0x130] =	vst v24  }
0xc1: {  	[tilespmem:s18+$0x1B0] =	vst v16  }
0xc2: {  	v16 =	vld [tilespmem:s19+$0xFFFFFFC0]  }
0xc3: {  	v17 =	vld [tilespmem:s19+$0x40];
	_ =	sdelay $0x4  }
0xc4: {  	v25 =	vand.u32 v4, v16;
	v26 =	vand.u32 v0, v17  }
0xc5: {  	v27 =	vand.u32 v7, v16;
	v28 =	vand.u32 v1, v17;
	v18 =	vor.u32 v25, v26  }
0xc6: {  	v30 =	vand.u32 v10, v16;
	v31 =	vand.u32 v2, v17;
	v29 =	vor.u32 v27, v28;
	[tilespmem:s18+$0xFFFFFE40] =	vst v18  }
0xc7: {  	v33 =	vand.u32 v11, v16;
	v34 =	vand.u32 v3, v17;
	v32 =	vor.u32 v30, v31;
	[tilespmem:s18+$0xFFFFFEC0] =	vst v29  }
0xc8: {  	v36 =	vand.u32 v12, v16;
	v37 =	vand.u32 v5, v17;
	v35 =	vor.u32 v33, v34;
	[tilespmem:s18+$0xFFFFFF40] =	vst v32  }
0xc9: {  	v39 =	vand.u32 v13, v16;
	v40 =	vand.u32 v6, v17;
	v38 =	vor.u32 v36, v37;
	[tilespmem:s18+$0xFFFFFFC0] =	vst v35  }
0xca: {  	v42 =	vand.u32 v14, v16;
	v43 =	vand.u32 v8, v17;
	v41 =	vor.u32 v39, v40;
	[tilespmem:s18+$0x40] =	vst v38  }
0xcb: {  	v16 =	vand.u32 v15, v16;
	v17 =	vand.u32 v9, v17;
	v44 =	vor.u32 v42, v43;
	[tilespmem:s18+$0xC0] =	vst v41  }
0xcc: {  	v16 =	vor.u32 v16, v17;
	[tilespmem:s18+$0x140] =	vst v44  }
0xcd: {  	[tilespmem:s18+$0x1C0] =	vst v16  }
0xce: {  	v16 =	vld [tilespmem:s19+$0xFFFFFFD0]  }
0xcf: {  	v17 =	vld [tilespmem:s19+$0x50];
	_ =	sdelay $0x4  }
0xd0: {  	v45 =	vand.u32 v4, v16;
	v46 =	vand.u32 v0, v17  }
0xd1: {  	v47 =	vand.u32 v7, v16;
	v48 =	vand.u32 v1, v17;
	v18 =	vor.u32 v45, v46  }
0xd2: {  	v50 =	vand.u32 v10, v16;
	v51 =	vand.u32 v2, v17;
	v49 =	vor.u32 v47, v48;
	[tilespmem:s18+$0xFFFFFE50] =	vst v18  }
0xd3: {  	v53 =	vand.u32 v11, v16;
	v54 =	vand.u32 v3, v17;
	v52 =	vor.u32 v50, v51;
	[tilespmem:s18+$0xFFFFFED0] =	vst v49  }
0xd4: {  	v56 =	vand.u32 v12, v16;
	v57 =	vand.u32 v5, v17;
	v55 =	vor.u32 v53, v54;
	[tilespmem:s18+$0xFFFFFF50] =	vst v52  }
0xd5: {  	v59 =	vand.u32 v13, v16;
	v60 =	vand.u32 v6, v17;
	v58 =	vor.u32 v56, v57;
	[tilespmem:s18+$0xFFFFFFD0] =	vst v55  }
0xd6: {  	v62 =	vand.u32 v14, v16;
	v63 =	vand.u32 v8, v17;
	v61 =	vor.u32 v59, v60;
	[tilespmem:s18+$0x50] =	vst v58  }
0xd7: {  	v16 =	vand.u32 v15, v16;
	v17 =	vand.u32 v9, v17;
	v23 =	vor.u32 v62, v63;
	[tilespmem:s18+$0xD0] =	vst v61  }
0xd8: {  	v16 =	vor.u32 v16, v17;
	[tilespmem:s18+$0x150] =	vst v23  }
0xd9: {  	[tilespmem:s18+$0x1D0] =	vst v16  }
0xda: {  	v16 =	vld [tilespmem:s19+$0xFFFFFFE0]  }
0xdb: {  	v17 =	vld [tilespmem:s19+$0x60];
	_ =	sdelay $0x4  }
0xdc: {  	v24 =	vand.u32 v4, v16;
	v25 =	vand.u32 v0, v17  }
0xdd: {  	v26 =	vand.u32 v7, v16;
	v27 =	vand.u32 v1, v17;
	v18 =	vor.u32 v24, v25  }
0xde: {  	v29 =	vand.u32 v10, v16;
	v30 =	vand.u32 v2, v17;
	v28 =	vor.u32 v26, v27;
	[tilespmem:s18+$0xFFFFFE60] =	vst v18  }
0xdf: {  	v32 =	vand.u32 v11, v16;
	v33 =	vand.u32 v3, v17;
	v31 =	vor.u32 v29, v30;
	[tilespmem:s18+$0xFFFFFEE0] =	vst v28  }
0xe0: {  	v35 =	vand.u32 v12, v16;
	v36 =	vand.u32 v5, v17;
	v34 =	vor.u32 v32, v33;
	[tilespmem:s18+$0xFFFFFF60] =	vst v31  }
0xe1: {  	v38 =	vand.u32 v13, v16;
	v39 =	vand.u32 v6, v17;
	v37 =	vor.u32 v35, v36;
	[tilespmem:s18+$0xFFFFFFE0] =	vst v34  }
0xe2: {  	v41 =	vand.u32 v14, v16;
	v42 =	vand.u32 v8, v17;
	v40 =	vor.u32 v38, v39;
	[tilespmem:s18+$0x60] =	vst v37  }
0xe3: {  	v16 =	vand.u32 v15, v16;
	v17 =	vand.u32 v9, v17;
	v43 =	vor.u32 v41, v42;
	[tilespmem:s18+$0xE0] =	vst v40  }
0xe4: {  	v16 =	vor.u32 v16, v17;
	[tilespmem:s18+$0x160] =	vst v43  }
0xe5: {  	[tilespmem:s18+$0x1E0] =	vst v16  }
0xe6: {  	v16 =	vld [tilespmem:s19+$0xFFFFFFF0]  }
0xe7: {  	v17 =	vld [tilespmem:s19+$0x70];
	_ =	sdelay $0x4  }
0xe8: {  	v44 =	vand.u32 v4, v16;
	v45 =	vand.u32 v0, v17  }
0xe9: {  	v46 =	vand.u32 v7, v16;
	v47 =	vand.u32 v1, v17;
	v18 =	vor.u32 v44, v45  }
0xea: {  	v49 =	vand.u32 v10, v16;
	v50 =	vand.u32 v2, v17;
	v48 =	vor.u32 v46, v47;
	[tilespmem:s18+$0xFFFFFE70] =	vst v18  }
0xeb: {  	s17 =	sadd.s32 $0x8, s17;
	v52 =	vand.u32 v11, v16;
	v53 =	vand.u32 v3, v17;
	v51 =	vor.u32 v49, v50;
	[tilespmem:s18+$0xFFFFFEF0] =	vst v48  }
0xec: {  	p0 =	slt.u32 s17, $0xF8;
	v55 =	vand.u32 v12, v16;
	v56 =	vand.u32 v5, v17;
	v54 =	vor.u32 v52, v53;
	[tilespmem:s18+$0xFFFFFF70] =	vst v51  }
.Ltmp1:
0xed: {  	v58 =	vand.u32 v13, v16;
	v59 =	vand.u32 v6, v17;
	v57 =	vor.u32 v55, v56;
	[tilespmem:s18+$0xFFFFFFF0] =	vst v54;
	(pc) =	sbr.rel @p0 .LBB2_5-.Ltmp1, $4  }
0xee: {  	v61 =	vand.u32 v14, v16;
	v62 =	vand.u32 v8, v17;
	v60 =	vor.u32 v58, v59;
	[tilespmem:s18+$0x70] =	vst v57  }
0xef: {  	v16 =	vand.u32 v15, v16;
	v17 =	vand.u32 v9, v17;
	v63 =	vor.u32 v61, v62;
	[tilespmem:s18+$0xF0] =	vst v60  }
0xf0: {  	v16 =	vor.u32 v16, v17;
	[tilespmem:s18+$0x170] =	vst v63  }
0xf1: {  	s19 =	sadd.s32 $0x100, s19;
	[tilespmem:s18+$0x1F0] =	vst v16;
	s18 =	sadd.s32 $0x400, s18  }
0xf2: {  	s15 =	sadd.s32 $0x1, s15  }
0xf3: {  	p0 =	sne.s32 s15, $0x40  }
.Ltmp2:
0xf4: {  	_ = 	snop;
	(pc) =	sbr.rel @p0 .LBB2_2-.Ltmp2, $4  }
0xf5: {  	s16 =	sadd.s32 s5, s16  }
0xf6: {  	s16 =	sshll.u32 s16, $0x9  }
0xf7: {  	s16 =	sadd.s32 s3, s16  }
0xf8: {  	[hbm4b:s16+s4] =	stream.linear.scatter [tilespmem:s11], [sflag:$0x2], $0x8000, $0x38;
	[tilespmem:$0x12480] =	vst v63  }
0xf9: {  	s14 =	sadd.s32 $0x1, s14  }
0xfa: {  	_ =	swait.ge [sflag:s12], $0x8000;
	p0 =	sne.s32 s14, s7  }
.Ltmp3:
0xfb: {  	[sflag:s12] =	ssyncset.done $0x0;
	(pc) =	sbr.rel @p0 .LBB2_1-.Ltmp3, $4  }
0xfc: {  	[sflag:s12] =	ssyncadd.s32 $0xFFFF8000  }
0xfd: {  	_ =	swait.ge [sflag:s13], $0x8000  }
0xfe: {  	[sflag:s13] =	ssyncset.done $0x0  }
0xff: {  	[sflag:s13] =	ssyncadd.s32 $0xFFFF8000  }
0x100: {  	_ =	sfence.sel $0x180000  }
0x101: {  	[bflag:$0x0] =	sbarrier.arrive $0xFFFF  }
0x102: {  	p0 =	sne.s32 s1, $0x0;
	_ =	strace $0x90000047  }
0x103: {  	s0 =	sadd.s32 @!p0 $0x100000, s0;
	[bflag:$0x2] =	sbarrier.arrive $0xFFFF  }
0x104: {  	[sflag:s0] =	ssyncadd.tile.s32 @!p0 $0x1;
	_ =	shalt  }
.Lfunc_end2:
_tile_overlayer_lowered:
.L_overlay_start_2:
0x105: {  	(tag) =	ssettag $0x2  }
0x106: {  	s0 =	rddreg [dreg:$0x0];
	s2 =	stileid.u32  }
0x107: {  	s1 =	rddreg [dreg:$0x1];
	p0 =	sne.s32 s2, $0x0  }
0x108: {  	s3 =	rddreg [dreg:$0x2];
	[bflag:$0x3] =	sbarrier.arrive $0xFFFF;
	s2 =	simm.s32 @!p0 $0x1C03  }
0x109: {  	[timem:s3], [sflag:s2] =	dma.local @!p0 [hbm:s0], s1  }
0x10a: {  	s0 =	simm.s32 @!p0 $0x3  }
0x10b: {  	_ =	swait.ge @!p0 [sflag:s0], s1  }
0x10c: {  	s1 =	ssub.s32 @!p0 $0x0, s1;
	[sflag:s0] =	ssyncset.done @!p0 $0x0  }
0x10d: {  	[sflag:s0] =	ssyncadd.s32 @!p0 s1  }
0x10e: {  	[bflag:$0x3] =	sbarrier.arrive $0xFFFF  }
0x10f: {  	_ =	shalt  }

</sc_bundles>
